<compile_context>
chip_gen: v7x
topology: tpu7x:2x2x1
jax: 0.10.2.dev20260603
libtpu: 0.0.44.dev20260713+nightly
codegen_flags: <defaults>
</compile_context>

<pallas_src>
import functools

import jax
import jax.numpy as jnp
from jax import lax
from jax.experimental import pallas as pl
from jax.experimental.pallas import tpu as pltpu
from jax.experimental.pallas import tpu_sc as plsc

_LANES = 16


@functools.lru_cache(maxsize=None)
def _make_sample_kernel(M, D, B):
    info = plsc.get_sparse_core_info()
    num_cores = info.num_cores
    num_subcores = info.num_subcores
    nw = num_cores * num_subcores
    b_per_w = B // nw
    assert b_per_w * nw == B and b_per_w % _LANES == 0
    n_grp = b_per_w // _LANES

    mesh = plsc.VectorSubcoreMesh(core_axis_name="c", subcore_axis_name="s")

    @functools.partial(
        pl.kernel,
        mesh=mesh,
        compiler_params=pltpu.CompilerParams(
            needs_layout_passes=False,
            skip_device_barrier=True,
            disable_bounds_checks=True,
            disable_semaphore_checks=True,
        ),
        out_type=(
            jax.ShapeDtypeStruct((B, D), jnp.float32),
            jax.ShapeDtypeStruct((B,), jnp.int32),
            jax.ShapeDtypeStruct((B,), jnp.float32),
            jax.ShapeDtypeStruct((B, D), jnp.float32),
            jax.ShapeDtypeStruct((B,), jnp.int32),
        ),
        scratch_types=[
            pltpu.VMEM((b_per_w,), jnp.int32),
            pltpu.VMEM((b_per_w, D), jnp.float32),
            pltpu.VMEM((b_per_w, D), jnp.float32),
            pltpu.VMEM((b_per_w, 128), jnp.int32),
            pltpu.VMEM((b_per_w, 128), jnp.float32),
            pltpu.VMEM((b_per_w, 128), jnp.int32),
            pltpu.VMEM((b_per_w,), jnp.int32),
            pltpu.VMEM((b_per_w,), jnp.float32),
            pltpu.VMEM((b_per_w,), jnp.int32),
            pltpu.SemaphoreType.DMA,
            pltpu.SemaphoreType.DMA,
            pltpu.SemaphoreType.DMA((8,)),
        ],
    )
    def sample_kernel(
        s_hbm, a_hbm, r_hbm, sn_hbm, dw_hbm, idx_hbm,
        s_out, a_out, r_out, sn_out, dw_out,
        idx_v, s_v, sn_v, a_win, r_win, dw_win,
        a_out_v, r_out_v, dw_out_v,
        sem_s, sem_sn, sem_w,
    ):
        wid = lax.axis_index("s") * num_cores + lax.axis_index("c")
        base = wid * b_per_w
        sl = pl.ds(base, b_per_w)

        pltpu.sync_copy(idx_hbm.at[sl], idx_v)

        def issue(g, carry):
            gbase = pl.multiple_of(g * _LANES, _LANES)
            v = idx_v[pl.ds(gbase, _LANES)]
            sem = sem_w.at[g]
            for l in range(_LANES):
                e = pl.multiple_of((v[l] >> 7) << 7, 128)
                jl = pl.ds(gbase + l, 1)
                pltpu.async_copy(a_hbm.at[:, pl.ds(e, 128)], a_win.at[jl, :], sem)
                pltpu.async_copy(r_hbm.at[:, pl.ds(e, 128)], r_win.at[jl, :], sem)
                pltpu.async_copy(dw_hbm.at[:, pl.ds(e, 128)], dw_win.at[jl, :], sem)
            return carry

        lax.fori_loop(0, n_grp, issue, 0)

        cp_s = pltpu.async_copy(s_hbm.at[idx_v], s_v, sem_s)
        cp_sn = pltpu.async_copy(sn_hbm.at[idx_v], sn_v, sem_sn)

        def extract(g, carry):
            gbase = pl.multiple_of(g * _LANES, _LANES)
            gs = pl.ds(gbase, _LANES)
            sem = sem_w.at[g]
            for l in range(_LANES):
                jl = pl.ds(gbase + l, 1)
                pltpu.make_async_copy(a_hbm.at[:, pl.ds(0, 128)], a_win.at[jl, :], sem).wait()
                pltpu.make_async_copy(r_hbm.at[:, pl.ds(0, 128)], r_win.at[jl, :], sem).wait()
                pltpu.make_async_copy(dw_hbm.at[:, pl.ds(0, 128)], dw_win.at[jl, :], sem).wait()
            rows = lax.iota(jnp.int32, _LANES) + gbase
            cols = idx_v[gs] & 127
            a_out_v[gs] = plsc.load_gather(a_win, [rows, cols])
            r_out_v[gs] = plsc.load_gather(r_win, [rows, cols])
            dw_out_v[gs] = plsc.load_gather(dw_win, [rows, cols])
            return carry

        lax.fori_loop(0, n_grp, extract, 0)

        pltpu.sync_copy(a_out_v, a_out.at[sl])
        pltpu.sync_copy(r_out_v, r_out.at[sl])
        pltpu.sync_copy(dw_out_v, dw_out.at[sl])

        cp_s.wait()
        pltpu.sync_copy(s_v, s_out.at[sl])
        cp_sn.wait()
        pltpu.sync_copy(sn_v, sn_out.at[sl])

    return sample_kernel


def kernel(s_buf, a_buf, r_buf, s_next_buf, dw_buf, ind):
    M, D = s_buf.shape
    B = ind.shape[0]
    fn = _make_sample_kernel(M, D, B)
    s, a, r, s_next, dw = fn(
        s_buf, a_buf.T, r_buf.T, s_next_buf, dw_buf.T, ind
    )
    return (s, a.reshape(B, 1), r.reshape(B, 1), s_next, dw.reshape(B, 1))

# --- scband reference (transcript-rebuilt; emitter-appended) ---
"""Pipeline reference for scband-replay-buffer-60722247631260 (READ-ONLY COPY).

The authoritative reference and input builder live on the scoring server;
editing this copy changes nothing except your own understanding.
"""

import jax, jax.numpy as jnp
import numpy as np

M = 1000000
D = 128
B = 4096

def setup_inputs(seed: int = 0) -> dict:
    key = jax.random.key(seed)
    ks = jax.random.split(key, 6)
    return {
        "s_buf": jax.random.normal(ks[0], (M, D), dtype=jnp.float32),
        "a_buf": jax.random.randint(ks[1], (M, 1), 0, 18).astype(jnp.int32),
        "r_buf": jax.random.normal(ks[2], (M, 1), dtype=jnp.float32),
        "s_next_buf": jax.random.normal(ks[3], (M, D), dtype=jnp.float32),
        "dw_buf": jax.random.randint(ks[4], (M, 1), 0, 2).astype(jnp.int32),
        "ind": jax.random.randint(ks[5], (B,), 1, M).astype(jnp.int32),
    }

def reference(s_buf, a_buf, r_buf, s_next_buf, dw_buf, ind):
    # Faithful translation of ReplayBuffer.sample(batch_size):
    # ind = randint(1, size, (batch,)) is materialized in setup_inputs (ind);
    # each returned tensor is a row-gather (`buf[ind].clone()`).
    s = jnp.take(s_buf, ind, axis=0)
    a = jnp.take(a_buf, ind, axis=0)
    r = jnp.take(r_buf, ind, axis=0)
    s_next = jnp.take(s_next_buf, ind, axis=0)
    dw = jnp.take(dw_buf, ind, axis=0)
    return (s, a, r, s_next, dw)

if __name__ == "__main__":
    import jax
    _d = setup_inputs()
    print(jax.jit(kernel)(*tuple(_d.values())))

</pallas_src>

<mosaic_0001>
#map = affine_map<(d0, d1) -> (0, 0)>
#map1 = affine_map<(d0, d1) -> (0)>
module attributes {stable_mosaic.version = 14 : i64} {
  func.func @sample_kernel(%arg0: i32, %arg1: i32, %arg2: memref<1000000x128xf32, #tpu.memory_space<hbm>>, %arg3: memref<1x1000000xi32, #tpu.memory_space<hbm>>, %arg4: memref<1x1000000xf32, #tpu.memory_space<hbm>>, %arg5: memref<1000000x128xf32, #tpu.memory_space<hbm>>, %arg6: memref<1x1000000xi32, #tpu.memory_space<hbm>>, %arg7: memref<4096xi32, #tpu.memory_space<hbm>>, %arg8: memref<4096x128xf32, #tpu.memory_space<hbm>>, %arg9: memref<4096xi32, #tpu.memory_space<hbm>>, %arg10: memref<4096xf32, #tpu.memory_space<hbm>>, %arg11: memref<4096x128xf32, #tpu.memory_space<hbm>>, %arg12: memref<4096xi32, #tpu.memory_space<hbm>>, %arg13: memref<128xi32, #tpu.memory_space<vmem>>, %arg14: memref<128x128xf32, #tpu.memory_space<vmem>>, %arg15: memref<128x128xf32, #tpu.memory_space<vmem>>, %arg16: memref<128x128xi32, #tpu.memory_space<vmem>>, %arg17: memref<128x128xf32, #tpu.memory_space<vmem>>, %arg18: memref<128x128xi32, #tpu.memory_space<vmem>>, %arg19: memref<128xi32, #tpu.memory_space<vmem>>, %arg20: memref<128xf32, #tpu.memory_space<vmem>>, %arg21: memref<128xi32, #tpu.memory_space<vmem>>, %arg22: memref<!tpu.dma_semaphore, #tpu.memory_space<semaphore_mem>>, %arg23: memref<!tpu.dma_semaphore, #tpu.memory_space<semaphore_mem>>, %arg24: memref<8x!tpu.dma_semaphore, #tpu.memory_space<semaphore_mem>>) attributes {dimension_semantics = [#tpu.dimension_semantics<core_parallel>, #tpu.dimension_semantics<subcore_parallel>], iteration_bounds = array<i64: 2, 16>, scalar_prefetch = 0 : i64, scratch_operands = 12 : i64, tpu.core_type = #tpu.core_type<sc_vector_subcore>, window_params = [{transform_indices = #map}, {transform_indices = #map}, {transform_indices = #map}, {transform_indices = #map}, {transform_indices = #map}, {transform_indices = #map1}, {transform_indices = #map}, {transform_indices = #map1}, {transform_indices = #map1}, {transform_indices = #map}, {transform_indices = #map1}]} {
    %mul3A = arith.constant 2 : i32
    %mul3A_0 = arith.muli %arg1, %mul3A : i32
    %add3A = arith.addi %mul3A_0, %arg0 : i32
    %mul3A_1 = arith.constant 128 : i32
    %mul3A_2 = arith.muli %add3A, %mul3A_1 : i32
    "tpu.region"() ({
      %run_scoped3A = tpu.sem_alloc : memref<!tpu.dma_semaphore, #tpu.memory_space<semaphore_mem>>
      %dma_start3A_24 = tpu.memref_slice %arg7[%mul3A_2] : memref<4096xi32, #tpu.memory_space<hbm>> -> memref<128xi32, #tpu.memory_space<hbm>>
      %dma_start3A_25 = tpu.memref_slice %arg7[%mul3A_2] : memref<4096xi32, #tpu.memory_space<hbm>> -> memref<128xi32, #tpu.memory_space<hbm>>
      tpu.enqueue_dma source(%dma_start3A_25 : memref<128xi32, #tpu.memory_space<hbm>>) target(%arg13 : memref<128xi32, #tpu.memory_space<vmem>>) target_semaphore(%run_scoped3A : memref<!tpu.dma_semaphore, #tpu.memory_space<semaphore_mem>>)
      %dma_wait3A_26 = tpu.memref_slice %arg7[%mul3A_2] : memref<4096xi32, #tpu.memory_space<hbm>> -> memref<128xi32, #tpu.memory_space<hbm>>
      %dma_wait3A_27 = tpu.memref_slice %arg7[%mul3A_2] : memref<4096xi32, #tpu.memory_space<hbm>> -> memref<128xi32, #tpu.memory_space<hbm>>
      tpu.wait_dma2 semaphore(%run_scoped3A : memref<!tpu.dma_semaphore, #tpu.memory_space<semaphore_mem>>) src(%dma_wait3A_27 : memref<128xi32, #tpu.memory_space<hbm>>) dst(%arg13 : memref<128xi32, #tpu.memory_space<vmem>>)
      tpu.yield
    }) : () -> ()
    %scan3A = arith.constant 0 : i32
    %scan3A_3 = arith.constant 0 : i32
    %scan3A_4 = arith.constant 8 : i32
    %scan3A_5 = arith.addi %scan3A_3, %scan3A_4 : i32
    %scan3A_6 = arith.constant 1 : i32
    scf.for %scan3A_24 = %scan3A_3 to %scan3A_5 step %scan3A_6  : i32 {
      %mul3A_25 = arith.constant 16 : i32
      %mul3A_26 = arith.muli %scan3A_24, %mul3A_25 : i32
      %multiple_of3A = tpu.assume_multiple %mul3A_26, 16 : i32
      %get3A = arith.index_cast %multiple_of3A : i32 to index
      %get3A_27 = tpu.vector_load %arg13[%get3A] {strides = array<i32>} : memref<128xi32, #tpu.memory_space<vmem>>, vector<16xi32>,
      %slice3A = vector.extract_strided_slice %get3A_27 {offsets = [0], sizes = [1], strides = [1]} : vector<16xi32> to vector<1xi32>
      %squeeze3A = vector.extract %slice3A[0] : i32 from vector<1xi32>
      %shift_right_arithmetic3A = arith.constant 7 : i32
      %shift_right_arithmetic3A_28 = arith.shrsi %squeeze3A, %shift_right_arithmetic3A : i32
      %shift_left3A = arith.constant 7 : i32
      %shift_left3A_29 = arith.shli %shift_right_arithmetic3A_28, %shift_left3A : i32
      %multiple_of3A_30 = tpu.assume_multiple %shift_left3A_29, 128 : i32
      %add3A_31 = arith.constant 0 : i32
      %add3A_32 = arith.addi %multiple_of3A, %add3A_31 : i32
      %dma_start3A_33 = arith.constant 0 : i32
      %dma_start3A_34 = tpu.memref_slice %arg16[%add3A_32, %dma_start3A_33] : memref<128x128xi32, #tpu.memory_space<vmem>> -> memref<1x128xi32, #tpu.memory_space<vmem>>
      %dma_start3A_35 = arith.constant 0 : i32
      %dma_start3A_36 = tpu.memref_slice %arg3[%dma_start3A_35, %multiple_of3A_30] : memref<1x1000000xi32, #tpu.memory_space<hbm>> -> memref<1x128xi32, #tpu.memory_space<hbm>>
      %dma_start3A_37 = tpu.memref_slice %arg24[%scan3A_24] : memref<8x!tpu.dma_semaphore, #tpu.memory_space<semaphore_mem>> -> memref<1x!tpu.dma_semaphore, #tpu.memory_space<semaphore_mem>>
      %dma_start3A_38 = tpu.memref_squeeze %dma_start3A_37 : memref<1x!tpu.dma_semaphore, #tpu.memory_space<semaphore_mem>> -> memref<!tpu.dma_semaphore, #tpu.memory_space<semaphore_mem>>
      %dma_start3A_39 = arith.constant 0 : i32
      %dma_start3A_40 = tpu.memref_slice %arg16[%add3A_32, %dma_start3A_39] : memref<128x128xi32, #tpu.memory_space<vmem>> -> memref<1x128xi32, #tpu.memory_space<vmem>>
      %dma_start3A_41 = arith.constant 0 : i32
      %dma_start3A_42 = tpu.memref_slice %arg3[%dma_start3A_41, %multiple_of3A_30] : memref<1x1000000xi32, #tpu.memory_space<hbm>> -> memref<1x128xi32, #tpu.memory_space<hbm>>
      tpu.enqueue_dma source(%dma_start3A_42 : memref<1x128xi32, #tpu.memory_space<hbm>>) target(%dma_start3A_40 : memref<1x128xi32, #tpu.memory_space<vmem>>) target_semaphore(%dma_start3A_38 : memref<!tpu.dma_semaphore, #tpu.memory_space<semaphore_mem>>)
      %dma_start3A_43 = arith.constant 0 : i32
      %dma_start3A_44 = tpu.memref_slice %arg17[%add3A_32, %dma_start3A_43] : memref<128x128xf32, #tpu.memory_space<vmem>> -> memref<1x128xf32, #tpu.memory_space<vmem>>
      %dma_start3A_45 = arith.constant 0 : i32
      %dma_start3A_46 = tpu.memref_slice %arg4[%dma_start3A_45, %multiple_of3A_30] : memref<1x1000000xf32, #tpu.memory_space<hbm>> -> memref<1x128xf32, #tpu.memory_space<hbm>>
      %dma_start3A_47 = tpu.memref_slice %arg24[%scan3A_24] : memref<8x!tpu.dma_semaphore, #tpu.memory_space<semaphore_mem>> -> memref<1x!tpu.dma_semaphore, #tpu.memory_space<semaphore_mem>>
      %dma_start3A_48 = tpu.memref_squeeze %dma_start3A_47 : memref<1x!tpu.dma_semaphore, #tpu.memory_space<semaphore_mem>> -> memref<!tpu.dma_semaphore, #tpu.memory_space<semaphore_mem>>
      %dma_start3A_49 = arith.constant 0 : i32
      %dma_start3A_50 = tpu.memref_slice %arg17[%add3A_32, %dma_start3A_49] : memref<128x128xf32, #tpu.memory_space<vmem>> -> memref<1x128xf32, #tpu.memory_space<vmem>>
      %dma_start3A_51 = arith.constant 0 : i32
      %dma_start3A_52 = tpu.memref_slice %arg4[%dma_start3A_51, %multiple_of3A_30] : memref<1x1000000xf32, #tpu.memory_space<hbm>> -> memref<1x128xf32, #tpu.memory_space<hbm>>
      tpu.enqueue_dma source(%dma_start3A_52 : memref<1x128xf32, #tpu.memory_space<hbm>>) target(%dma_start3A_50 : memref<1x128xf32, #tpu.memory_space<vmem>>) target_semaphore(%dma_start3A_48 : memref<!tpu.dma_semaphore, #tpu.memory_space<semaphore_mem>>)
      %dma_start3A_53 = arith.constant 0 : i32
      %dma_start3A_54 = tpu.memref_slice %arg18[%add3A_32, %dma_start3A_53] : memref<128x128xi32, #tpu.memory_space<vmem>> -> memref<1x128xi32, #tpu.memory_space<vmem>>
      %dma_start3A_55 = arith.constant 0 : i32
      %dma_start3A_56 = tpu.memref_slice %arg6[%dma_start3A_55, %multiple_of3A_30] : memref<1x1000000xi32, #tpu.memory_space<hbm>> -> memref<1x128xi32, #tpu.memory_space<hbm>>
      %dma_start3A_57 = tpu.memref_slice %arg24[%scan3A_24] : memref<8x!tpu.dma_semaphore, #tpu.memory_space<semaphore_mem>> -> memref<1x!tpu.dma_semaphore, #tpu.memory_space<semaphore_mem>>
      %dma_start3A_58 = tpu.memref_squeeze %dma_start3A_57 : memref<1x!tpu.dma_semaphore, #tpu.memory_space<semaphore_mem>> -> memref<!tpu.dma_semaphore, #tpu.memory_space<semaphore_mem>>
      %dma_start3A_59 = arith.constant 0 : i32
      %dma_start3A_60 = tpu.memref_slice %arg18[%add3A_32, %dma_start3A_59] : memref<128x128xi32, #tpu.memory_space<vmem>> -> memref<1x128xi32, #tpu.memory_space<vmem>>
      %dma_start3A_61 = arith.constant 0 : i32
      %dma_start3A_62 = tpu.memref_slice %arg6[%dma_start3A_61, %multiple_of3A_30] : memref<1x1000000xi32, #tpu.memory_space<hbm>> -> memref<1x128xi32, #tpu.memory_space<hbm>>
      tpu.enqueue_dma source(%dma_start3A_62 : memref<1x128xi32, #tpu.memory_space<hbm>>) target(%dma_start3A_60 : memref<1x128xi32, #tpu.memory_space<vmem>>) target_semaphore(%dma_start3A_58 : memref<!tpu.dma_semaphore, #tpu.memory_space<semaphore_mem>>)
      %slice3A_63 = vector.extract_strided_slice %get3A_27 {offsets = [1], sizes = [1], strides = [1]} : vector<16xi32> to vector<1xi32>
      %squeeze3A_64 = vector.extract %slice3A_63[0] : i32 from vector<1xi32>
      %shift_right_arithmetic3A_65 = arith.constant 7 : i32
      %shift_right_arithmetic3A_66 = arith.shrsi %squeeze3A_64, %shift_right_arithmetic3A_65 : i32
      %shift_left3A_67 = arith.constant 7 : i32
      %shift_left3A_68 = arith.shli %shift_right_arithmetic3A_66, %shift_left3A_67 : i32
      %multiple_of3A_69 = tpu.assume_multiple %shift_left3A_68, 128 : i32
      %add3A_70 = arith.constant 1 : i32
      %add3A_71 = arith.addi %multiple_of3A, %add3A_70 : i32
      %dma_start3A_72 = arith.constant 0 : i32
      %dma_start3A_73 = tpu.memref_slice %arg16[%add3A_71, %dma_start3A_72] : memref<128x128xi32, #tpu.memory_space<vmem>> -> memref<1x128xi32, #tpu.memory_space<vmem>>
      %dma_start3A_74 = arith.constant 0 : i32
      %dma_start3A_75 = tpu.memref_slice %arg3[%dma_start3A_74, %multiple_of3A_69] : memref<1x1000000xi32, #tpu.memory_space<hbm>> -> memref<1x128xi32, #tpu.memory_space<hbm>>
      %dma_start3A_76 = tpu.memref_slice %arg24[%scan3A_24] : memref<8x!tpu.dma_semaphore, #tpu.memory_space<semaphore_mem>> -> memref<1x!tpu.dma_semaphore, #tpu.memory_space<semaphore_mem>>
      %dma_start3A_77 = tpu.memref_squeeze %dma_start3A_76 : memref<1x!tpu.dma_semaphore, #tpu.memory_space<semaphore_mem>> -> memref<!tpu.dma_semaphore, #tpu.memory_space<semaphore_mem>>
      %dma_start3A_78 = arith.constant 0 : i32
      %dma_start3A_79 = tpu.memref_slice %arg16[%add3A_71, %dma_start3A_78] : memref<128x128xi32, #tpu.memory_space<vmem>> -> memref<1x128xi32, #tpu.memory_space<vmem>>
      %dma_start3A_80 = arith.constant 0 : i32
      %dma_start3A_81 = tpu.memref_slice %arg3[%dma_start3A_80, %multiple_of3A_69] : memref<1x1000000xi32, #tpu.memory_space<hbm>> -> memref<1x128xi32, #tpu.memory_space<hbm>>
      tpu.enqueue_dma source(%dma_start3A_81 : memref<1x128xi32, #tpu.memory_space<hbm>>) target(%dma_start3A_79 : memref<1x128xi32, #tpu.memory_space<vmem>>) target_semaphore(%dma_start3A_77 : memref<!tpu.dma_semaphore, #tpu.memory_space<semaphore_mem>>)
      %dma_start3A_82 = arith.constant 0 : i32
      %dma_start3A_83 = tpu.memref_slice %arg17[%add3A_71, %dma_start3A_82] : memref<128x128xf32, #tpu.memory_space<vmem>> -> memref<1x128xf32, #tpu.memory_space<vmem>>
      %dma_start3A_84 = arith.constant 0 : i32
      %dma_start3A_85 = tpu.memref_slice %arg4[%dma_start3A_84, %multiple_of3A_69] : memref<1x1000000xf32, #tpu.memory_space<hbm>> -> memref<1x128xf32, #tpu.memory_space<hbm>>
      %dma_start3A_86 = tpu.memref_slice %arg24[%scan3A_24] : memref<8x!tpu.dma_semaphore, #tpu.memory_space<semaphore_mem>> -> memref<1x!tpu.dma_semaphore, #tpu.memory_space<semaphore_mem>>
      %dma_start3A_87 = tpu.memref_squeeze %dma_start3A_86 : memref<1x!tpu.dma_semaphore, #tpu.memory_space<semaphore_mem>> -> memref<!tpu.dma_semaphore, #tpu.memory_space<semaphore_mem>>
      %dma_start3A_88 = arith.constant 0 : i32
      %dma_start3A_89 = tpu.memref_slice %arg17[%add3A_71, %dma_start3A_88] : memref<128x128xf32, #tpu.memory_space<vmem>> -> memref<1x128xf32, #tpu.memory_space<vmem>>
      %dma_start3A_90 = arith.constant 0 : i32
      %dma_start3A_91 = tpu.memref_slice %arg4[%dma_start3A_90, %multiple_of3A_69] : memref<1x1000000xf32, #tpu.memory_space<hbm>> -> memref<1x128xf32, #tpu.memory_space<hbm>>
      tpu.enqueue_dma source(%dma_start3A_91 : memref<1x128xf32, #tpu.memory_space<hbm>>) target(%dma_start3A_89 : memref<1x128xf32, #tpu.memory_space<vmem>>) target_semaphore(%dma_start3A_87 : memref<!tpu.dma_semaphore, #tpu.memory_space<semaphore_mem>>)
      %dma_start3A_92 = arith.constant 0 : i32
      %dma_start3A_93 = tpu.memref_slice %arg18[%add3A_71, %dma_start3A_92] : memref<128x128xi32, #tpu.memory_space<vmem>> -> memref<1x128xi32, #tpu.memory_space<vmem>>
      %dma_start3A_94 = arith.constant 0 : i32
      %dma_start3A_95 = tpu.memref_slice %arg6[%dma_start3A_94, %multiple_of3A_69] : memref<1x1000000xi32, #tpu.memory_space<hbm>> -> memref<1x128xi32, #tpu.memory_space<hbm>>
      %dma_start3A_96 = tpu.memref_slice %arg24[%scan3A_24] : memref<8x!tpu.dma_semaphore, #tpu.memory_space<semaphore_mem>> -> memref<1x!tpu.dma_semaphore, #tpu.memory_space<semaphore_mem>>
      %dma_start3A_97 = tpu.memref_squeeze %dma_start3A_96 : memref<1x!tpu.dma_semaphore, #tpu.memory_space<semaphore_mem>> -> memref<!tpu.dma_semaphore, #tpu.memory_space<semaphore_mem>>
      %dma_start3A_98 = arith.constant 0 : i32
      %dma_start3A_99 = tpu.memref_slice %arg18[%add3A_71, %dma_start3A_98] : memref<128x128xi32, #tpu.memory_space<vmem>> -> memref<1x128xi32, #tpu.memory_space<vmem>>
      %dma_start3A_100 = arith.constant 0 : i32
      %dma_start3A_101 = tpu.memref_slice %arg6[%dma_start3A_100, %multiple_of3A_69] : memref<1x1000000xi32, #tpu.memory_space<hbm>> -> memref<1x128xi32, #tpu.memory_space<hbm>>
      tpu.enqueue_dma source(%dma_start3A_101 : memref<1x128xi32, #tpu.memory_space<hbm>>) target(%dma_start3A_99 : memref<1x128xi32, #tpu.memory_space<vmem>>) target_semaphore(%dma_start3A_97 : memref<!tpu.dma_semaphore, #tpu.memory_space<semaphore_mem>>)
      %slice3A_102 = vector.extract_strided_slice %get3A_27 {offsets = [2], sizes = [1], strides = [1]} : vector<16xi32> to vector<1xi32>
      %squeeze3A_103 = vector.extract %slice3A_102[0] : i32 from vector<1xi32>
      %shift_right_arithmetic3A_104 = arith.constant 7 : i32
      %shift_right_arithmetic3A_105 = arith.shrsi %squeeze3A_103, %shift_right_arithmetic3A_104 : i32
      %shift_left3A_106 = arith.constant 7 : i32
      %shift_left3A_107 = arith.shli %shift_right_arithmetic3A_105, %shift_left3A_106 : i32
      %multiple_of3A_108 = tpu.assume_multiple %shift_left3A_107, 128 : i32
      %add3A_109 = arith.constant 2 : i32
      %add3A_110 = arith.addi %multiple_of3A, %add3A_109 : i32
      %dma_start3A_111 = arith.constant 0 : i32
      %dma_start3A_112 = tpu.memref_slice %arg16[%add3A_110, %dma_start3A_111] : memref<128x128xi32, #tpu.memory_space<vmem>> -> memref<1x128xi32, #tpu.memory_space<vmem>>
      %dma_start3A_113 = arith.constant 0 : i32
      %dma_start3A_114 = tpu.memref_slice %arg3[%dma_start3A_113, %multiple_of3A_108] : memref<1x1000000xi32, #tpu.memory_space<hbm>> -> memref<1x128xi32, #tpu.memory_space<hbm>>
      %dma_start3A_115 = tpu.memref_slice %arg24[%scan3A_24] : memref<8x!tpu.dma_semaphore, #tpu.memory_space<semaphore_mem>> -> memref<1x!tpu.dma_semaphore, #tpu.memory_space<semaphore_mem>>
      %dma_start3A_116 = tpu.memref_squeeze %dma_start3A_115 : memref<1x!tpu.dma_semaphore, #tpu.memory_space<semaphore_mem>> -> memref<!tpu.dma_semaphore, #tpu.memory_space<semaphore_mem>>
      %dma_start3A_117 = arith.constant 0 : i32
      %dma_start3A_118 = tpu.memref_slice %arg16[%add3A_110, %dma_start3A_117] : memref<128x128xi32, #tpu.memory_space<vmem>> -> memref<1x128xi32, #tpu.memory_space<vmem>>
      %dma_start3A_119 = arith.constant 0 : i32
      %dma_start3A_120 = tpu.memref_slice %arg3[%dma_start3A_119, %multiple_of3A_108] : memref<1x1000000xi32, #tpu.memory_space<hbm>> -> memref<1x128xi32, #tpu.memory_space<hbm>>
      tpu.enqueue_dma source(%dma_start3A_120 : memref<1x128xi32, #tpu.memory_space<hbm>>) target(%dma_start3A_118 : memref<1x128xi32, #tpu.memory_space<vmem>>) target_semaphore(%dma_start3A_116 : memref<!tpu.dma_semaphore, #tpu.memory_space<semaphore_mem>>)
      %dma_start3A_121 = arith.constant 0 : i32
      %dma_start3A_122 = tpu.memref_slice %arg17[%add3A_110, %dma_start3A_121] : memref<128x128xf32, #tpu.memory_space<vmem>> -> memref<1x128xf32, #tpu.memory_space<vmem>>
      %dma_start3A_123 = arith.constant 0 : i32
      %dma_start3A_124 = tpu.memref_slice %arg4[%dma_start3A_123, %multiple_of3A_108] : memref<1x1000000xf32, #tpu.memory_space<hbm>> -> memref<1x128xf32, #tpu.memory_space<hbm>>
      %dma_start3A_125 = tpu.memref_slice %arg24[%scan3A_24] : memref<8x!tpu.dma_semaphore, #tpu.memory_space<semaphore_mem>> -> memref<1x!tpu.dma_semaphore, #tpu.memory_space<semaphore_mem>>
      %dma_start3A_126 = tpu.memref_squeeze %dma_start3A_125 : memref<1x!tpu.dma_semaphore, #tpu.memory_space<semaphore_mem>> -> memref<!tpu.dma_semaphore, #tpu.memory_space<semaphore_mem>>
      %dma_start3A_127 = arith.constant 0 : i32
      %dma_start3A_128 = tpu.memref_slice %arg17[%add3A_110, %dma_start3A_127] : memref<128x128xf32, #tpu.memory_space<vmem>> -> memref<1x128xf32, #tpu.memory_space<vmem>>
      %dma_start3A_129 = arith.constant 0 : i32
      %dma_start3A_130 = tpu.memref_slice %arg4[%dma_start3A_129, %multiple_of3A_108] : memref<1x1000000xf32, #tpu.memory_space<hbm>> -> memref<1x128xf32, #tpu.memory_space<hbm>>
      tpu.enqueue_dma source(%dma_start3A_130 : memref<1x128xf32, #tpu.memory_space<hbm>>) target(%dma_start3A_128 : memref<1x128xf32, #tpu.memory_space<vmem>>) target_semaphore(%dma_start3A_126 : memref<!tpu.dma_semaphore, #tpu.memory_space<semaphore_mem>>)
      %dma_start3A_131 = arith.constant 0 : i32
      %dma_start3A_132 = tpu.memref_slice %arg18[%add3A_110, %dma_start3A_131] : memref<128x128xi32, #tpu.memory_space<vmem>> -> memref<1x128xi32, #tpu.memory_space<vmem>>
      %dma_start3A_133 = arith.constant 0 : i32
      %dma_start3A_134 = tpu.memref_slice %arg6[%dma_start3A_133, %multiple_of3A_108] : memref<1x1000000xi32, #tpu.memory_space<hbm>> -> memref<1x128xi32, #tpu.memory_space<hbm>>
      %dma_start3A_135 = tpu.memref_slice %arg24[%scan3A_24] : memref<8x!tpu.dma_semaphore, #tpu.memory_space<semaphore_mem>> -> memref<1x!tpu.dma_semaphore, #tpu.memory_space<semaphore_mem>>
      %dma_start3A_136 = tpu.memref_squeeze %dma_start3A_135 : memref<1x!tpu.dma_semaphore, #tpu.memory_space<semaphore_mem>> -> memref<!tpu.dma_semaphore, #tpu.memory_space<semaphore_mem>>
      %dma_start3A_137 = arith.constant 0 : i32
      %dma_start3A_138 = tpu.memref_slice %arg18[%add3A_110, %dma_start3A_137] : memref<128x128xi32, #tpu.memory_space<vmem>> -> memref<1x128xi32, #tpu.memory_space<vmem>>
      %dma_start3A_139 = arith.constant 0 : i32
      %dma_start3A_140 = tpu.memref_slice %arg6[%dma_start3A_139, %multiple_of3A_108] : memref<1x1000000xi32, #tpu.memory_space<hbm>> -> memref<1x128xi32, #tpu.memory_space<hbm>>
      tpu.enqueue_dma source(%dma_start3A_140 : memref<1x128xi32, #tpu.memory_space<hbm>>) target(%dma_start3A_138 : memref<1x128xi32, #tpu.memory_space<vmem>>) target_semaphore(%dma_start3A_136 : memref<!tpu.dma_semaphore, #tpu.memory_space<semaphore_mem>>)
      %slice3A_141 = vector.extract_strided_slice %get3A_27 {offsets = [3], sizes = [1], strides = [1]} : vector<16xi32> to vector<1xi32>
      %squeeze3A_142 = vector.extract %slice3A_141[0] : i32 from vector<1xi32>
      %shift_right_arithmetic3A_143 = arith.constant 7 : i32
      %shift_right_arithmetic3A_144 = arith.shrsi %squeeze3A_142, %shift_right_arithmetic3A_143 : i32
      %shift_left3A_145 = arith.constant 7 : i32
      %shift_left3A_146 = arith.shli %shift_right_arithmetic3A_144, %shift_left3A_145 : i32
      %multiple_of3A_147 = tpu.assume_multiple %shift_left3A_146, 128 : i32
      %add3A_148 = arith.constant 3 : i32
      %add3A_149 = arith.addi %multiple_of3A, %add3A_148 : i32
      %dma_start3A_150 = arith.constant 0 : i32
      %dma_start3A_151 = tpu.memref_slice %arg16[%add3A_149, %dma_start3A_150] : memref<128x128xi32, #tpu.memory_space<vmem>> -> memref<1x128xi32, #tpu.memory_space<vmem>>
      %dma_start3A_152 = arith.constant 0 : i32
      %dma_start3A_153 = tpu.memref_slice %arg3[%dma_start3A_152, %multiple_of3A_147] : memref<1x1000000xi32, #tpu.memory_space<hbm>> -> memref<1x128xi32, #tpu.memory_space<hbm>>
      %dma_start3A_154 = tpu.memref_slice %arg24[%scan3A_24] : memref<8x!tpu.dma_semaphore, #tpu.memory_space<semaphore_mem>> -> memref<1x!tpu.dma_semaphore, #tpu.memory_space<semaphore_mem>>
      %dma_start3A_155 = tpu.memref_squeeze %dma_start3A_154 : memref<1x!tpu.dma_semaphore, #tpu.memory_space<semaphore_mem>> -> memref<!tpu.dma_semaphore, #tpu.memory_space<semaphore_mem>>
      %dma_start3A_156 = arith.constant 0 : i32
      %dma_start3A_157 = tpu.memref_slice %arg16[%add3A_149, %dma_start3A_156] : memref<128x128xi32, #tpu.memory_space<vmem>> -> memref<1x128xi32, #tpu.memory_space<vmem>>
      %dma_start3A_158 = arith.constant 0 : i32
      %dma_start3A_159 = tpu.memref_slice %arg3[%dma_start3A_158, %multiple_of3A_147] : memref<1x1000000xi32, #tpu.memory_space<hbm>> -> memref<1x128xi32, #tpu.memory_space<hbm>>
      tpu.enqueue_dma source(%dma_start3A_159 : memref<1x128xi32, #tpu.memory_space<hbm>>) target(%dma_start3A_157 : memref<1x128xi32, #tpu.memory_space<vmem>>) target_semaphore(%dma_start3A_155 : memref<!tpu.dma_semaphore, #tpu.memory_space<semaphore_mem>>)
      %dma_start3A_160 = arith.constant 0 : i32
      %dma_start3A_161 = tpu.memref_slice %arg17[%add3A_149, %dma_start3A_160] : memref<128x128xf32, #tpu.memory_space<vmem>> -> memref<1x128xf32, #tpu.memory_space<vmem>>
      %dma_start3A_162 = arith.constant 0 : i32
      %dma_start3A_163 = tpu.memref_slice %arg4[%dma_start3A_162, %multiple_of3A_147] : memref<1x1000000xf32, #tpu.memory_space<hbm>> -> memref<1x128xf32, #tpu.memory_space<hbm>>
      %dma_start3A_164 = tpu.memref_slice %arg24[%scan3A_24] : memref<8x!tpu.dma_semaphore, #tpu.memory_space<semaphore_mem>> -> memref<1x!tpu.dma_semaphore, #tpu.memory_space<semaphore_mem>>
      %dma_start3A_165 = tpu.memref_squeeze %dma_start3A_164 : memref<1x!tpu.dma_semaphore, #tpu.memory_space<semaphore_mem>> -> memref<!tpu.dma_semaphore, #tpu.memory_space<semaphore_mem>>
      %dma_start3A_166 = arith.constant 0 : i32
      %dma_start3A_167 = tpu.memref_slice %arg17[%add3A_149, %dma_start3A_166] : memref<128x128xf32, #tpu.memory_space<vmem>> -> memref<1x128xf32, #tpu.memory_space<vmem>>
      %dma_start3A_168 = arith.constant 0 : i32
      %dma_start3A_169 = tpu.memref_slice %arg4[%dma_start3A_168, %multiple_of3A_147] : memref<1x1000000xf32, #tpu.memory_space<hbm>> -> memref<1x128xf32, #tpu.memory_space<hbm>>
      tpu.enqueue_dma source(%dma_start3A_169 : memref<1x128xf32, #tpu.memory_space<hbm>>) target(%dma_start3A_167 : memref<1x128xf32, #tpu.memory_space<vmem>>) target_semaphore(%dma_start3A_165 : memref<!tpu.dma_semaphore, #tpu.memory_space<semaphore_mem>>)
      %dma_start3A_170 = arith.constant 0 : i32
      %dma_start3A_171 = tpu.memref_slice %arg18[%add3A_149, %dma_start3A_170] : memref<128x128xi32, #tpu.memory_space<vmem>> -> memref<1x128xi32, #tpu.memory_space<vmem>>
      %dma_start3A_172 = arith.constant 0 : i32
      %dma_start3A_173 = tpu.memref_slice %arg6[%dma_start3A_172, %multiple_of3A_147] : memref<1x1000000xi32, #tpu.memory_space<hbm>> -> memref<1x128xi32, #tpu.memory_space<hbm>>
      %dma_start3A_174 = tpu.memref_slice %arg24[%scan3A_24] : memref<8x!tpu.dma_semaphore, #tpu.memory_space<semaphore_mem>> -> memref<1x!tpu.dma_semaphore, #tpu.memory_space<semaphore_mem>>
      %dma_start3A_175 = tpu.memref_squeeze %dma_start3A_174 : memref<1x!tpu.dma_semaphore, #tpu.memory_space<semaphore_mem>> -> memref<!tpu.dma_semaphore, #tpu.memory_space<semaphore_mem>>
      %dma_start3A_176 = arith.constant 0 : i32
      %dma_start3A_177 = tpu.memref_slice %arg18[%add3A_149, %dma_start3A_176] : memref<128x128xi32, #tpu.memory_space<vmem>> -> memref<1x128xi32, #tpu.memory_space<vmem>>
      %dma_start3A_178 = arith.constant 0 : i32
      %dma_start3A_179 = tpu.memref_slice %arg6[%dma_start3A_178, %multiple_of3A_147] : memref<1x1000000xi32, #tpu.memory_space<hbm>> -> memref<1x128xi32, #tpu.memory_space<hbm>>
      tpu.enqueue_dma source(%dma_start3A_179 : memref<1x128xi32, #tpu.memory_space<hbm>>) target(%dma_start3A_177 : memref<1x128xi32, #tpu.memory_space<vmem>>) target_semaphore(%dma_start3A_175 : memref<!tpu.dma_semaphore, #tpu.memory_space<semaphore_mem>>)
      %slice3A_180 = vector.extract_strided_slice %get3A_27 {offsets = [4], sizes = [1], strides = [1]} : vector<16xi32> to vector<1xi32>
      %squeeze3A_181 = vector.extract %slice3A_180[0] : i32 from vector<1xi32>
      %shift_right_arithmetic3A_182 = arith.constant 7 : i32
      %shift_right_arithmetic3A_183 = arith.shrsi %squeeze3A_181, %shift_right_arithmetic3A_182 : i32
      %shift_left3A_184 = arith.constant 7 : i32
      %shift_left3A_185 = arith.shli %shift_right_arithmetic3A_183, %shift_left3A_184 : i32
      %multiple_of3A_186 = tpu.assume_multiple %shift_left3A_185, 128 : i32
      %add3A_187 = arith.constant 4 : i32
      %add3A_188 = arith.addi %multiple_of3A, %add3A_187 : i32
      %dma_start3A_189 = arith.constant 0 : i32
      %dma_start3A_190 = tpu.memref_slice %arg16[%add3A_188, %dma_start3A_189] : memref<128x128xi32, #tpu.memory_space<vmem>> -> memref<1x128xi32, #tpu.memory_space<vmem>>
      %dma_start3A_191 = arith.constant 0 : i32
      %dma_start3A_192 = tpu.memref_slice %arg3[%dma_start3A_191, %multiple_of3A_186] : memref<1x1000000xi32, #tpu.memory_space<hbm>> -> memref<1x128xi32, #tpu.memory_space<hbm>>
      %dma_start3A_193 = tpu.memref_slice %arg24[%scan3A_24] : memref<8x!tpu.dma_semaphore, #tpu.memory_space<semaphore_mem>> -> memref<1x!tpu.dma_semaphore, #tpu.memory_space<semaphore_mem>>
      %dma_start3A_194 = tpu.memref_squeeze %dma_start3A_193 : memref<1x!tpu.dma_semaphore, #tpu.memory_space<semaphore_mem>> -> memref<!tpu.dma_semaphore, #tpu.memory_space<semaphore_mem>>
      %dma_start3A_195 = arith.constant 0 : i32
      %dma_start3A_196 = tpu.memref_slice %arg16[%add3A_188, %dma_start3A_195] : memref<128x128xi32, #tpu.memory_space<vmem>> -> memref<1x128xi32, #tpu.memory_space<vmem>>
      %dma_start3A_197 = arith.constant 0 : i32
      %dma_start3A_198 = tpu.memref_slice %arg3[%dma_start3A_197, %multiple_of3A_186] : memref<1x1000000xi32, #tpu.memory_space<hbm>> -> memref<1x128xi32, #tpu.memory_space<hbm>>
      tpu.enqueue_dma source(%dma_start3A_198 : memref<1x128xi32, #tpu.memory_space<hbm>>) target(%dma_start3A_196 : memref<1x128xi32, #tpu.memory_space<vmem>>) target_semaphore(%dma_start3A_194 : memref<!tpu.dma_semaphore, #tpu.memory_space<semaphore_mem>>)
      %dma_start3A_199 = arith.constant 0 : i32
      %dma_start3A_200 = tpu.memref_slice %arg17[%add3A_188, %dma_start3A_199] : memref<128x128xf32, #tpu.memory_space<vmem>> -> memref<1x128xf32, #tpu.memory_space<vmem>>
      %dma_start3A_201 = arith.constant 0 : i32
      %dma_start3A_202 = tpu.memref_slice %arg4[%dma_start3A_201, %multiple_of3A_186] : memref<1x1000000xf32, #tpu.memory_space<hbm>> -> memref<1x128xf32, #tpu.memory_space<hbm>>
      %dma_start3A_203 = tpu.memref_slice %arg24[%scan3A_24] : memref<8x!tpu.dma_semaphore, #tpu.memory_space<semaphore_mem>> -> memref<1x!tpu.dma_semaphore, #tpu.memory_space<semaphore_mem>>
      %dma_start3A_204 = tpu.memref_squeeze %dma_start3A_203 : memref<1x!tpu.dma_semaphore, #tpu.memory_space<semaphore_mem>> -> memref<!tpu.dma_semaphore, #tpu.memory_space<semaphore_mem>>
      %dma_start3A_205 = arith.constant 0 : i32
      %dma_start3A_206 = tpu.memref_slice %arg17[%add3A_188, %dma_start3A_205] : memref<128x128xf32, #tpu.memory_space<vmem>> -> memref<1x128xf32, #tpu.memory_space<vmem>>
      %dma_start3A_207 = arith.constant 0 : i32
      %dma_start3A_208 = tpu.memref_slice %arg4[%dma_start3A_207, %multiple_of3A_186] : memref<1x1000000xf32, #tpu.memory_space<hbm>> -> memref<1x128xf32, #tpu.memory_space<hbm>>
      tpu.enqueue_dma source(%dma_start3A_208 : memref<1x128xf32, #tpu.memory_space<hbm>>) target(%dma_start3A_206 : memref<1x128xf32, #tpu.memory_space<vmem>>) target_semaphore(%dma_start3A_204 : memref<!tpu.dma_semaphore, #tpu.memory_space<semaphore_mem>>)
      %dma_start3A_209 = arith.constant 0 : i32
      %dma_start3A_210 = tpu.memref_slice %arg18[%add3A_188, %dma_start3A_209] : memref<128x128xi32, #tpu.memory_space<vmem>> -> memref<1x128xi32, #tpu.memory_space<vmem>>
      %dma_start3A_211 = arith.constant 0 : i32
      %dma_start3A_212 = tpu.memref_slice %arg6[%dma_start3A_211, %multiple_of3A_186] : memref<1x1000000xi32, #tpu.memory_space<hbm>> -> memref<1x128xi32, #tpu.memory_space<hbm>>
      %dma_start3A_213 = tpu.memref_slice %arg24[%scan3A_24] : memref<8x!tpu.dma_semaphore, #tpu.memory_space<semaphore_mem>> -> memref<1x!tpu.dma_semaphore, #tpu.memory_space<semaphore_mem>>
      %dma_start3A_214 = tpu.memref_squeeze %dma_start3A_213 : memref<1x!tpu.dma_semaphore, #tpu.memory_space<semaphore_mem>> -> memref<!tpu.dma_semaphore, #tpu.memory_space<semaphore_mem>>
      %dma_start3A_215 = arith.constant 0 : i32
      %dma_start3A_216 = tpu.memref_slice %arg18[%add3A_188, %dma_start3A_215] : memref<128x128xi32, #tpu.memory_space<vmem>> -> memref<1x128xi32, #tpu.memory_space<vmem>>
      %dma_start3A_217 = arith.constant 0 : i32
      %dma_start3A_218 = tpu.memref_slice %arg6[%dma_start3A_217, %multiple_of3A_186] : memref<1x1000000xi32, #tpu.memory_space<hbm>> -> memref<1x128xi32, #tpu.memory_space<hbm>>
      tpu.enqueue_dma source(%dma_start3A_218 : memref<1x128xi32, #tpu.memory_space<hbm>>) target(%dma_start3A_216 : memref<1x128xi32, #tpu.memory_space<vmem>>) target_semaphore(%dma_start3A_214 : memref<!tpu.dma_semaphore, #tpu.memory_space<semaphore_mem>>)
      %slice3A_219 = vector.extract_strided_slice %get3A_27 {offsets = [5], sizes = [1], strides = [1]} : vector<16xi32> to vector<1xi32>
      %squeeze3A_220 = vector.extract %slice3A_219[0] : i32 from vector<1xi32>
      %shift_right_arithmetic3A_221 = arith.constant 7 : i32
      %shift_right_arithmetic3A_222 = arith.shrsi %squeeze3A_220, %shift_right_arithmetic3A_221 : i32
      %shift_left3A_223 = arith.constant 7 : i32
      %shift_left3A_224 = arith.shli %shift_right_arithmetic3A_222, %shift_left3A_223 : i32
      %multiple_of3A_225 = tpu.assume_multiple %shift_left3A_224, 128 : i32
      %add3A_226 = arith.constant 5 : i32
      %add3A_227 = arith.addi %multiple_of3A, %add3A_226 : i32
      %dma_start3A_228 = arith.constant 0 : i32
      %dma_start3A_229 = tpu.memref_slice %arg16[%add3A_227, %dma_start3A_228] : memref<128x128xi32, #tpu.memory_space<vmem>> -> memref<1x128xi32, #tpu.memory_space<vmem>>
      %dma_start3A_230 = arith.constant 0 : i32
      %dma_start3A_231 = tpu.memref_slice %arg3[%dma_start3A_230, %multiple_of3A_225] : memref<1x1000000xi32, #tpu.memory_space<hbm>> -> memref<1x128xi32, #tpu.memory_space<hbm>>
      %dma_start3A_232 = tpu.memref_slice %arg24[%scan3A_24] : memref<8x!tpu.dma_semaphore, #tpu.memory_space<semaphore_mem>> -> memref<1x!tpu.dma_semaphore, #tpu.memory_space<semaphore_mem>>
      %dma_start3A_233 = tpu.memref_squeeze %dma_start3A_232 : memref<1x!tpu.dma_semaphore, #tpu.memory_space<semaphore_mem>> -> memref<!tpu.dma_semaphore, #tpu.memory_space<semaphore_mem>>
      %dma_start3A_234 = arith.constant 0 : i32
      %dma_start3A_235 = tpu.memref_slice %arg16[%add3A_227, %dma_start3A_234] : memref<128x128xi32, #tpu.memory_space<vmem>> -> memref<1x128xi32, #tpu.memory_space<vmem>>
      %dma_start3A_236 = arith.constant 0 : i32
      %dma_start3A_237 = tpu.memref_slice %arg3[%dma_start3A_236, %multiple_of3A_225] : memref<1x1000000xi32, #tpu.memory_space<hbm>> -> memref<1x128xi32, #tpu.memory_space<hbm>>
      tpu.enqueue_dma source(%dma_start3A_237 : memref<1x128xi32, #tpu.memory_space<hbm>>) target(%dma_start3A_235 : memref<1x128xi32, #tpu.memory_space<vmem>>) target_semaphore(%dma_start3A_233 : memref<!tpu.dma_semaphore, #tpu.memory_space<semaphore_mem>>)
      %dma_start3A_238 = arith.constant 0 : i32
      %dma_start3A_239 = tpu.memref_slice %arg17[%add3A_227, %dma_start3A_238] : memref<128x128xf32, #tpu.memory_space<vmem>> -> memref<1x128xf32, #tpu.memory_space<vmem>>
      %dma_start3A_240 = arith.constant 0 : i32
      %dma_start3A_241 = tpu.memref_slice %arg4[%dma_start3A_240, %multiple_of3A_225] : memref<1x1000000xf32, #tpu.memory_space<hbm>> -> memref<1x128xf32, #tpu.memory_space<hbm>>
      %dma_start3A_242 = tpu.memref_slice %arg24[%scan3A_24] : memref<8x!tpu.dma_semaphore, #tpu.memory_space<semaphore_mem>> -> memref<1x!tpu.dma_semaphore, #tpu.memory_space<semaphore_mem>>
      %dma_start3A_243 = tpu.memref_squeeze %dma_start3A_242 : memref<1x!tpu.dma_semaphore, #tpu.memory_space<semaphore_mem>> -> memref<!tpu.dma_semaphore, #tpu.memory_space<semaphore_mem>>
      %dma_start3A_244 = arith.constant 0 : i32
      %dma_start3A_245 = tpu.memref_slice %arg17[%add3A_227, %dma_start3A_244] : memref<128x128xf32, #tpu.memory_space<vmem>> -> memref<1x128xf32, #tpu.memory_space<vmem>>
      %dma_start3A_246 = arith.constant 0 : i32
      %dma_start3A_247 = tpu.memref_slice %arg4[%dma_start3A_246, %multiple_of3A_225] : memref<1x1000000xf32, #tpu.memory_space<hbm>> -> memref<1x128xf32, #tpu.memory_space<hbm>>
      tpu.enqueue_dma source(%dma_start3A_247 : memref<1x128xf32, #tpu.memory_space<hbm>>) target(%dma_start3A_245 : memref<1x128xf32, #tpu.memory_space<vmem>>) target_semaphore(%dma_start3A_243 : memref<!tpu.dma_semaphore, #tpu.memory_space<semaphore_mem>>)
      %dma_start3A_248 = arith.constant 0 : i32
      %dma_start3A_249 = tpu.memref_slice %arg18[%add3A_227, %dma_start3A_248] : memref<128x128xi32, #tpu.memory_space<vmem>> -> memref<1x128xi32, #tpu.memory_space<vmem>>
      %dma_start3A_250 = arith.constant 0 : i32
      %dma_start3A_251 = tpu.memref_slice %arg6[%dma_start3A_250, %multiple_of3A_225] : memref<1x1000000xi32, #tpu.memory_space<hbm>> -> memref<1x128xi32, #tpu.memory_space<hbm>>
      %dma_start3A_252 = tpu.memref_slice %arg24[%scan3A_24] : memref<8x!tpu.dma_semaphore, #tpu.memory_space<semaphore_mem>> -> memref<1x!tpu.dma_semaphore, #tpu.memory_space<semaphore_mem>>
      %dma_start3A_253 = tpu.memref_squeeze %dma_start3A_252 : memref<1x!tpu.dma_semaphore, #tpu.memory_space<semaphore_mem>> -> memref<!tpu.dma_semaphore, #tpu.memory_space<semaphore_mem>>
      %dma_start3A_254 = arith.constant 0 : i32
      %dma_start3A_255 = tpu.memref_slice %arg18[%add3A_227, %dma_start3A_254] : memref<128x128xi32, #tpu.memory_space<vmem>> -> memref<1x128xi32, #tpu.memory_space<vmem>>
      %dma_start3A_256 = arith.constant 0 : i32
      %dma_start3A_257 = tpu.memref_slice %arg6[%dma_start3A_256, %multiple_of3A_225] : memref<1x1000000xi32, #tpu.memory_space<hbm>> -> memref<1x128xi32, #tpu.memory_space<hbm>>
      tpu.enqueue_dma source(%dma_start3A_257 : memref<1x128xi32, #tpu.memory_space<hbm>>) target(%dma_start3A_255 : memref<1x128xi32, #tpu.memory_space<vmem>>) target_semaphore(%dma_start3A_253 : memref<!tpu.dma_semaphore, #tpu.memory_space<semaphore_mem>>)
      %slice3A_258 = vector.extract_strided_slice %get3A_27 {offsets = [6], sizes = [1], strides = [1]} : vector<16xi32> to vector<1xi32>
      %squeeze3A_259 = vector.extract %slice3A_258[0] : i32 from vector<1xi32>
      %shift_right_arithmetic3A_260 = arith.constant 7 : i32
      %shift_right_arithmetic3A_261 = arith.shrsi %squeeze3A_259, %shift_right_arithmetic3A_260 : i32
      %shift_left3A_262 = arith.constant 7 : i32
      %shift_left3A_263 = arith.shli %shift_right_arithmetic3A_261, %shift_left3A_262 : i32
      %multiple_of3A_264 = tpu.assume_multiple %shift_left3A_263, 128 : i32
      %add3A_265 = arith.constant 6 : i32
      %add3A_266 = arith.addi %multiple_of3A, %add3A_265 : i32
      %dma_start3A_267 = arith.constant 0 : i32
      %dma_start3A_268 = tpu.memref_slice %arg16[%add3A_266, %dma_start3A_267] : memref<128x128xi32, #tpu.memory_space<vmem>> -> memref<1x128xi32, #tpu.memory_space<vmem>>
      %dma_start3A_269 = arith.constant 0 : i32
      %dma_start3A_270 = tpu.memref_slice %arg3[%dma_start3A_269, %multiple_of3A_264] : memref<1x1000000xi32, #tpu.memory_space<hbm>> -> memref<1x128xi32, #tpu.memory_space<hbm>>
      %dma_start3A_271 = tpu.memref_slice %arg24[%scan3A_24] : memref<8x!tpu.dma_semaphore, #tpu.memory_space<semaphore_mem>> -> memref<1x!tpu.dma_semaphore, #tpu.memory_space<semaphore_mem>>
      %dma_start3A_272 = tpu.memref_squeeze %dma_start3A_271 : memref<1x!tpu.dma_semaphore, #tpu.memory_space<semaphore_mem>> -> memref<!tpu.dma_semaphore, #tpu.memory_space<semaphore_mem>>
      %dma_start3A_273 = arith.constant 0 : i32
      %dma_start3A_274 = tpu.memref_slice %arg16[%add3A_266, %dma_start3A_273] : memref<128x128xi32, #tpu.memory_space<vmem>> -> memref<1x128xi32, #tpu.memory_space<vmem>>
      %dma_start3A_275 = arith.constant 0 : i32
      %dma_start3A_276 = tpu.memref_slice %arg3[%dma_start3A_275, %multiple_of3A_264] : memref<1x1000000xi32, #tpu.memory_space<hbm>> -> memref<1x128xi32, #tpu.memory_space<hbm>>
      tpu.enqueue_dma source(%dma_start3A_276 : memref<1x128xi32, #tpu.memory_space<hbm>>) target(%dma_start3A_274 : memref<1x128xi32, #tpu.memory_space<vmem>>) target_semaphore(%dma_start3A_272 : memref<!tpu.dma_semaphore, #tpu.memory_space<semaphore_mem>>)
      %dma_start3A_277 = arith.constant 0 : i32
      %dma_start3A_278 = tpu.memref_slice %arg17[%add3A_266, %dma_start3A_277] : memref<128x128xf32, #tpu.memory_space<vmem>> -> memref<1x128xf32, #tpu.memory_space<vmem>>
      %dma_start3A_279 = arith.constant 0 : i32
      %dma_start3A_280 = tpu.memref_slice %arg4[%dma_start3A_279, %multiple_of3A_264] : memref<1x1000000xf32, #tpu.memory_space<hbm>> -> memref<1x128xf32, #tpu.memory_space<hbm>>
      %dma_start3A_281 = tpu.memref_slice %arg24[%scan3A_24] : memref<8x!tpu.dma_semaphore, #tpu.memory_space<semaphore_mem>> -> memref<1x!tpu.dma_semaphore, #tpu.memory_space<semaphore_mem>>
      %dma_start3A_282 = tpu.memref_squeeze %dma_start3A_281 : memref<1x!tpu.dma_semaphore, #tpu.memory_space<semaphore_mem>> -> memref<!tpu.dma_semaphore, #tpu.memory_space<semaphore_mem>>
      %dma_start3A_283 = arith.constant 0 : i32
      %dma_start3A_284 = tpu.memref_slice %arg17[%add3A_266, %dma_start3A_283] : memref<128x128xf32, #tpu.memory_space<vmem>> -> memref<1x128xf32, #tpu.memory_space<vmem>>
      %dma_start3A_285 = arith.constant 0 : i32
      %dma_start3A_286 = tpu.memref_slice %arg4[%dma_start3A_285, %multiple_of3A_264] : memref<1x1000000xf32, #tpu.memory_space<hbm>> -> memref<1x128xf32, #tpu.memory_space<hbm>>
      tpu.enqueue_dma source(%dma_start3A_286 : memref<1x128xf32, #tpu.memory_space<hbm>>) target(%dma_start3A_284 : memref<1x128xf32, #tpu.memory_space<vmem>>) target_semaphore(%dma_start3A_282 : memref<!tpu.dma_semaphore, #tpu.memory_space<semaphore_mem>>)
      %dma_start3A_287 = arith.constant 0 : i32
      %dma_start3A_288 = tpu.memref_slice %arg18[%add3A_266, %dma_start3A_287] : memref<128x128xi32, #tpu.memory_space<vmem>> -> memref<1x128xi32, #tpu.memory_space<vmem>>
      %dma_start3A_289 = arith.constant 0 : i32
      %dma_start3A_290 = tpu.memref_slice %arg6[%dma_start3A_289, %multiple_of3A_264] : memref<1x1000000xi32, #tpu.memory_space<hbm>> -> memref<1x128xi32, #tpu.memory_space<hbm>>
      %dma_start3A_291 = tpu.memref_slice %arg24[%scan3A_24] : memref<8x!tpu.dma_semaphore, #tpu.memory_space<semaphore_mem>> -> memref<1x!tpu.dma_semaphore, #tpu.memory_space<semaphore_mem>>
      %dma_start3A_292 = tpu.memref_squeeze %dma_start3A_291 : memref<1x!tpu.dma_semaphore, #tpu.memory_space<semaphore_mem>> -> memref<!tpu.dma_semaphore, #tpu.memory_space<semaphore_mem>>
      %dma_start3A_293 = arith.constant 0 : i32
      %dma_start3A_294 = tpu.memref_slice %arg18[%add3A_266, %dma_start3A_293] : memref<128x128xi32, #tpu.memory_space<vmem>> -> memref<1x128xi32, #tpu.memory_space<vmem>>
      %dma_start3A_295 = arith.constant 0 : i32
      %dma_start3A_296 = tpu.memref_slice %arg6[%dma_start3A_295, %multiple_of3A_264] : memref<1x1000000xi32, #tpu.memory_space<hbm>> -> memref<1x128xi32, #tpu.memory_space<hbm>>
      tpu.enqueue_dma source(%dma_start3A_296 : memref<1x128xi32, #tpu.memory_space<hbm>>) target(%dma_start3A_294 : memref<1x128xi32, #tpu.memory_space<vmem>>) target_semaphore(%dma_start3A_292 : memref<!tpu.dma_semaphore, #tpu.memory_space<semaphore_mem>>)
      %slice3A_297 = vector.extract_strided_slice %get3A_27 {offsets = [7], sizes = [1], strides = [1]} : vector<16xi32> to vector<1xi32>
      %squeeze3A_298 = vector.extract %slice3A_297[0] : i32 from vector<1xi32>
      %shift_right_arithmetic3A_299 = arith.constant 7 : i32
      %shift_right_arithmetic3A_300 = arith.shrsi %squeeze3A_298, %shift_right_arithmetic3A_299 : i32
      %shift_left3A_301 = arith.constant 7 : i32
      %shift_left3A_302 = arith.shli %shift_right_arithmetic3A_300, %shift_left3A_301 : i32
      %multiple_of3A_303 = tpu.assume_multiple %shift_left3A_302, 128 : i32
      %add3A_304 = arith.constant 7 : i32
      %add3A_305 = arith.addi %multiple_of3A, %add3A_304 : i32
      %dma_start3A_306 = arith.constant 0 : i32
      %dma_start3A_307 = tpu.memref_slice %arg16[%add3A_305, %dma_start3A_306] : memref<128x128xi32, #tpu.memory_space<vmem>> -> memref<1x128xi32, #tpu.memory_space<vmem>>
      %dma_start3A_308 = arith.constant 0 : i32
      %dma_start3A_309 = tpu.memref_slice %arg3[%dma_start3A_308, %multiple_of3A_303] : memref<1x1000000xi32, #tpu.memory_space<hbm>> -> memref<1x128xi32, #tpu.memory_space<hbm>>
      %dma_start3A_310 = tpu.memref_slice %arg24[%scan3A_24] : memref<8x!tpu.dma_semaphore, #tpu.memory_space<semaphore_mem>> -> memref<1x!tpu.dma_semaphore, #tpu.memory_space<semaphore_mem>>
      %dma_start3A_311 = tpu.memref_squeeze %dma_start3A_310 : memref<1x!tpu.dma_semaphore, #tpu.memory_space<semaphore_mem>> -> memref<!tpu.dma_semaphore, #tpu.memory_space<semaphore_mem>>
      %dma_start3A_312 = arith.constant 0 : i32
      %dma_start3A_313 = tpu.memref_slice %arg16[%add3A_305, %dma_start3A_312] : memref<128x128xi32, #tpu.memory_space<vmem>> -> memref<1x128xi32, #tpu.memory_space<vmem>>
      %dma_start3A_314 = arith.constant 0 : i32
      %dma_start3A_315 = tpu.memref_slice %arg3[%dma_start3A_314, %multiple_of3A_303] : memref<1x1000000xi32, #tpu.memory_space<hbm>> -> memref<1x128xi32, #tpu.memory_space<hbm>>
      tpu.enqueue_dma source(%dma_start3A_315 : memref<1x128xi32, #tpu.memory_space<hbm>>) target(%dma_start3A_313 : memref<1x128xi32, #tpu.memory_space<vmem>>) target_semaphore(%dma_start3A_311 : memref<!tpu.dma_semaphore, #tpu.memory_space<semaphore_mem>>)
      %dma_start3A_316 = arith.constant 0 : i32
      %dma_start3A_317 = tpu.memref_slice %arg17[%add3A_305, %dma_start3A_316] : memref<128x128xf32, #tpu.memory_space<vmem>> -> memref<1x128xf32, #tpu.memory_space<vmem>>
      %dma_start3A_318 = arith.constant 0 : i32
      %dma_start3A_319 = tpu.memref_slice %arg4[%dma_start3A_318, %multiple_of3A_303] : memref<1x1000000xf32, #tpu.memory_space<hbm>> -> memref<1x128xf32, #tpu.memory_space<hbm>>
      %dma_start3A_320 = tpu.memref_slice %arg24[%scan3A_24] : memref<8x!tpu.dma_semaphore, #tpu.memory_space<semaphore_mem>> -> memref<1x!tpu.dma_semaphore, #tpu.memory_space<semaphore_mem>>
      %dma_start3A_321 = tpu.memref_squeeze %dma_start3A_320 : memref<1x!tpu.dma_semaphore, #tpu.memory_space<semaphore_mem>> -> memref<!tpu.dma_semaphore, #tpu.memory_space<semaphore_mem>>
      %dma_start3A_322 = arith.constant 0 : i32
      %dma_start3A_323 = tpu.memref_slice %arg17[%add3A_305, %dma_start3A_322] : memref<128x128xf32, #tpu.memory_space<vmem>> -> memref<1x128xf32, #tpu.memory_space<vmem>>
      %dma_start3A_324 = arith.constant 0 : i32
      %dma_start3A_325 = tpu.memref_slice %arg4[%dma_start3A_324, %multiple_of3A_303] : memref<1x1000000xf32, #tpu.memory_space<hbm>> -> memref<1x128xf32, #tpu.memory_space<hbm>>
      tpu.enqueue_dma source(%dma_start3A_325 : memref<1x128xf32, #tpu.memory_space<hbm>>) target(%dma_start3A_323 : memref<1x128xf32, #tpu.memory_space<vmem>>) target_semaphore(%dma_start3A_321 : memref<!tpu.dma_semaphore, #tpu.memory_space<semaphore_mem>>)
      %dma_start3A_326 = arith.constant 0 : i32
      %dma_start3A_327 = tpu.memref_slice %arg18[%add3A_305, %dma_start3A_326] : memref<128x128xi32, #tpu.memory_space<vmem>> -> memref<1x128xi32, #tpu.memory_space<vmem>>
      %dma_start3A_328 = arith.constant 0 : i32
      %dma_start3A_329 = tpu.memref_slice %arg6[%dma_start3A_328, %multiple_of3A_303] : memref<1x1000000xi32, #tpu.memory_space<hbm>> -> memref<1x128xi32, #tpu.memory_space<hbm>>
      %dma_start3A_330 = tpu.memref_slice %arg24[%scan3A_24] : memref<8x!tpu.dma_semaphore, #tpu.memory_space<semaphore_mem>> -> memref<1x!tpu.dma_semaphore, #tpu.memory_space<semaphore_mem>>
      %dma_start3A_331 = tpu.memref_squeeze %dma_start3A_330 : memref<1x!tpu.dma_semaphore, #tpu.memory_space<semaphore_mem>> -> memref<!tpu.dma_semaphore, #tpu.memory_space<semaphore_mem>>
      %dma_start3A_332 = arith.constant 0 : i32
      %dma_start3A_333 = tpu.memref_slice %arg18[%add3A_305, %dma_start3A_332] : memref<128x128xi32, #tpu.memory_space<vmem>> -> memref<1x128xi32, #tpu.memory_space<vmem>>
      %dma_start3A_334 = arith.constant 0 : i32
      %dma_start3A_335 = tpu.memref_slice %arg6[%dma_start3A_334, %multiple_of3A_303] : memref<1x1000000xi32, #tpu.memory_space<hbm>> -> memref<1x128xi32, #tpu.memory_space<hbm>>
      tpu.enqueue_dma source(%dma_start3A_335 : memref<1x128xi32, #tpu.memory_space<hbm>>) target(%dma_start3A_333 : memref<1x128xi32, #tpu.memory_space<vmem>>) target_semaphore(%dma_start3A_331 : memref<!tpu.dma_semaphore, #tpu.memory_space<semaphore_mem>>)
      %slice3A_336 = vector.extract_strided_slice %get3A_27 {offsets = [8], sizes = [1], strides = [1]} : vector<16xi32> to vector<1xi32>
      %squeeze3A_337 = vector.extract %slice3A_336[0] : i32 from vector<1xi32>
      %shift_right_arithmetic3A_338 = arith.constant 7 : i32
      %shift_right_arithmetic3A_339 = arith.shrsi %squeeze3A_337, %shift_right_arithmetic3A_338 : i32
      %shift_left3A_340 = arith.constant 7 : i32
      %shift_left3A_341 = arith.shli %shift_right_arithmetic3A_339, %shift_left3A_340 : i32
      %multiple_of3A_342 = tpu.assume_multiple %shift_left3A_341, 128 : i32
      %add3A_343 = arith.constant 8 : i32
      %add3A_344 = arith.addi %multiple_of3A, %add3A_343 : i32
      %dma_start3A_345 = arith.constant 0 : i32
      %dma_start3A_346 = tpu.memref_slice %arg16[%add3A_344, %dma_start3A_345] : memref<128x128xi32, #tpu.memory_space<vmem>> -> memref<1x128xi32, #tpu.memory_space<vmem>>
      %dma_start3A_347 = arith.constant 0 : i32
      %dma_start3A_348 = tpu.memref_slice %arg3[%dma_start3A_347, %multiple_of3A_342] : memref<1x1000000xi32, #tpu.memory_space<hbm>> -> memref<1x128xi32, #tpu.memory_space<hbm>>
      %dma_start3A_349 = tpu.memref_slice %arg24[%scan3A_24] : memref<8x!tpu.dma_semaphore, #tpu.memory_space<semaphore_mem>> -> memref<1x!tpu.dma_semaphore, #tpu.memory_space<semaphore_mem>>
      %dma_start3A_350 = tpu.memref_squeeze %dma_start3A_349 : memref<1x!tpu.dma_semaphore, #tpu.memory_space<semaphore_mem>> -> memref<!tpu.dma_semaphore, #tpu.memory_space<semaphore_mem>>
      %dma_start3A_351 = arith.constant 0 : i32
      %dma_start3A_352 = tpu.memref_slice %arg16[%add3A_344, %dma_start3A_351] : memref<128x128xi32, #tpu.memory_space<vmem>> -> memref<1x128xi32, #tpu.memory_space<vmem>>
      %dma_start3A_353 = arith.constant 0 : i32
      %dma_start3A_354 = tpu.memref_slice %arg3[%dma_start3A_353, %multiple_of3A_342] : memref<1x1000000xi32, #tpu.memory_space<hbm>> -> memref<1x128xi32, #tpu.memory_space<hbm>>
      tpu.enqueue_dma source(%dma_start3A_354 : memref<1x128xi32, #tpu.memory_space<hbm>>) target(%dma_start3A_352 : memref<1x128xi32, #tpu.memory_space<vmem>>) target_semaphore(%dma_start3A_350 : memref<!tpu.dma_semaphore, #tpu.memory_space<semaphore_mem>>)
      %dma_start3A_355 = arith.constant 0 : i32
      %dma_start3A_356 = tpu.memref_slice %arg17[%add3A_344, %dma_start3A_355] : memref<128x128xf32, #tpu.memory_space<vmem>> -> memref<1x128xf32, #tpu.memory_space<vmem>>
      %dma_start3A_357 = arith.constant 0 : i32
      %dma_start3A_358 = tpu.memref_slice %arg4[%dma_start3A_357, %multiple_of3A_342] : memref<1x1000000xf32, #tpu.memory_space<hbm>> -> memref<1x128xf32, #tpu.memory_space<hbm>>
      %dma_start3A_359 = tpu.memref_slice %arg24[%scan3A_24] : memref<8x!tpu.dma_semaphore, #tpu.memory_space<semaphore_mem>> -> memref<1x!tpu.dma_semaphore, #tpu.memory_space<semaphore_mem>>
      %dma_start3A_360 = tpu.memref_squeeze %dma_start3A_359 : memref<1x!tpu.dma_semaphore, #tpu.memory_space<semaphore_mem>> -> memref<!tpu.dma_semaphore, #tpu.memory_space<semaphore_mem>>
      %dma_start3A_361 = arith.constant 0 : i32
      %dma_start3A_362 = tpu.memref_slice %arg17[%add3A_344, %dma_start3A_361] : memref<128x128xf32, #tpu.memory_space<vmem>> -> memref<1x128xf32, #tpu.memory_space<vmem>>
      %dma_start3A_363 = arith.constant 0 : i32
      %dma_start3A_364 = tpu.memref_slice %arg4[%dma_start3A_363, %multiple_of3A_342] : memref<1x1000000xf32, #tpu.memory_space<hbm>> -> memref<1x128xf32, #tpu.memory_space<hbm>>
      tpu.enqueue_dma source(%dma_start3A_364 : memref<1x128xf32, #tpu.memory_space<hbm>>) target(%dma_start3A_362 : memref<1x128xf32, #tpu.memory_space<vmem>>) target_semaphore(%dma_start3A_360 : memref<!tpu.dma_semaphore, #tpu.memory_space<semaphore_mem>>)
      %dma_start3A_365 = arith.constant 0 : i32
      %dma_start3A_366 = tpu.memref_slice %arg18[%add3A_344, %dma_start3A_365] : memref<128x128xi32, #tpu.memory_space<vmem>> -> memref<1x128xi32, #tpu.memory_space<vmem>>
      %dma_start3A_367 = arith.constant 0 : i32
      %dma_start3A_368 = tpu.memref_slice %arg6[%dma_start3A_367, %multiple_of3A_342] : memref<1x1000000xi32, #tpu.memory_space<hbm>> -> memref<1x128xi32, #tpu.memory_space<hbm>>
      %dma_start3A_369 = tpu.memref_slice %arg24[%scan3A_24] : memref<8x!tpu.dma_semaphore, #tpu.memory_space<semaphore_mem>> -> memref<1x!tpu.dma_semaphore, #tpu.memory_space<semaphore_mem>>
      %dma_start3A_370 = tpu.memref_squeeze %dma_start3A_369 : memref<1x!tpu.dma_semaphore, #tpu.memory_space<semaphore_mem>> -> memref<!tpu.dma_semaphore, #tpu.memory_space<semaphore_mem>>
      %dma_start3A_371 = arith.constant 0 : i32
      %dma_start3A_372 = tpu.memref_slice %arg18[%add3A_344, %dma_start3A_371] : memref<128x128xi32, #tpu.memory_space<vmem>> -> memref<1x128xi32, #tpu.memory_space<vmem>>
      %dma_start3A_373 = arith.constant 0 : i32
      %dma_start3A_374 = tpu.memref_slice %arg6[%dma_start3A_373, %multiple_of3A_342] : memref<1x1000000xi32, #tpu.memory_space<hbm>> -> memref<1x128xi32, #tpu.memory_space<hbm>>
      tpu.enqueue_dma source(%dma_start3A_374 : memref<1x128xi32, #tpu.memory_space<hbm>>) target(%dma_start3A_372 : memref<1x128xi32, #tpu.memory_space<vmem>>) target_semaphore(%dma_start3A_370 : memref<!tpu.dma_semaphore, #tpu.memory_space<semaphore_mem>>)
      %slice3A_375 = vector.extract_strided_slice %get3A_27 {offsets = [9], sizes = [1], strides = [1]} : vector<16xi32> to vector<1xi32>
      %squeeze3A_376 = vector.extract %slice3A_375[0] : i32 from vector<1xi32>
      %shift_right_arithmetic3A_377 = arith.constant 7 : i32
      %shift_right_arithmetic3A_378 = arith.shrsi %squeeze3A_376, %shift_right_arithmetic3A_377 : i32
      %shift_left3A_379 = arith.constant 7 : i32
      %shift_left3A_380 = arith.shli %shift_right_arithmetic3A_378, %shift_left3A_379 : i32
      %multiple_of3A_381 = tpu.assume_multiple %shift_left3A_380, 128 : i32
      %add3A_382 = arith.constant 9 : i32
      %add3A_383 = arith.addi %multiple_of3A, %add3A_382 : i32
      %dma_start3A_384 = arith.constant 0 : i32
      %dma_start3A_385 = tpu.memref_slice %arg16[%add3A_383, %dma_start3A_384] : memref<128x128xi32, #tpu.memory_space<vmem>> -> memref<1x128xi32, #tpu.memory_space<vmem>>
      %dma_start3A_386 = arith.constant 0 : i32
      %dma_start3A_387 = tpu.memref_slice %arg3[%dma_start3A_386, %multiple_of3A_381] : memref<1x1000000xi32, #tpu.memory_space<hbm>> -> memref<1x128xi32, #tpu.memory_space<hbm>>
      %dma_start3A_388 = tpu.memref_slice %arg24[%scan3A_24] : memref<8x!tpu.dma_semaphore, #tpu.memory_space<semaphore_mem>> -> memref<1x!tpu.dma_semaphore, #tpu.memory_space<semaphore_mem>>
      %dma_start3A_389 = tpu.memref_squeeze %dma_start3A_388 : memref<1x!tpu.dma_semaphore, #tpu.memory_space<semaphore_mem>> -> memref<!tpu.dma_semaphore, #tpu.memory_space<semaphore_mem>>
      %dma_start3A_390 = arith.constant 0 : i32
      %dma_start3A_391 = tpu.memref_slice %arg16[%add3A_383, %dma_start3A_390] : memref<128x128xi32, #tpu.memory_space<vmem>> -> memref<1x128xi32, #tpu.memory_space<vmem>>
      %dma_start3A_392 = arith.constant 0 : i32
      %dma_start3A_393 = tpu.memref_slice %arg3[%dma_start3A_392, %multiple_of3A_381] : memref<1x1000000xi32, #tpu.memory_space<hbm>> -> memref<1x128xi32, #tpu.memory_space<hbm>>
      tpu.enqueue_dma source(%dma_start3A_393 : memref<1x128xi32, #tpu.memory_space<hbm>>) target(%dma_start3A_391 : memref<1x128xi32, #tpu.memory_space<vmem>>) target_semaphore(%dma_start3A_389 : memref<!tpu.dma_semaphore, #tpu.memory_space<semaphore_mem>>)
      %dma_start3A_394 = arith.constant 0 : i32
      %dma_start3A_395 = tpu.memref_slice %arg17[%add3A_383, %dma_start3A_394] : memref<128x128xf32, #tpu.memory_space<vmem>> -> memref<1x128xf32, #tpu.memory_space<vmem>>
      %dma_start3A_396 = arith.constant 0 : i32
      %dma_start3A_397 = tpu.memref_slice %arg4[%dma_start3A_396, %multiple_of3A_381] : memref<1x1000000xf32, #tpu.memory_space<hbm>> -> memref<1x128xf32, #tpu.memory_space<hbm>>
      %dma_start3A_398 = tpu.memref_slice %arg24[%scan3A_24] : memref<8x!tpu.dma_semaphore, #tpu.memory_space<semaphore_mem>> -> memref<1x!tpu.dma_semaphore, #tpu.memory_space<semaphore_mem>>
      %dma_start3A_399 = tpu.memref_squeeze %dma_start3A_398 : memref<1x!tpu.dma_semaphore, #tpu.memory_space<semaphore_mem>> -> memref<!tpu.dma_semaphore, #tpu.memory_space<semaphore_mem>>
      %dma_start3A_400 = arith.constant 0 : i32
      %dma_start3A_401 = tpu.memref_slice %arg17[%add3A_383, %dma_start3A_400] : memref<128x128xf32, #tpu.memory_space<vmem>> -> memref<1x128xf32, #tpu.memory_space<vmem>>
      %dma_start3A_402 = arith.constant 0 : i32
      %dma_start3A_403 = tpu.memref_slice %arg4[%dma_start3A_402, %multiple_of3A_381] : memref<1x1000000xf32, #tpu.memory_space<hbm>> -> memref<1x128xf32, #tpu.memory_space<hbm>>
      tpu.enqueue_dma source(%dma_start3A_403 : memref<1x128xf32, #tpu.memory_space<hbm>>) target(%dma_start3A_401 : memref<1x128xf32, #tpu.memory_space<vmem>>) target_semaphore(%dma_start3A_399 : memref<!tpu.dma_semaphore, #tpu.memory_space<semaphore_mem>>)
      %dma_start3A_404 = arith.constant 0 : i32
      %dma_start3A_405 = tpu.memref_slice %arg18[%add3A_383, %dma_start3A_404] : memref<128x128xi32, #tpu.memory_space<vmem>> -> memref<1x128xi32, #tpu.memory_space<vmem>>
      %dma_start3A_406 = arith.constant 0 : i32
      %dma_start3A_407 = tpu.memref_slice %arg6[%dma_start3A_406, %multiple_of3A_381] : memref<1x1000000xi32, #tpu.memory_space<hbm>> -> memref<1x128xi32, #tpu.memory_space<hbm>>
      %dma_start3A_408 = tpu.memref_slice %arg24[%scan3A_24] : memref<8x!tpu.dma_semaphore, #tpu.memory_space<semaphore_mem>> -> memref<1x!tpu.dma_semaphore, #tpu.memory_space<semaphore_mem>>
      %dma_start3A_409 = tpu.memref_squeeze %dma_start3A_408 : memref<1x!tpu.dma_semaphore, #tpu.memory_space<semaphore_mem>> -> memref<!tpu.dma_semaphore, #tpu.memory_space<semaphore_mem>>
      %dma_start3A_410 = arith.constant 0 : i32
      %dma_start3A_411 = tpu.memref_slice %arg18[%add3A_383, %dma_start3A_410] : memref<128x128xi32, #tpu.memory_space<vmem>> -> memref<1x128xi32, #tpu.memory_space<vmem>>
      %dma_start3A_412 = arith.constant 0 : i32
      %dma_start3A_413 = tpu.memref_slice %arg6[%dma_start3A_412, %multiple_of3A_381] : memref<1x1000000xi32, #tpu.memory_space<hbm>> -> memref<1x128xi32, #tpu.memory_space<hbm>>
      tpu.enqueue_dma source(%dma_start3A_413 : memref<1x128xi32, #tpu.memory_space<hbm>>) target(%dma_start3A_411 : memref<1x128xi32, #tpu.memory_space<vmem>>) target_semaphore(%dma_start3A_409 : memref<!tpu.dma_semaphore, #tpu.memory_space<semaphore_mem>>)
      %slice3A_414 = vector.extract_strided_slice %get3A_27 {offsets = [10], sizes = [1], strides = [1]} : vector<16xi32> to vector<1xi32>
      %squeeze3A_415 = vector.extract %slice3A_414[0] : i32 from vector<1xi32>
      %shift_right_arithmetic3A_416 = arith.constant 7 : i32
      %shift_right_arithmetic3A_417 = arith.shrsi %squeeze3A_415, %shift_right_arithmetic3A_416 : i32
      %shift_left3A_418 = arith.constant 7 : i32
      %shift_left3A_419 = arith.shli %shift_right_arithmetic3A_417, %shift_left3A_418 : i32
      %multiple_of3A_420 = tpu.assume_multiple %shift_left3A_419, 128 : i32
      %add3A_421 = arith.constant 10 : i32
      %add3A_422 = arith.addi %multiple_of3A, %add3A_421 : i32
      %dma_start3A_423 = arith.constant 0 : i32
      %dma_start3A_424 = tpu.memref_slice %arg16[%add3A_422, %dma_start3A_423] : memref<128x128xi32, #tpu.memory_space<vmem>> -> memref<1x128xi32, #tpu.memory_space<vmem>>
      %dma_start3A_425 = arith.constant 0 : i32
      %dma_start3A_426 = tpu.memref_slice %arg3[%dma_start3A_425, %multiple_of3A_420] : memref<1x1000000xi32, #tpu.memory_space<hbm>> -> memref<1x128xi32, #tpu.memory_space<hbm>>
      %dma_start3A_427 = tpu.memref_slice %arg24[%scan3A_24] : memref<8x!tpu.dma_semaphore, #tpu.memory_space<semaphore_mem>> -> memref<1x!tpu.dma_semaphore, #tpu.memory_space<semaphore_mem>>
      %dma_start3A_428 = tpu.memref_squeeze %dma_start3A_427 : memref<1x!tpu.dma_semaphore, #tpu.memory_space<semaphore_mem>> -> memref<!tpu.dma_semaphore, #tpu.memory_space<semaphore_mem>>
      %dma_start3A_429 = arith.constant 0 : i32
      %dma_start3A_430 = tpu.memref_slice %arg16[%add3A_422, %dma_start3A_429] : memref<128x128xi32, #tpu.memory_space<vmem>> -> memref<1x128xi32, #tpu.memory_space<vmem>>
      %dma_start3A_431 = arith.constant 0 : i32
      %dma_start3A_432 = tpu.memref_slice %arg3[%dma_start3A_431, %multiple_of3A_420] : memref<1x1000000xi32, #tpu.memory_space<hbm>> -> memref<1x128xi32, #tpu.memory_space<hbm>>
      tpu.enqueue_dma source(%dma_start3A_432 : memref<1x128xi32, #tpu.memory_space<hbm>>) target(%dma_start3A_430 : memref<1x128xi32, #tpu.memory_space<vmem>>) target_semaphore(%dma_start3A_428 : memref<!tpu.dma_semaphore, #tpu.memory_space<semaphore_mem>>)
      %dma_start3A_433 = arith.constant 0 : i32
      %dma_start3A_434 = tpu.memref_slice %arg17[%add3A_422, %dma_start3A_433] : memref<128x128xf32, #tpu.memory_space<vmem>> -> memref<1x128xf32, #tpu.memory_space<vmem>>
      %dma_start3A_435 = arith.constant 0 : i32
      %dma_start3A_436 = tpu.memref_slice %arg4[%dma_start3A_435, %multiple_of3A_420] : memref<1x1000000xf32, #tpu.memory_space<hbm>> -> memref<1x128xf32, #tpu.memory_space<hbm>>
      %dma_start3A_437 = tpu.memref_slice %arg24[%scan3A_24] : memref<8x!tpu.dma_semaphore, #tpu.memory_space<semaphore_mem>> -> memref<1x!tpu.dma_semaphore, #tpu.memory_space<semaphore_mem>>
      %dma_start3A_438 = tpu.memref_squeeze %dma_start3A_437 : memref<1x!tpu.dma_semaphore, #tpu.memory_space<semaphore_mem>> -> memref<!tpu.dma_semaphore, #tpu.memory_space<semaphore_mem>>
      %dma_start3A_439 = arith.constant 0 : i32
      %dma_start3A_440 = tpu.memref_slice %arg17[%add3A_422, %dma_start3A_439] : memref<128x128xf32, #tpu.memory_space<vmem>> -> memref<1x128xf32, #tpu.memory_space<vmem>>
      %dma_start3A_441 = arith.constant 0 : i32
      %dma_start3A_442 = tpu.memref_slice %arg4[%dma_start3A_441, %multiple_of3A_420] : memref<1x1000000xf32, #tpu.memory_space<hbm>> -> memref<1x128xf32, #tpu.memory_space<hbm>>
      tpu.enqueue_dma source(%dma_start3A_442 : memref<1x128xf32, #tpu.memory_space<hbm>>) target(%dma_start3A_440 : memref<1x128xf32, #tpu.memory_space<vmem>>) target_semaphore(%dma_start3A_438 : memref<!tpu.dma_semaphore, #tpu.memory_space<semaphore_mem>>)
      %dma_start3A_443 = arith.constant 0 : i32
      %dma_start3A_444 = tpu.memref_slice %arg18[%add3A_422, %dma_start3A_443] : memref<128x128xi32, #tpu.memory_space<vmem>> -> memref<1x128xi32, #tpu.memory_space<vmem>>
      %dma_start3A_445 = arith.constant 0 : i32
      %dma_start3A_446 = tpu.memref_slice %arg6[%dma_start3A_445, %multiple_of3A_420] : memref<1x1000000xi32, #tpu.memory_space<hbm>> -> memref<1x128xi32, #tpu.memory_space<hbm>>
      %dma_start3A_447 = tpu.memref_slice %arg24[%scan3A_24] : memref<8x!tpu.dma_semaphore, #tpu.memory_space<semaphore_mem>> -> memref<1x!tpu.dma_semaphore, #tpu.memory_space<semaphore_mem>>
      %dma_start3A_448 = tpu.memref_squeeze %dma_start3A_447 : memref<1x!tpu.dma_semaphore, #tpu.memory_space<semaphore_mem>> -> memref<!tpu.dma_semaphore, #tpu.memory_space<semaphore_mem>>
      %dma_start3A_449 = arith.constant 0 : i32
      %dma_start3A_450 = tpu.memref_slice %arg18[%add3A_422, %dma_start3A_449] : memref<128x128xi32, #tpu.memory_space<vmem>> -> memref<1x128xi32, #tpu.memory_space<vmem>>
      %dma_start3A_451 = arith.constant 0 : i32
      %dma_start3A_452 = tpu.memref_slice %arg6[%dma_start3A_451, %multiple_of3A_420] : memref<1x1000000xi32, #tpu.memory_space<hbm>> -> memref<1x128xi32, #tpu.memory_space<hbm>>
      tpu.enqueue_dma source(%dma_start3A_452 : memref<1x128xi32, #tpu.memory_space<hbm>>) target(%dma_start3A_450 : memref<1x128xi32, #tpu.memory_space<vmem>>) target_semaphore(%dma_start3A_448 : memref<!tpu.dma_semaphore, #tpu.memory_space<semaphore_mem>>)
      %slice3A_453 = vector.extract_strided_slice %get3A_27 {offsets = [11], sizes = [1], strides = [1]} : vector<16xi32> to vector<1xi32>
      %squeeze3A_454 = vector.extract %slice3A_453[0] : i32 from vector<1xi32>
      %shift_right_arithmetic3A_455 = arith.constant 7 : i32
      %shift_right_arithmetic3A_456 = arith.shrsi %squeeze3A_454, %shift_right_arithmetic3A_455 : i32
      %shift_left3A_457 = arith.constant 7 : i32
      %shift_left3A_458 = arith.shli %shift_right_arithmetic3A_456, %shift_left3A_457 : i32
      %multiple_of3A_459 = tpu.assume_multiple %shift_left3A_458, 128 : i32
      %add3A_460 = arith.constant 11 : i32
      %add3A_461 = arith.addi %multiple_of3A, %add3A_460 : i32
      %dma_start3A_462 = arith.constant 0 : i32
      %dma_start3A_463 = tpu.memref_slice %arg16[%add3A_461, %dma_start3A_462] : memref<128x128xi32, #tpu.memory_space<vmem>> -> memref<1x128xi32, #tpu.memory_space<vmem>>
      %dma_start3A_464 = arith.constant 0 : i32
      %dma_start3A_465 = tpu.memref_slice %arg3[%dma_start3A_464, %multiple_of3A_459] : memref<1x1000000xi32, #tpu.memory_space<hbm>> -> memref<1x128xi32, #tpu.memory_space<hbm>>
      %dma_start3A_466 = tpu.memref_slice %arg24[%scan3A_24] : memref<8x!tpu.dma_semaphore, #tpu.memory_space<semaphore_mem>> -> memref<1x!tpu.dma_semaphore, #tpu.memory_space<semaphore_mem>>
      %dma_start3A_467 = tpu.memref_squeeze %dma_start3A_466 : memref<1x!tpu.dma_semaphore, #tpu.memory_space<semaphore_mem>> -> memref<!tpu.dma_semaphore, #tpu.memory_space<semaphore_mem>>
      %dma_start3A_468 = arith.constant 0 : i32
      %dma_start3A_469 = tpu.memref_slice %arg16[%add3A_461, %dma_start3A_468] : memref<128x128xi32, #tpu.memory_space<vmem>> -> memref<1x128xi32, #tpu.memory_space<vmem>>
      %dma_start3A_470 = arith.constant 0 : i32
      %dma_start3A_471 = tpu.memref_slice %arg3[%dma_start3A_470, %multiple_of3A_459] : memref<1x1000000xi32, #tpu.memory_space<hbm>> -> memref<1x128xi32, #tpu.memory_space<hbm>>
      tpu.enqueue_dma source(%dma_start3A_471 : memref<1x128xi32, #tpu.memory_space<hbm>>) target(%dma_start3A_469 : memref<1x128xi32, #tpu.memory_space<vmem>>) target_semaphore(%dma_start3A_467 : memref<!tpu.dma_semaphore, #tpu.memory_space<semaphore_mem>>)
      %dma_start3A_472 = arith.constant 0 : i32
      %dma_start3A_473 = tpu.memref_slice %arg17[%add3A_461, %dma_start3A_472] : memref<128x128xf32, #tpu.memory_space<vmem>> -> memref<1x128xf32, #tpu.memory_space<vmem>>
      %dma_start3A_474 = arith.constant 0 : i32
      %dma_start3A_475 = tpu.memref_slice %arg4[%dma_start3A_474, %multiple_of3A_459] : memref<1x1000000xf32, #tpu.memory_space<hbm>> -> memref<1x128xf32, #tpu.memory_space<hbm>>
      %dma_start3A_476 = tpu.memref_slice %arg24[%scan3A_24] : memref<8x!tpu.dma_semaphore, #tpu.memory_space<semaphore_mem>> -> memref<1x!tpu.dma_semaphore, #tpu.memory_space<semaphore_mem>>
      %dma_start3A_477 = tpu.memref_squeeze %dma_start3A_476 : memref<1x!tpu.dma_semaphore, #tpu.memory_space<semaphore_mem>> -> memref<!tpu.dma_semaphore, #tpu.memory_space<semaphore_mem>>
      %dma_start3A_478 = arith.constant 0 : i32
      %dma_start3A_479 = tpu.memref_slice %arg17[%add3A_461, %dma_start3A_478] : memref<128x128xf32, #tpu.memory_space<vmem>> -> memref<1x128xf32, #tpu.memory_space<vmem>>
      %dma_start3A_480 = arith.constant 0 : i32
      %dma_start3A_481 = tpu.memref_slice %arg4[%dma_start3A_480, %multiple_of3A_459] : memref<1x1000000xf32, #tpu.memory_space<hbm>> -> memref<1x128xf32, #tpu.memory_space<hbm>>
      tpu.enqueue_dma source(%dma_start3A_481 : memref<1x128xf32, #tpu.memory_space<hbm>>) target(%dma_start3A_479 : memref<1x128xf32, #tpu.memory_space<vmem>>) target_semaphore(%dma_start3A_477 : memref<!tpu.dma_semaphore, #tpu.memory_space<semaphore_mem>>)
      %dma_start3A_482 = arith.constant 0 : i32
      %dma_start3A_483 = tpu.memref_slice %arg18[%add3A_461, %dma_start3A_482] : memref<128x128xi32, #tpu.memory_space<vmem>> -> memref<1x128xi32, #tpu.memory_space<vmem>>
      %dma_start3A_484 = arith.constant 0 : i32
      %dma_start3A_485 = tpu.memref_slice %arg6[%dma_start3A_484, %multiple_of3A_459] : memref<1x1000000xi32, #tpu.memory_space<hbm>> -> memref<1x128xi32, #tpu.memory_space<hbm>>
      %dma_start3A_486 = tpu.memref_slice %arg24[%scan3A_24] : memref<8x!tpu.dma_semaphore, #tpu.memory_space<semaphore_mem>> -> memref<1x!tpu.dma_semaphore, #tpu.memory_space<semaphore_mem>>
      %dma_start3A_487 = tpu.memref_squeeze %dma_start3A_486 : memref<1x!tpu.dma_semaphore, #tpu.memory_space<semaphore_mem>> -> memref<!tpu.dma_semaphore, #tpu.memory_space<semaphore_mem>>
      %dma_start3A_488 = arith.constant 0 : i32
      %dma_start3A_489 = tpu.memref_slice %arg18[%add3A_461, %dma_start3A_488] : memref<128x128xi32, #tpu.memory_space<vmem>> -> memref<1x128xi32, #tpu.memory_space<vmem>>
      %dma_start3A_490 = arith.constant 0 : i32
      %dma_start3A_491 = tpu.memref_slice %arg6[%dma_start3A_490, %multiple_of3A_459] : memref<1x1000000xi32, #tpu.memory_space<hbm>> -> memref<1x128xi32, #tpu.memory_space<hbm>>
      tpu.enqueue_dma source(%dma_start3A_491 : memref<1x128xi32, #tpu.memory_space<hbm>>) target(%dma_start3A_489 : memref<1x128xi32, #tpu.memory_space<vmem>>) target_semaphore(%dma_start3A_487 : memref<!tpu.dma_semaphore, #tpu.memory_space<semaphore_mem>>)
      %slice3A_492 = vector.extract_strided_slice %get3A_27 {offsets = [12], sizes = [1], strides = [1]} : vector<16xi32> to vector<1xi32>
      %squeeze3A_493 = vector.extract %slice3A_492[0] : i32 from vector<1xi32>
      %shift_right_arithmetic3A_494 = arith.constant 7 : i32
      %shift_right_arithmetic3A_495 = arith.shrsi %squeeze3A_493, %shift_right_arithmetic3A_494 : i32
      %shift_left3A_496 = arith.constant 7 : i32
      %shift_left3A_497 = arith.shli %shift_right_arithmetic3A_495, %shift_left3A_496 : i32
      %multiple_of3A_498 = tpu.assume_multiple %shift_left3A_497, 128 : i32
      %add3A_499 = arith.constant 12 : i32
      %add3A_500 = arith.addi %multiple_of3A, %add3A_499 : i32
      %dma_start3A_501 = arith.constant 0 : i32
      %dma_start3A_502 = tpu.memref_slice %arg16[%add3A_500, %dma_start3A_501] : memref<128x128xi32, #tpu.memory_space<vmem>> -> memref<1x128xi32, #tpu.memory_space<vmem>>
      %dma_start3A_503 = arith.constant 0 : i32
      %dma_start3A_504 = tpu.memref_slice %arg3[%dma_start3A_503, %multiple_of3A_498] : memref<1x1000000xi32, #tpu.memory_space<hbm>> -> memref<1x128xi32, #tpu.memory_space<hbm>>
      %dma_start3A_505 = tpu.memref_slice %arg24[%scan3A_24] : memref<8x!tpu.dma_semaphore, #tpu.memory_space<semaphore_mem>> -> memref<1x!tpu.dma_semaphore, #tpu.memory_space<semaphore_mem>>
      %dma_start3A_506 = tpu.memref_squeeze %dma_start3A_505 : memref<1x!tpu.dma_semaphore, #tpu.memory_space<semaphore_mem>> -> memref<!tpu.dma_semaphore, #tpu.memory_space<semaphore_mem>>
      %dma_start3A_507 = arith.constant 0 : i32
      %dma_start3A_508 = tpu.memref_slice %arg16[%add3A_500, %dma_start3A_507] : memref<128x128xi32, #tpu.memory_space<vmem>> -> memref<1x128xi32, #tpu.memory_space<vmem>>
      %dma_start3A_509 = arith.constant 0 : i32
      %dma_start3A_510 = tpu.memref_slice %arg3[%dma_start3A_509, %multiple_of3A_498] : memref<1x1000000xi32, #tpu.memory_space<hbm>> -> memref<1x128xi32, #tpu.memory_space<hbm>>
      tpu.enqueue_dma source(%dma_start3A_510 : memref<1x128xi32, #tpu.memory_space<hbm>>) target(%dma_start3A_508 : memref<1x128xi32, #tpu.memory_space<vmem>>) target_semaphore(%dma_start3A_506 : memref<!tpu.dma_semaphore, #tpu.memory_space<semaphore_mem>>)
      %dma_start3A_511 = arith.constant 0 : i32
      %dma_start3A_512 = tpu.memref_slice %arg17[%add3A_500, %dma_start3A_511] : memref<128x128xf32, #tpu.memory_space<vmem>> -> memref<1x128xf32, #tpu.memory_space<vmem>>
      %dma_start3A_513 = arith.constant 0 : i32
      %dma_start3A_514 = tpu.memref_slice %arg4[%dma_start3A_513, %multiple_of3A_498] : memref<1x1000000xf32, #tpu.memory_space<hbm>> -> memref<1x128xf32, #tpu.memory_space<hbm>>
      %dma_start3A_515 = tpu.memref_slice %arg24[%scan3A_24] : memref<8x!tpu.dma_semaphore, #tpu.memory_space<semaphore_mem>> -> memref<1x!tpu.dma_semaphore, #tpu.memory_space<semaphore_mem>>
      %dma_start3A_516 = tpu.memref_squeeze %dma_start3A_515 : memref<1x!tpu.dma_semaphore, #tpu.memory_space<semaphore_mem>> -> memref<!tpu.dma_semaphore, #tpu.memory_space<semaphore_mem>>
      %dma_start3A_517 = arith.constant 0 : i32
      %dma_start3A_518 = tpu.memref_slice %arg17[%add3A_500, %dma_start3A_517] : memref<128x128xf32, #tpu.memory_space<vmem>> -> memref<1x128xf32, #tpu.memory_space<vmem>>
      %dma_start3A_519 = arith.constant 0 : i32
      %dma_start3A_520 = tpu.memref_slice %arg4[%dma_start3A_519, %multiple_of3A_498] : memref<1x1000000xf32, #tpu.memory_space<hbm>> -> memref<1x128xf32, #tpu.memory_space<hbm>>
      tpu.enqueue_dma source(%dma_start3A_520 : memref<1x128xf32, #tpu.memory_space<hbm>>) target(%dma_start3A_518 : memref<1x128xf32, #tpu.memory_space<vmem>>) target_semaphore(%dma_start3A_516 : memref<!tpu.dma_semaphore, #tpu.memory_space<semaphore_mem>>)
      %dma_start3A_521 = arith.constant 0 : i32
      %dma_start3A_522 = tpu.memref_slice %arg18[%add3A_500, %dma_start3A_521] : memref<128x128xi32, #tpu.memory_space<vmem>> -> memref<1x128xi32, #tpu.memory_space<vmem>>
      %dma_start3A_523 = arith.constant 0 : i32
      %dma_start3A_524 = tpu.memref_slice %arg6[%dma_start3A_523, %multiple_of3A_498] : memref<1x1000000xi32, #tpu.memory_space<hbm>> -> memref<1x128xi32, #tpu.memory_space<hbm>>
      %dma_start3A_525 = tpu.memref_slice %arg24[%scan3A_24] : memref<8x!tpu.dma_semaphore, #tpu.memory_space<semaphore_mem>> -> memref<1x!tpu.dma_semaphore, #tpu.memory_space<semaphore_mem>>
      %dma_start3A_526 = tpu.memref_squeeze %dma_start3A_525 : memref<1x!tpu.dma_semaphore, #tpu.memory_space<semaphore_mem>> -> memref<!tpu.dma_semaphore, #tpu.memory_space<semaphore_mem>>
      %dma_start3A_527 = arith.constant 0 : i32
      %dma_start3A_528 = tpu.memref_slice %arg18[%add3A_500, %dma_start3A_527] : memref<128x128xi32, #tpu.memory_space<vmem>> -> memref<1x128xi32, #tpu.memory_space<vmem>>
      %dma_start3A_529 = arith.constant 0 : i32
      %dma_start3A_530 = tpu.memref_slice %arg6[%dma_start3A_529, %multiple_of3A_498] : memref<1x1000000xi32, #tpu.memory_space<hbm>> -> memref<1x128xi32, #tpu.memory_space<hbm>>
      tpu.enqueue_dma source(%dma_start3A_530 : memref<1x128xi32, #tpu.memory_space<hbm>>) target(%dma_start3A_528 : memref<1x128xi32, #tpu.memory_space<vmem>>) target_semaphore(%dma_start3A_526 : memref<!tpu.dma_semaphore, #tpu.memory_space<semaphore_mem>>)
      %slice3A_531 = vector.extract_strided_slice %get3A_27 {offsets = [13], sizes = [1], strides = [1]} : vector<16xi32> to vector<1xi32>
      %squeeze3A_532 = vector.extract %slice3A_531[0] : i32 from vector<1xi32>
      %shift_right_arithmetic3A_533 = arith.constant 7 : i32
      %shift_right_arithmetic3A_534 = arith.shrsi %squeeze3A_532, %shift_right_arithmetic3A_533 : i32
      %shift_left3A_535 = arith.constant 7 : i32
      %shift_left3A_536 = arith.shli %shift_right_arithmetic3A_534, %shift_left3A_535 : i32
      %multiple_of3A_537 = tpu.assume_multiple %shift_left3A_536, 128 : i32
      %add3A_538 = arith.constant 13 : i32
      %add3A_539 = arith.addi %multiple_of3A, %add3A_538 : i32
      %dma_start3A_540 = arith.constant 0 : i32
      %dma_start3A_541 = tpu.memref_slice %arg16[%add3A_539, %dma_start3A_540] : memref<128x128xi32, #tpu.memory_space<vmem>> -> memref<1x128xi32, #tpu.memory_space<vmem>>
      %dma_start3A_542 = arith.constant 0 : i32
      %dma_start3A_543 = tpu.memref_slice %arg3[%dma_start3A_542, %multiple_of3A_537] : memref<1x1000000xi32, #tpu.memory_space<hbm>> -> memref<1x128xi32, #tpu.memory_space<hbm>>
      %dma_start3A_544 = tpu.memref_slice %arg24[%scan3A_24] : memref<8x!tpu.dma_semaphore, #tpu.memory_space<semaphore_mem>> -> memref<1x!tpu.dma_semaphore, #tpu.memory_space<semaphore_mem>>
      %dma_start3A_545 = tpu.memref_squeeze %dma_start3A_544 : memref<1x!tpu.dma_semaphore, #tpu.memory_space<semaphore_mem>> -> memref<!tpu.dma_semaphore, #tpu.memory_space<semaphore_mem>>
      %dma_start3A_546 = arith.constant 0 : i32
      %dma_start3A_547 = tpu.memref_slice %arg16[%add3A_539, %dma_start3A_546] : memref<128x128xi32, #tpu.memory_space<vmem>> -> memref<1x128xi32, #tpu.memory_space<vmem>>
      %dma_start3A_548 = arith.constant 0 : i32
      %dma_start3A_549 = tpu.memref_slice %arg3[%dma_start3A_548, %multiple_of3A_537] : memref<1x1000000xi32, #tpu.memory_space<hbm>> -> memref<1x128xi32, #tpu.memory_space<hbm>>
      tpu.enqueue_dma source(%dma_start3A_549 : memref<1x128xi32, #tpu.memory_space<hbm>>) target(%dma_start3A_547 : memref<1x128xi32, #tpu.memory_space<vmem>>) target_semaphore(%dma_start3A_545 : memref<!tpu.dma_semaphore, #tpu.memory_space<semaphore_mem>>)
      %dma_start3A_550 = arith.constant 0 : i32
      %dma_start3A_551 = tpu.memref_slice %arg17[%add3A_539, %dma_start3A_550] : memref<128x128xf32, #tpu.memory_space<vmem>> -> memref<1x128xf32, #tpu.memory_space<vmem>>
      %dma_start3A_552 = arith.constant 0 : i32
      %dma_start3A_553 = tpu.memref_slice %arg4[%dma_start3A_552, %multiple_of3A_537] : memref<1x1000000xf32, #tpu.memory_space<hbm>> -> memref<1x128xf32, #tpu.memory_space<hbm>>
      %dma_start3A_554 = tpu.memref_slice %arg24[%scan3A_24] : memref<8x!tpu.dma_semaphore, #tpu.memory_space<semaphore_mem>> -> memref<1x!tpu.dma_semaphore, #tpu.memory_space<semaphore_mem>>
      %dma_start3A_555 = tpu.memref_squeeze %dma_start3A_554 : memref<1x!tpu.dma_semaphore, #tpu.memory_space<semaphore_mem>> -> memref<!tpu.dma_semaphore, #tpu.memory_space<semaphore_mem>>
      %dma_start3A_556 = arith.constant 0 : i32
      %dma_start3A_557 = tpu.memref_slice %arg17[%add3A_539, %dma_start3A_556] : memref<128x128xf32, #tpu.memory_space<vmem>> -> memref<1x128xf32, #tpu.memory_space<vmem>>
      %dma_start3A_558 = arith.constant 0 : i32
      %dma_start3A_559 = tpu.memref_slice %arg4[%dma_start3A_558, %multiple_of3A_537] : memref<1x1000000xf32, #tpu.memory_space<hbm>> -> memref<1x128xf32, #tpu.memory_space<hbm>>
      tpu.enqueue_dma source(%dma_start3A_559 : memref<1x128xf32, #tpu.memory_space<hbm>>) target(%dma_start3A_557 : memref<1x128xf32, #tpu.memory_space<vmem>>) target_semaphore(%dma_start3A_555 : memref<!tpu.dma_semaphore, #tpu.memory_space<semaphore_mem>>)
      %dma_start3A_560 = arith.constant 0 : i32
      %dma_start3A_561 = tpu.memref_slice %arg18[%add3A_539, %dma_start3A_560] : memref<128x128xi32, #tpu.memory_space<vmem>> -> memref<1x128xi32, #tpu.memory_space<vmem>>
      %dma_start3A_562 = arith.constant 0 : i32
      %dma_start3A_563 = tpu.memref_slice %arg6[%dma_start3A_562, %multiple_of3A_537] : memref<1x1000000xi32, #tpu.memory_space<hbm>> -> memref<1x128xi32, #tpu.memory_space<hbm>>
      %dma_start3A_564 = tpu.memref_slice %arg24[%scan3A_24] : memref<8x!tpu.dma_semaphore, #tpu.memory_space<semaphore_mem>> -> memref<1x!tpu.dma_semaphore, #tpu.memory_space<semaphore_mem>>
      %dma_start3A_565 = tpu.memref_squeeze %dma_start3A_564 : memref<1x!tpu.dma_semaphore, #tpu.memory_space<semaphore_mem>> -> memref<!tpu.dma_semaphore, #tpu.memory_space<semaphore_mem>>
      %dma_start3A_566 = arith.constant 0 : i32
      %dma_start3A_567 = tpu.memref_slice %arg18[%add3A_539, %dma_start3A_566] : memref<128x128xi32, #tpu.memory_space<vmem>> -> memref<1x128xi32, #tpu.memory_space<vmem>>
      %dma_start3A_568 = arith.constant 0 : i32
      %dma_start3A_569 = tpu.memref_slice %arg6[%dma_start3A_568, %multiple_of3A_537] : memref<1x1000000xi32, #tpu.memory_space<hbm>> -> memref<1x128xi32, #tpu.memory_space<hbm>>
      tpu.enqueue_dma source(%dma_start3A_569 : memref<1x128xi32, #tpu.memory_space<hbm>>) target(%dma_start3A_567 : memref<1x128xi32, #tpu.memory_space<vmem>>) target_semaphore(%dma_start3A_565 : memref<!tpu.dma_semaphore, #tpu.memory_space<semaphore_mem>>)
      %slice3A_570 = vector.extract_strided_slice %get3A_27 {offsets = [14], sizes = [1], strides = [1]} : vector<16xi32> to vector<1xi32>
      %squeeze3A_571 = vector.extract %slice3A_570[0] : i32 from vector<1xi32>
      %shift_right_arithmetic3A_572 = arith.constant 7 : i32
      %shift_right_arithmetic3A_573 = arith.shrsi %squeeze3A_571, %shift_right_arithmetic3A_572 : i32
      %shift_left3A_574 = arith.constant 7 : i32
      %shift_left3A_575 = arith.shli %shift_right_arithmetic3A_573, %shift_left3A_574 : i32
      %multiple_of3A_576 = tpu.assume_multiple %shift_left3A_575, 128 : i32
      %add3A_577 = arith.constant 14 : i32
      %add3A_578 = arith.addi %multiple_of3A, %add3A_577 : i32
      %dma_start3A_579 = arith.constant 0 : i32
      %dma_start3A_580 = tpu.memref_slice %arg16[%add3A_578, %dma_start3A_579] : memref<128x128xi32, #tpu.memory_space<vmem>> -> memref<1x128xi32, #tpu.memory_space<vmem>>
      %dma_start3A_581 = arith.constant 0 : i32
      %dma_start3A_582 = tpu.memref_slice %arg3[%dma_start3A_581, %multiple_of3A_576] : memref<1x1000000xi32, #tpu.memory_space<hbm>> -> memref<1x128xi32, #tpu.memory_space<hbm>>
      %dma_start3A_583 = tpu.memref_slice %arg24[%scan3A_24] : memref<8x!tpu.dma_semaphore, #tpu.memory_space<semaphore_mem>> -> memref<1x!tpu.dma_semaphore, #tpu.memory_space<semaphore_mem>>
      %dma_start3A_584 = tpu.memref_squeeze %dma_start3A_583 : memref<1x!tpu.dma_semaphore, #tpu.memory_space<semaphore_mem>> -> memref<!tpu.dma_semaphore, #tpu.memory_space<semaphore_mem>>
      %dma_start3A_585 = arith.constant 0 : i32
      %dma_start3A_586 = tpu.memref_slice %arg16[%add3A_578, %dma_start3A_585] : memref<128x128xi32, #tpu.memory_space<vmem>> -> memref<1x128xi32, #tpu.memory_space<vmem>>
      %dma_start3A_587 = arith.constant 0 : i32
      %dma_start3A_588 = tpu.memref_slice %arg3[%dma_start3A_587, %multiple_of3A_576] : memref<1x1000000xi32, #tpu.memory_space<hbm>> -> memref<1x128xi32, #tpu.memory_space<hbm>>
      tpu.enqueue_dma source(%dma_start3A_588 : memref<1x128xi32, #tpu.memory_space<hbm>>) target(%dma_start3A_586 : memref<1x128xi32, #tpu.memory_space<vmem>>) target_semaphore(%dma_start3A_584 : memref<!tpu.dma_semaphore, #tpu.memory_space<semaphore_mem>>)
      %dma_start3A_589 = arith.constant 0 : i32
      %dma_start3A_590 = tpu.memref_slice %arg17[%add3A_578, %dma_start3A_589] : memref<128x128xf32, #tpu.memory_space<vmem>> -> memref<1x128xf32, #tpu.memory_space<vmem>>
      %dma_start3A_591 = arith.constant 0 : i32
      %dma_start3A_592 = tpu.memref_slice %arg4[%dma_start3A_591, %multiple_of3A_576] : memref<1x1000000xf32, #tpu.memory_space<hbm>> -> memref<1x128xf32, #tpu.memory_space<hbm>>
      %dma_start3A_593 = tpu.memref_slice %arg24[%scan3A_24] : memref<8x!tpu.dma_semaphore, #tpu.memory_space<semaphore_mem>> -> memref<1x!tpu.dma_semaphore, #tpu.memory_space<semaphore_mem>>
      %dma_start3A_594 = tpu.memref_squeeze %dma_start3A_593 : memref<1x!tpu.dma_semaphore, #tpu.memory_space<semaphore_mem>> -> memref<!tpu.dma_semaphore, #tpu.memory_space<semaphore_mem>>
      %dma_start3A_595 = arith.constant 0 : i32
      %dma_start3A_596 = tpu.memref_slice %arg17[%add3A_578, %dma_start3A_595] : memref<128x128xf32, #tpu.memory_space<vmem>> -> memref<1x128xf32, #tpu.memory_space<vmem>>
      %dma_start3A_597 = arith.constant 0 : i32
      %dma_start3A_598 = tpu.memref_slice %arg4[%dma_start3A_597, %multiple_of3A_576] : memref<1x1000000xf32, #tpu.memory_space<hbm>> -> memref<1x128xf32, #tpu.memory_space<hbm>>
      tpu.enqueue_dma source(%dma_start3A_598 : memref<1x128xf32, #tpu.memory_space<hbm>>) target(%dma_start3A_596 : memref<1x128xf32, #tpu.memory_space<vmem>>) target_semaphore(%dma_start3A_594 : memref<!tpu.dma_semaphore, #tpu.memory_space<semaphore_mem>>)
      %dma_start3A_599 = arith.constant 0 : i32
      %dma_start3A_600 = tpu.memref_slice %arg18[%add3A_578, %dma_start3A_599] : memref<128x128xi32, #tpu.memory_space<vmem>> -> memref<1x128xi32, #tpu.memory_space<vmem>>
      %dma_start3A_601 = arith.constant 0 : i32
      %dma_start3A_602 = tpu.memref_slice %arg6[%dma_start3A_601, %multiple_of3A_576] : memref<1x1000000xi32, #tpu.memory_space<hbm>> -> memref<1x128xi32, #tpu.memory_space<hbm>>
      %dma_start3A_603 = tpu.memref_slice %arg24[%scan3A_24] : memref<8x!tpu.dma_semaphore, #tpu.memory_space<semaphore_mem>> -> memref<1x!tpu.dma_semaphore, #tpu.memory_space<semaphore_mem>>
      %dma_start3A_604 = tpu.memref_squeeze %dma_start3A_603 : memref<1x!tpu.dma_semaphore, #tpu.memory_space<semaphore_mem>> -> memref<!tpu.dma_semaphore, #tpu.memory_space<semaphore_mem>>
      %dma_start3A_605 = arith.constant 0 : i32
      %dma_start3A_606 = tpu.memref_slice %arg18[%add3A_578, %dma_start3A_605] : memref<128x128xi32, #tpu.memory_space<vmem>> -> memref<1x128xi32, #tpu.memory_space<vmem>>
      %dma_start3A_607 = arith.constant 0 : i32
      %dma_start3A_608 = tpu.memref_slice %arg6[%dma_start3A_607, %multiple_of3A_576] : memref<1x1000000xi32, #tpu.memory_space<hbm>> -> memref<1x128xi32, #tpu.memory_space<hbm>>
      tpu.enqueue_dma source(%dma_start3A_608 : memref<1x128xi32, #tpu.memory_space<hbm>>) target(%dma_start3A_606 : memref<1x128xi32, #tpu.memory_space<vmem>>) target_semaphore(%dma_start3A_604 : memref<!tpu.dma_semaphore, #tpu.memory_space<semaphore_mem>>)
      %slice3A_609 = vector.extract_strided_slice %get3A_27 {offsets = [15], sizes = [1], strides = [1]} : vector<16xi32> to vector<1xi32>
      %squeeze3A_610 = vector.extract %slice3A_609[0] : i32 from vector<1xi32>
      %shift_right_arithmetic3A_611 = arith.constant 7 : i32
      %shift_right_arithmetic3A_612 = arith.shrsi %squeeze3A_610, %shift_right_arithmetic3A_611 : i32
      %shift_left3A_613 = arith.constant 7 : i32
      %shift_left3A_614 = arith.shli %shift_right_arithmetic3A_612, %shift_left3A_613 : i32
      %multiple_of3A_615 = tpu.assume_multiple %shift_left3A_614, 128 : i32
      %add3A_616 = arith.constant 15 : i32
      %add3A_617 = arith.addi %multiple_of3A, %add3A_616 : i32
      %dma_start3A_618 = arith.constant 0 : i32
      %dma_start3A_619 = tpu.memref_slice %arg16[%add3A_617, %dma_start3A_618] : memref<128x128xi32, #tpu.memory_space<vmem>> -> memref<1x128xi32, #tpu.memory_space<vmem>>
      %dma_start3A_620 = arith.constant 0 : i32
      %dma_start3A_621 = tpu.memref_slice %arg3[%dma_start3A_620, %multiple_of3A_615] : memref<1x1000000xi32, #tpu.memory_space<hbm>> -> memref<1x128xi32, #tpu.memory_space<hbm>>
      %dma_start3A_622 = tpu.memref_slice %arg24[%scan3A_24] : memref<8x!tpu.dma_semaphore, #tpu.memory_space<semaphore_mem>> -> memref<1x!tpu.dma_semaphore, #tpu.memory_space<semaphore_mem>>
      %dma_start3A_623 = tpu.memref_squeeze %dma_start3A_622 : memref<1x!tpu.dma_semaphore, #tpu.memory_space<semaphore_mem>> -> memref<!tpu.dma_semaphore, #tpu.memory_space<semaphore_mem>>
      %dma_start3A_624 = arith.constant 0 : i32
      %dma_start3A_625 = tpu.memref_slice %arg16[%add3A_617, %dma_start3A_624] : memref<128x128xi32, #tpu.memory_space<vmem>> -> memref<1x128xi32, #tpu.memory_space<vmem>>
      %dma_start3A_626 = arith.constant 0 : i32
      %dma_start3A_627 = tpu.memref_slice %arg3[%dma_start3A_626, %multiple_of3A_615] : memref<1x1000000xi32, #tpu.memory_space<hbm>> -> memref<1x128xi32, #tpu.memory_space<hbm>>
      tpu.enqueue_dma source(%dma_start3A_627 : memref<1x128xi32, #tpu.memory_space<hbm>>) target(%dma_start3A_625 : memref<1x128xi32, #tpu.memory_space<vmem>>) target_semaphore(%dma_start3A_623 : memref<!tpu.dma_semaphore, #tpu.memory_space<semaphore_mem>>)
      %dma_start3A_628 = arith.constant 0 : i32
      %dma_start3A_629 = tpu.memref_slice %arg17[%add3A_617, %dma_start3A_628] : memref<128x128xf32, #tpu.memory_space<vmem>> -> memref<1x128xf32, #tpu.memory_space<vmem>>
      %dma_start3A_630 = arith.constant 0 : i32
      %dma_start3A_631 = tpu.memref_slice %arg4[%dma_start3A_630, %multiple_of3A_615] : memref<1x1000000xf32, #tpu.memory_space<hbm>> -> memref<1x128xf32, #tpu.memory_space<hbm>>
      %dma_start3A_632 = tpu.memref_slice %arg24[%scan3A_24] : memref<8x!tpu.dma_semaphore, #tpu.memory_space<semaphore_mem>> -> memref<1x!tpu.dma_semaphore, #tpu.memory_space<semaphore_mem>>
      %dma_start3A_633 = tpu.memref_squeeze %dma_start3A_632 : memref<1x!tpu.dma_semaphore, #tpu.memory_space<semaphore_mem>> -> memref<!tpu.dma_semaphore, #tpu.memory_space<semaphore_mem>>
      %dma_start3A_634 = arith.constant 0 : i32
      %dma_start3A_635 = tpu.memref_slice %arg17[%add3A_617, %dma_start3A_634] : memref<128x128xf32, #tpu.memory_space<vmem>> -> memref<1x128xf32, #tpu.memory_space<vmem>>
      %dma_start3A_636 = arith.constant 0 : i32
      %dma_start3A_637 = tpu.memref_slice %arg4[%dma_start3A_636, %multiple_of3A_615] : memref<1x1000000xf32, #tpu.memory_space<hbm>> -> memref<1x128xf32, #tpu.memory_space<hbm>>
      tpu.enqueue_dma source(%dma_start3A_637 : memref<1x128xf32, #tpu.memory_space<hbm>>) target(%dma_start3A_635 : memref<1x128xf32, #tpu.memory_space<vmem>>) target_semaphore(%dma_start3A_633 : memref<!tpu.dma_semaphore, #tpu.memory_space<semaphore_mem>>)
      %dma_start3A_638 = arith.constant 0 : i32
      %dma_start3A_639 = tpu.memref_slice %arg18[%add3A_617, %dma_start3A_638] : memref<128x128xi32, #tpu.memory_space<vmem>> -> memref<1x128xi32, #tpu.memory_space<vmem>>
      %dma_start3A_640 = arith.constant 0 : i32
      %dma_start3A_641 = tpu.memref_slice %arg6[%dma_start3A_640, %multiple_of3A_615] : memref<1x1000000xi32, #tpu.memory_space<hbm>> -> memref<1x128xi32, #tpu.memory_space<hbm>>
      %dma_start3A_642 = tpu.memref_slice %arg24[%scan3A_24] : memref<8x!tpu.dma_semaphore, #tpu.memory_space<semaphore_mem>> -> memref<1x!tpu.dma_semaphore, #tpu.memory_space<semaphore_mem>>
      %dma_start3A_643 = tpu.memref_squeeze %dma_start3A_642 : memref<1x!tpu.dma_semaphore, #tpu.memory_space<semaphore_mem>> -> memref<!tpu.dma_semaphore, #tpu.memory_space<semaphore_mem>>
      %dma_start3A_644 = arith.constant 0 : i32
      %dma_start3A_645 = tpu.memref_slice %arg18[%add3A_617, %dma_start3A_644] : memref<128x128xi32, #tpu.memory_space<vmem>> -> memref<1x128xi32, #tpu.memory_space<vmem>>
      %dma_start3A_646 = arith.constant 0 : i32
      %dma_start3A_647 = tpu.memref_slice %arg6[%dma_start3A_646, %multiple_of3A_615] : memref<1x1000000xi32, #tpu.memory_space<hbm>> -> memref<1x128xi32, #tpu.memory_space<hbm>>
      tpu.enqueue_dma source(%dma_start3A_647 : memref<1x128xi32, #tpu.memory_space<hbm>>) target(%dma_start3A_645 : memref<1x128xi32, #tpu.memory_space<vmem>>) target_semaphore(%dma_start3A_643 : memref<!tpu.dma_semaphore, #tpu.memory_space<semaphore_mem>>)
    }
    %scan3A_7 = arith.constant 8 : i32
    %dma_start3A = arith.constant 0 : i32
    %dma_start3A_8 = arith.constant 0 : i32
    %dma_start3A_9 = tpu.memref_slice %arg2[%dma_start3A, %dma_start3A_8] : memref<1000000x128xf32, #tpu.memory_space<hbm>> -> memref<1000000x128xf32, #tpu.memory_space<hbm>>
    tpu.enqueue_indirect_dma source(%dma_start3A_9 : memref<1000000x128xf32, #tpu.memory_space<hbm>>) target(%arg14 : memref<128x128xf32, #tpu.memory_space<vmem>>) offsets(%arg13 : memref<128xi32, #tpu.memory_space<vmem>>) semaphore(%arg22 : memref<!tpu.dma_semaphore, #tpu.memory_space<semaphore_mem>>)
    %dma_start3A_10 = arith.constant 0 : i32
    %dma_start3A_11 = arith.constant 0 : i32
    %dma_start3A_12 = tpu.memref_slice %arg5[%dma_start3A_10, %dma_start3A_11] : memref<1000000x128xf32, #tpu.memory_space<hbm>> -> memref<1000000x128xf32, #tpu.memory_space<hbm>>
    tpu.enqueue_indirect_dma source(%dma_start3A_12 : memref<1000000x128xf32, #tpu.memory_space<hbm>>) target(%arg15 : memref<128x128xf32, #tpu.memory_space<vmem>>) offsets(%arg13 : memref<128xi32, #tpu.memory_space<vmem>>) semaphore(%arg23 : memref<!tpu.dma_semaphore, #tpu.memory_space<semaphore_mem>>)
    %scan3A_13 = arith.constant 0 : i32
    %scan3A_14 = arith.constant 0 : i32
    %scan3A_15 = arith.constant 8 : i32
    %scan3A_16 = arith.addi %scan3A_14, %scan3A_15 : i32
    %scan3A_17 = arith.constant 1 : i32
    scf.for %scan3A_24 = %scan3A_14 to %scan3A_16 step %scan3A_17  : i32 {
      %mul3A_25 = arith.constant 16 : i32
      %mul3A_26 = arith.muli %scan3A_24, %mul3A_25 : i32
      %multiple_of3A = tpu.assume_multiple %mul3A_26, 16 : i32
      %add3A_27 = arith.constant 0 : i32
      %add3A_28 = arith.addi %multiple_of3A, %add3A_27 : i32
      %dma_wait3A_29 = arith.constant 0 : i32
      %dma_wait3A_30 = tpu.memref_slice %arg16[%add3A_28, %dma_wait3A_29] : memref<128x128xi32, #tpu.memory_space<vmem>> -> memref<1x128xi32, #tpu.memory_space<vmem>>
      %dma_wait3A_31 = arith.constant 0 : i32
      %dma_wait3A_32 = arith.constant 0 : i32
      %dma_wait3A_33 = tpu.memref_slice %arg3[%dma_wait3A_31, %dma_wait3A_32] : memref<1x1000000xi32, #tpu.memory_space<hbm>> -> memref<1x128xi32, #tpu.memory_space<hbm>>
      %dma_wait3A_34 = tpu.memref_slice %arg24[%scan3A_24] : memref<8x!tpu.dma_semaphore, #tpu.memory_space<semaphore_mem>> -> memref<1x!tpu.dma_semaphore, #tpu.memory_space<semaphore_mem>>
      %dma_wait3A_35 = tpu.memref_squeeze %dma_wait3A_34 : memref<1x!tpu.dma_semaphore, #tpu.memory_space<semaphore_mem>> -> memref<!tpu.dma_semaphore, #tpu.memory_space<semaphore_mem>>
      %dma_wait3A_36 = arith.constant 0 : i32
      %dma_wait3A_37 = tpu.memref_slice %arg16[%add3A_28, %dma_wait3A_36] : memref<128x128xi32, #tpu.memory_space<vmem>> -> memref<1x128xi32, #tpu.memory_space<vmem>>
      %dma_wait3A_38 = arith.constant 0 : i32
      %dma_wait3A_39 = arith.constant 0 : i32
      %dma_wait3A_40 = tpu.memref_slice %arg3[%dma_wait3A_38, %dma_wait3A_39] : memref<1x1000000xi32, #tpu.memory_space<hbm>> -> memref<1x128xi32, #tpu.memory_space<hbm>>
      tpu.wait_dma2 semaphore(%dma_wait3A_35 : memref<!tpu.dma_semaphore, #tpu.memory_space<semaphore_mem>>) src(%dma_wait3A_40 : memref<1x128xi32, #tpu.memory_space<hbm>>) dst(%dma_wait3A_37 : memref<1x128xi32, #tpu.memory_space<vmem>>)
      %dma_wait3A_41 = arith.constant 0 : i32
      %dma_wait3A_42 = tpu.memref_slice %arg17[%add3A_28, %dma_wait3A_41] : memref<128x128xf32, #tpu.memory_space<vmem>> -> memref<1x128xf32, #tpu.memory_space<vmem>>
      %dma_wait3A_43 = arith.constant 0 : i32
      %dma_wait3A_44 = arith.constant 0 : i32
      %dma_wait3A_45 = tpu.memref_slice %arg4[%dma_wait3A_43, %dma_wait3A_44] : memref<1x1000000xf32, #tpu.memory_space<hbm>> -> memref<1x128xf32, #tpu.memory_space<hbm>>
      %dma_wait3A_46 = tpu.memref_slice %arg24[%scan3A_24] : memref<8x!tpu.dma_semaphore, #tpu.memory_space<semaphore_mem>> -> memref<1x!tpu.dma_semaphore, #tpu.memory_space<semaphore_mem>>
      %dma_wait3A_47 = tpu.memref_squeeze %dma_wait3A_46 : memref<1x!tpu.dma_semaphore, #tpu.memory_space<semaphore_mem>> -> memref<!tpu.dma_semaphore, #tpu.memory_space<semaphore_mem>>
      %dma_wait3A_48 = arith.constant 0 : i32
      %dma_wait3A_49 = tpu.memref_slice %arg17[%add3A_28, %dma_wait3A_48] : memref<128x128xf32, #tpu.memory_space<vmem>> -> memref<1x128xf32, #tpu.memory_space<vmem>>
      %dma_wait3A_50 = arith.constant 0 : i32
      %dma_wait3A_51 = arith.constant 0 : i32
      %dma_wait3A_52 = tpu.memref_slice %arg4[%dma_wait3A_50, %dma_wait3A_51] : memref<1x1000000xf32, #tpu.memory_space<hbm>> -> memref<1x128xf32, #tpu.memory_space<hbm>>
      tpu.wait_dma2 semaphore(%dma_wait3A_47 : memref<!tpu.dma_semaphore, #tpu.memory_space<semaphore_mem>>) src(%dma_wait3A_52 : memref<1x128xf32, #tpu.memory_space<hbm>>) dst(%dma_wait3A_49 : memref<1x128xf32, #tpu.memory_space<vmem>>)
      %dma_wait3A_53 = arith.constant 0 : i32
      %dma_wait3A_54 = tpu.memref_slice %arg18[%add3A_28, %dma_wait3A_53] : memref<128x128xi32, #tpu.memory_space<vmem>> -> memref<1x128xi32, #tpu.memory_space<vmem>>
      %dma_wait3A_55 = arith.constant 0 : i32
      %dma_wait3A_56 = arith.constant 0 : i32
      %dma_wait3A_57 = tpu.memref_slice %arg6[%dma_wait3A_55, %dma_wait3A_56] : memref<1x1000000xi32, #tpu.memory_space<hbm>> -> memref<1x128xi32, #tpu.memory_space<hbm>>
      %dma_wait3A_58 = tpu.memref_slice %arg24[%scan3A_24] : memref<8x!tpu.dma_semaphore, #tpu.memory_space<semaphore_mem>> -> memref<1x!tpu.dma_semaphore, #tpu.memory_space<semaphore_mem>>
      %dma_wait3A_59 = tpu.memref_squeeze %dma_wait3A_58 : memref<1x!tpu.dma_semaphore, #tpu.memory_space<semaphore_mem>> -> memref<!tpu.dma_semaphore, #tpu.memory_space<semaphore_mem>>
      %dma_wait3A_60 = arith.constant 0 : i32
      %dma_wait3A_61 = tpu.memref_slice %arg18[%add3A_28, %dma_wait3A_60] : memref<128x128xi32, #tpu.memory_space<vmem>> -> memref<1x128xi32, #tpu.memory_space<vmem>>
      %dma_wait3A_62 = arith.constant 0 : i32
      %dma_wait3A_63 = arith.constant 0 : i32
      %dma_wait3A_64 = tpu.memref_slice %arg6[%dma_wait3A_62, %dma_wait3A_63] : memref<1x1000000xi32, #tpu.memory_space<hbm>> -> memref<1x128xi32, #tpu.memory_space<hbm>>
      tpu.wait_dma2 semaphore(%dma_wait3A_59 : memref<!tpu.dma_semaphore, #tpu.memory_space<semaphore_mem>>) src(%dma_wait3A_64 : memref<1x128xi32, #tpu.memory_space<hbm>>) dst(%dma_wait3A_61 : memref<1x128xi32, #tpu.memory_space<vmem>>)
      %add3A_65 = arith.constant 1 : i32
      %add3A_66 = arith.addi %multiple_of3A, %add3A_65 : i32
      %dma_wait3A_67 = arith.constant 0 : i32
      %dma_wait3A_68 = tpu.memref_slice %arg16[%add3A_66, %dma_wait3A_67] : memref<128x128xi32, #tpu.memory_space<vmem>> -> memref<1x128xi32, #tpu.memory_space<vmem>>
      %dma_wait3A_69 = arith.constant 0 : i32
      %dma_wait3A_70 = arith.constant 0 : i32
      %dma_wait3A_71 = tpu.memref_slice %arg3[%dma_wait3A_69, %dma_wait3A_70] : memref<1x1000000xi32, #tpu.memory_space<hbm>> -> memref<1x128xi32, #tpu.memory_space<hbm>>
      %dma_wait3A_72 = tpu.memref_slice %arg24[%scan3A_24] : memref<8x!tpu.dma_semaphore, #tpu.memory_space<semaphore_mem>> -> memref<1x!tpu.dma_semaphore, #tpu.memory_space<semaphore_mem>>
      %dma_wait3A_73 = tpu.memref_squeeze %dma_wait3A_72 : memref<1x!tpu.dma_semaphore, #tpu.memory_space<semaphore_mem>> -> memref<!tpu.dma_semaphore, #tpu.memory_space<semaphore_mem>>
      %dma_wait3A_74 = arith.constant 0 : i32
      %dma_wait3A_75 = tpu.memref_slice %arg16[%add3A_66, %dma_wait3A_74] : memref<128x128xi32, #tpu.memory_space<vmem>> -> memref<1x128xi32, #tpu.memory_space<vmem>>
      %dma_wait3A_76 = arith.constant 0 : i32
      %dma_wait3A_77 = arith.constant 0 : i32
      %dma_wait3A_78 = tpu.memref_slice %arg3[%dma_wait3A_76, %dma_wait3A_77] : memref<1x1000000xi32, #tpu.memory_space<hbm>> -> memref<1x128xi32, #tpu.memory_space<hbm>>
      tpu.wait_dma2 semaphore(%dma_wait3A_73 : memref<!tpu.dma_semaphore, #tpu.memory_space<semaphore_mem>>) src(%dma_wait3A_78 : memref<1x128xi32, #tpu.memory_space<hbm>>) dst(%dma_wait3A_75 : memref<1x128xi32, #tpu.memory_space<vmem>>)
      %dma_wait3A_79 = arith.constant 0 : i32
      %dma_wait3A_80 = tpu.memref_slice %arg17[%add3A_66, %dma_wait3A_79] : memref<128x128xf32, #tpu.memory_space<vmem>> -> memref<1x128xf32, #tpu.memory_space<vmem>>
      %dma_wait3A_81 = arith.constant 0 : i32
      %dma_wait3A_82 = arith.constant 0 : i32
      %dma_wait3A_83 = tpu.memref_slice %arg4[%dma_wait3A_81, %dma_wait3A_82] : memref<1x1000000xf32, #tpu.memory_space<hbm>> -> memref<1x128xf32, #tpu.memory_space<hbm>>
      %dma_wait3A_84 = tpu.memref_slice %arg24[%scan3A_24] : memref<8x!tpu.dma_semaphore, #tpu.memory_space<semaphore_mem>> -> memref<1x!tpu.dma_semaphore, #tpu.memory_space<semaphore_mem>>
      %dma_wait3A_85 = tpu.memref_squeeze %dma_wait3A_84 : memref<1x!tpu.dma_semaphore, #tpu.memory_space<semaphore_mem>> -> memref<!tpu.dma_semaphore, #tpu.memory_space<semaphore_mem>>
      %dma_wait3A_86 = arith.constant 0 : i32
      %dma_wait3A_87 = tpu.memref_slice %arg17[%add3A_66, %dma_wait3A_86] : memref<128x128xf32, #tpu.memory_space<vmem>> -> memref<1x128xf32, #tpu.memory_space<vmem>>
      %dma_wait3A_88 = arith.constant 0 : i32
      %dma_wait3A_89 = arith.constant 0 : i32
      %dma_wait3A_90 = tpu.memref_slice %arg4[%dma_wait3A_88, %dma_wait3A_89] : memref<1x1000000xf32, #tpu.memory_space<hbm>> -> memref<1x128xf32, #tpu.memory_space<hbm>>
      tpu.wait_dma2 semaphore(%dma_wait3A_85 : memref<!tpu.dma_semaphore, #tpu.memory_space<semaphore_mem>>) src(%dma_wait3A_90 : memref<1x128xf32, #tpu.memory_space<hbm>>) dst(%dma_wait3A_87 : memref<1x128xf32, #tpu.memory_space<vmem>>)
      %dma_wait3A_91 = arith.constant 0 : i32
      %dma_wait3A_92 = tpu.memref_slice %arg18[%add3A_66, %dma_wait3A_91] : memref<128x128xi32, #tpu.memory_space<vmem>> -> memref<1x128xi32, #tpu.memory_space<vmem>>
      %dma_wait3A_93 = arith.constant 0 : i32
      %dma_wait3A_94 = arith.constant 0 : i32
      %dma_wait3A_95 = tpu.memref_slice %arg6[%dma_wait3A_93, %dma_wait3A_94] : memref<1x1000000xi32, #tpu.memory_space<hbm>> -> memref<1x128xi32, #tpu.memory_space<hbm>>
      %dma_wait3A_96 = tpu.memref_slice %arg24[%scan3A_24] : memref<8x!tpu.dma_semaphore, #tpu.memory_space<semaphore_mem>> -> memref<1x!tpu.dma_semaphore, #tpu.memory_space<semaphore_mem>>
      %dma_wait3A_97 = tpu.memref_squeeze %dma_wait3A_96 : memref<1x!tpu.dma_semaphore, #tpu.memory_space<semaphore_mem>> -> memref<!tpu.dma_semaphore, #tpu.memory_space<semaphore_mem>>
      %dma_wait3A_98 = arith.constant 0 : i32
      %dma_wait3A_99 = tpu.memref_slice %arg18[%add3A_66, %dma_wait3A_98] : memref<128x128xi32, #tpu.memory_space<vmem>> -> memref<1x128xi32, #tpu.memory_space<vmem>>
      %dma_wait3A_100 = arith.constant 0 : i32
      %dma_wait3A_101 = arith.constant 0 : i32
      %dma_wait3A_102 = tpu.memref_slice %arg6[%dma_wait3A_100, %dma_wait3A_101] : memref<1x1000000xi32, #tpu.memory_space<hbm>> -> memref<1x128xi32, #tpu.memory_space<hbm>>
      tpu.wait_dma2 semaphore(%dma_wait3A_97 : memref<!tpu.dma_semaphore, #tpu.memory_space<semaphore_mem>>) src(%dma_wait3A_102 : memref<1x128xi32, #tpu.memory_space<hbm>>) dst(%dma_wait3A_99 : memref<1x128xi32, #tpu.memory_space<vmem>>)
      %add3A_103 = arith.constant 2 : i32
      %add3A_104 = arith.addi %multiple_of3A, %add3A_103 : i32
      %dma_wait3A_105 = arith.constant 0 : i32
      %dma_wait3A_106 = tpu.memref_slice %arg16[%add3A_104, %dma_wait3A_105] : memref<128x128xi32, #tpu.memory_space<vmem>> -> memref<1x128xi32, #tpu.memory_space<vmem>>
      %dma_wait3A_107 = arith.constant 0 : i32
      %dma_wait3A_108 = arith.constant 0 : i32
      %dma_wait3A_109 = tpu.memref_slice %arg3[%dma_wait3A_107, %dma_wait3A_108] : memref<1x1000000xi32, #tpu.memory_space<hbm>> -> memref<1x128xi32, #tpu.memory_space<hbm>>
      %dma_wait3A_110 = tpu.memref_slice %arg24[%scan3A_24] : memref<8x!tpu.dma_semaphore, #tpu.memory_space<semaphore_mem>> -> memref<1x!tpu.dma_semaphore, #tpu.memory_space<semaphore_mem>>
      %dma_wait3A_111 = tpu.memref_squeeze %dma_wait3A_110 : memref<1x!tpu.dma_semaphore, #tpu.memory_space<semaphore_mem>> -> memref<!tpu.dma_semaphore, #tpu.memory_space<semaphore_mem>>
      %dma_wait3A_112 = arith.constant 0 : i32
      %dma_wait3A_113 = tpu.memref_slice %arg16[%add3A_104, %dma_wait3A_112] : memref<128x128xi32, #tpu.memory_space<vmem>> -> memref<1x128xi32, #tpu.memory_space<vmem>>
      %dma_wait3A_114 = arith.constant 0 : i32
      %dma_wait3A_115 = arith.constant 0 : i32
      %dma_wait3A_116 = tpu.memref_slice %arg3[%dma_wait3A_114, %dma_wait3A_115] : memref<1x1000000xi32, #tpu.memory_space<hbm>> -> memref<1x128xi32, #tpu.memory_space<hbm>>
      tpu.wait_dma2 semaphore(%dma_wait3A_111 : memref<!tpu.dma_semaphore, #tpu.memory_space<semaphore_mem>>) src(%dma_wait3A_116 : memref<1x128xi32, #tpu.memory_space<hbm>>) dst(%dma_wait3A_113 : memref<1x128xi32, #tpu.memory_space<vmem>>)
      %dma_wait3A_117 = arith.constant 0 : i32
      %dma_wait3A_118 = tpu.memref_slice %arg17[%add3A_104, %dma_wait3A_117] : memref<128x128xf32, #tpu.memory_space<vmem>> -> memref<1x128xf32, #tpu.memory_space<vmem>>
      %dma_wait3A_119 = arith.constant 0 : i32
      %dma_wait3A_120 = arith.constant 0 : i32
      %dma_wait3A_121 = tpu.memref_slice %arg4[%dma_wait3A_119, %dma_wait3A_120] : memref<1x1000000xf32, #tpu.memory_space<hbm>> -> memref<1x128xf32, #tpu.memory_space<hbm>>
      %dma_wait3A_122 = tpu.memref_slice %arg24[%scan3A_24] : memref<8x!tpu.dma_semaphore, #tpu.memory_space<semaphore_mem>> -> memref<1x!tpu.dma_semaphore, #tpu.memory_space<semaphore_mem>>
      %dma_wait3A_123 = tpu.memref_squeeze %dma_wait3A_122 : memref<1x!tpu.dma_semaphore, #tpu.memory_space<semaphore_mem>> -> memref<!tpu.dma_semaphore, #tpu.memory_space<semaphore_mem>>
      %dma_wait3A_124 = arith.constant 0 : i32
      %dma_wait3A_125 = tpu.memref_slice %arg17[%add3A_104, %dma_wait3A_124] : memref<128x128xf32, #tpu.memory_space<vmem>> -> memref<1x128xf32, #tpu.memory_space<vmem>>
      %dma_wait3A_126 = arith.constant 0 : i32
      %dma_wait3A_127 = arith.constant 0 : i32
      %dma_wait3A_128 = tpu.memref_slice %arg4[%dma_wait3A_126, %dma_wait3A_127] : memref<1x1000000xf32, #tpu.memory_space<hbm>> -> memref<1x128xf32, #tpu.memory_space<hbm>>
      tpu.wait_dma2 semaphore(%dma_wait3A_123 : memref<!tpu.dma_semaphore, #tpu.memory_space<semaphore_mem>>) src(%dma_wait3A_128 : memref<1x128xf32, #tpu.memory_space<hbm>>) dst(%dma_wait3A_125 : memref<1x128xf32, #tpu.memory_space<vmem>>)
      %dma_wait3A_129 = arith.constant 0 : i32
      %dma_wait3A_130 = tpu.memref_slice %arg18[%add3A_104, %dma_wait3A_129] : memref<128x128xi32, #tpu.memory_space<vmem>> -> memref<1x128xi32, #tpu.memory_space<vmem>>
      %dma_wait3A_131 = arith.constant 0 : i32
      %dma_wait3A_132 = arith.constant 0 : i32
      %dma_wait3A_133 = tpu.memref_slice %arg6[%dma_wait3A_131, %dma_wait3A_132] : memref<1x1000000xi32, #tpu.memory_space<hbm>> -> memref<1x128xi32, #tpu.memory_space<hbm>>
      %dma_wait3A_134 = tpu.memref_slice %arg24[%scan3A_24] : memref<8x!tpu.dma_semaphore, #tpu.memory_space<semaphore_mem>> -> memref<1x!tpu.dma_semaphore, #tpu.memory_space<semaphore_mem>>
      %dma_wait3A_135 = tpu.memref_squeeze %dma_wait3A_134 : memref<1x!tpu.dma_semaphore, #tpu.memory_space<semaphore_mem>> -> memref<!tpu.dma_semaphore, #tpu.memory_space<semaphore_mem>>
      %dma_wait3A_136 = arith.constant 0 : i32
      %dma_wait3A_137 = tpu.memref_slice %arg18[%add3A_104, %dma_wait3A_136] : memref<128x128xi32, #tpu.memory_space<vmem>> -> memref<1x128xi32, #tpu.memory_space<vmem>>
      %dma_wait3A_138 = arith.constant 0 : i32
      %dma_wait3A_139 = arith.constant 0 : i32
      %dma_wait3A_140 = tpu.memref_slice %arg6[%dma_wait3A_138, %dma_wait3A_139] : memref<1x1000000xi32, #tpu.memory_space<hbm>> -> memref<1x128xi32, #tpu.memory_space<hbm>>
      tpu.wait_dma2 semaphore(%dma_wait3A_135 : memref<!tpu.dma_semaphore, #tpu.memory_space<semaphore_mem>>) src(%dma_wait3A_140 : memref<1x128xi32, #tpu.memory_space<hbm>>) dst(%dma_wait3A_137 : memref<1x128xi32, #tpu.memory_space<vmem>>)
      %add3A_141 = arith.constant 3 : i32
      %add3A_142 = arith.addi %multiple_of3A, %add3A_141 : i32
      %dma_wait3A_143 = arith.constant 0 : i32
      %dma_wait3A_144 = tpu.memref_slice %arg16[%add3A_142, %dma_wait3A_143] : memref<128x128xi32, #tpu.memory_space<vmem>> -> memref<1x128xi32, #tpu.memory_space<vmem>>
      %dma_wait3A_145 = arith.constant 0 : i32
      %dma_wait3A_146 = arith.constant 0 : i32
      %dma_wait3A_147 = tpu.memref_slice %arg3[%dma_wait3A_145, %dma_wait3A_146] : memref<1x1000000xi32, #tpu.memory_space<hbm>> -> memref<1x128xi32, #tpu.memory_space<hbm>>
      %dma_wait3A_148 = tpu.memref_slice %arg24[%scan3A_24] : memref<8x!tpu.dma_semaphore, #tpu.memory_space<semaphore_mem>> -> memref<1x!tpu.dma_semaphore, #tpu.memory_space<semaphore_mem>>
      %dma_wait3A_149 = tpu.memref_squeeze %dma_wait3A_148 : memref<1x!tpu.dma_semaphore, #tpu.memory_space<semaphore_mem>> -> memref<!tpu.dma_semaphore, #tpu.memory_space<semaphore_mem>>
      %dma_wait3A_150 = arith.constant 0 : i32
      %dma_wait3A_151 = tpu.memref_slice %arg16[%add3A_142, %dma_wait3A_150] : memref<128x128xi32, #tpu.memory_space<vmem>> -> memref<1x128xi32, #tpu.memory_space<vmem>>
      %dma_wait3A_152 = arith.constant 0 : i32
      %dma_wait3A_153 = arith.constant 0 : i32
      %dma_wait3A_154 = tpu.memref_slice %arg3[%dma_wait3A_152, %dma_wait3A_153] : memref<1x1000000xi32, #tpu.memory_space<hbm>> -> memref<1x128xi32, #tpu.memory_space<hbm>>
      tpu.wait_dma2 semaphore(%dma_wait3A_149 : memref<!tpu.dma_semaphore, #tpu.memory_space<semaphore_mem>>) src(%dma_wait3A_154 : memref<1x128xi32, #tpu.memory_space<hbm>>) dst(%dma_wait3A_151 : memref<1x128xi32, #tpu.memory_space<vmem>>)
      %dma_wait3A_155 = arith.constant 0 : i32
      %dma_wait3A_156 = tpu.memref_slice %arg17[%add3A_142, %dma_wait3A_155] : memref<128x128xf32, #tpu.memory_space<vmem>> -> memref<1x128xf32, #tpu.memory_space<vmem>>
      %dma_wait3A_157 = arith.constant 0 : i32
      %dma_wait3A_158 = arith.constant 0 : i32
      %dma_wait3A_159 = tpu.memref_slice %arg4[%dma_wait3A_157, %dma_wait3A_158] : memref<1x1000000xf32, #tpu.memory_space<hbm>> -> memref<1x128xf32, #tpu.memory_space<hbm>>
      %dma_wait3A_160 = tpu.memref_slice %arg24[%scan3A_24] : memref<8x!tpu.dma_semaphore, #tpu.memory_space<semaphore_mem>> -> memref<1x!tpu.dma_semaphore, #tpu.memory_space<semaphore_mem>>
      %dma_wait3A_161 = tpu.memref_squeeze %dma_wait3A_160 : memref<1x!tpu.dma_semaphore, #tpu.memory_space<semaphore_mem>> -> memref<!tpu.dma_semaphore, #tpu.memory_space<semaphore_mem>>
      %dma_wait3A_162 = arith.constant 0 : i32
      %dma_wait3A_163 = tpu.memref_slice %arg17[%add3A_142, %dma_wait3A_162] : memref<128x128xf32, #tpu.memory_space<vmem>> -> memref<1x128xf32, #tpu.memory_space<vmem>>
      %dma_wait3A_164 = arith.constant 0 : i32
      %dma_wait3A_165 = arith.constant 0 : i32
      %dma_wait3A_166 = tpu.memref_slice %arg4[%dma_wait3A_164, %dma_wait3A_165] : memref<1x1000000xf32, #tpu.memory_space<hbm>> -> memref<1x128xf32, #tpu.memory_space<hbm>>
      tpu.wait_dma2 semaphore(%dma_wait3A_161 : memref<!tpu.dma_semaphore, #tpu.memory_space<semaphore_mem>>) src(%dma_wait3A_166 : memref<1x128xf32, #tpu.memory_space<hbm>>) dst(%dma_wait3A_163 : memref<1x128xf32, #tpu.memory_space<vmem>>)
      %dma_wait3A_167 = arith.constant 0 : i32
      %dma_wait3A_168 = tpu.memref_slice %arg18[%add3A_142, %dma_wait3A_167] : memref<128x128xi32, #tpu.memory_space<vmem>> -> memref<1x128xi32, #tpu.memory_space<vmem>>
      %dma_wait3A_169 = arith.constant 0 : i32
      %dma_wait3A_170 = arith.constant 0 : i32
      %dma_wait3A_171 = tpu.memref_slice %arg6[%dma_wait3A_169, %dma_wait3A_170] : memref<1x1000000xi32, #tpu.memory_space<hbm>> -> memref<1x128xi32, #tpu.memory_space<hbm>>
      %dma_wait3A_172 = tpu.memref_slice %arg24[%scan3A_24] : memref<8x!tpu.dma_semaphore, #tpu.memory_space<semaphore_mem>> -> memref<1x!tpu.dma_semaphore, #tpu.memory_space<semaphore_mem>>
      %dma_wait3A_173 = tpu.memref_squeeze %dma_wait3A_172 : memref<1x!tpu.dma_semaphore, #tpu.memory_space<semaphore_mem>> -> memref<!tpu.dma_semaphore, #tpu.memory_space<semaphore_mem>>
      %dma_wait3A_174 = arith.constant 0 : i32
      %dma_wait3A_175 = tpu.memref_slice %arg18[%add3A_142, %dma_wait3A_174] : memref<128x128xi32, #tpu.memory_space<vmem>> -> memref<1x128xi32, #tpu.memory_space<vmem>>
      %dma_wait3A_176 = arith.constant 0 : i32
      %dma_wait3A_177 = arith.constant 0 : i32
      %dma_wait3A_178 = tpu.memref_slice %arg6[%dma_wait3A_176, %dma_wait3A_177] : memref<1x1000000xi32, #tpu.memory_space<hbm>> -> memref<1x128xi32, #tpu.memory_space<hbm>>
      tpu.wait_dma2 semaphore(%dma_wait3A_173 : memref<!tpu.dma_semaphore, #tpu.memory_space<semaphore_mem>>) src(%dma_wait3A_178 : memref<1x128xi32, #tpu.memory_space<hbm>>) dst(%dma_wait3A_175 : memref<1x128xi32, #tpu.memory_space<vmem>>)
      %add3A_179 = arith.constant 4 : i32
      %add3A_180 = arith.addi %multiple_of3A, %add3A_179 : i32
      %dma_wait3A_181 = arith.constant 0 : i32
      %dma_wait3A_182 = tpu.memref_slice %arg16[%add3A_180, %dma_wait3A_181] : memref<128x128xi32, #tpu.memory_space<vmem>> -> memref<1x128xi32, #tpu.memory_space<vmem>>
      %dma_wait3A_183 = arith.constant 0 : i32
      %dma_wait3A_184 = arith.constant 0 : i32
      %dma_wait3A_185 = tpu.memref_slice %arg3[%dma_wait3A_183, %dma_wait3A_184] : memref<1x1000000xi32, #tpu.memory_space<hbm>> -> memref<1x128xi32, #tpu.memory_space<hbm>>
      %dma_wait3A_186 = tpu.memref_slice %arg24[%scan3A_24] : memref<8x!tpu.dma_semaphore, #tpu.memory_space<semaphore_mem>> -> memref<1x!tpu.dma_semaphore, #tpu.memory_space<semaphore_mem>>
      %dma_wait3A_187 = tpu.memref_squeeze %dma_wait3A_186 : memref<1x!tpu.dma_semaphore, #tpu.memory_space<semaphore_mem>> -> memref<!tpu.dma_semaphore, #tpu.memory_space<semaphore_mem>>
      %dma_wait3A_188 = arith.constant 0 : i32
      %dma_wait3A_189 = tpu.memref_slice %arg16[%add3A_180, %dma_wait3A_188] : memref<128x128xi32, #tpu.memory_space<vmem>> -> memref<1x128xi32, #tpu.memory_space<vmem>>
      %dma_wait3A_190 = arith.constant 0 : i32
      %dma_wait3A_191 = arith.constant 0 : i32
      %dma_wait3A_192 = tpu.memref_slice %arg3[%dma_wait3A_190, %dma_wait3A_191] : memref<1x1000000xi32, #tpu.memory_space<hbm>> -> memref<1x128xi32, #tpu.memory_space<hbm>>
      tpu.wait_dma2 semaphore(%dma_wait3A_187 : memref<!tpu.dma_semaphore, #tpu.memory_space<semaphore_mem>>) src(%dma_wait3A_192 : memref<1x128xi32, #tpu.memory_space<hbm>>) dst(%dma_wait3A_189 : memref<1x128xi32, #tpu.memory_space<vmem>>)
      %dma_wait3A_193 = arith.constant 0 : i32
      %dma_wait3A_194 = tpu.memref_slice %arg17[%add3A_180, %dma_wait3A_193] : memref<128x128xf32, #tpu.memory_space<vmem>> -> memref<1x128xf32, #tpu.memory_space<vmem>>
      %dma_wait3A_195 = arith.constant 0 : i32
      %dma_wait3A_196 = arith.constant 0 : i32
      %dma_wait3A_197 = tpu.memref_slice %arg4[%dma_wait3A_195, %dma_wait3A_196] : memref<1x1000000xf32, #tpu.memory_space<hbm>> -> memref<1x128xf32, #tpu.memory_space<hbm>>
      %dma_wait3A_198 = tpu.memref_slice %arg24[%scan3A_24] : memref<8x!tpu.dma_semaphore, #tpu.memory_space<semaphore_mem>> -> memref<1x!tpu.dma_semaphore, #tpu.memory_space<semaphore_mem>>
      %dma_wait3A_199 = tpu.memref_squeeze %dma_wait3A_198 : memref<1x!tpu.dma_semaphore, #tpu.memory_space<semaphore_mem>> -> memref<!tpu.dma_semaphore, #tpu.memory_space<semaphore_mem>>
      %dma_wait3A_200 = arith.constant 0 : i32
      %dma_wait3A_201 = tpu.memref_slice %arg17[%add3A_180, %dma_wait3A_200] : memref<128x128xf32, #tpu.memory_space<vmem>> -> memref<1x128xf32, #tpu.memory_space<vmem>>
      %dma_wait3A_202 = arith.constant 0 : i32
      %dma_wait3A_203 = arith.constant 0 : i32
      %dma_wait3A_204 = tpu.memref_slice %arg4[%dma_wait3A_202, %dma_wait3A_203] : memref<1x1000000xf32, #tpu.memory_space<hbm>> -> memref<1x128xf32, #tpu.memory_space<hbm>>
      tpu.wait_dma2 semaphore(%dma_wait3A_199 : memref<!tpu.dma_semaphore, #tpu.memory_space<semaphore_mem>>) src(%dma_wait3A_204 : memref<1x128xf32, #tpu.memory_space<hbm>>) dst(%dma_wait3A_201 : memref<1x128xf32, #tpu.memory_space<vmem>>)
      %dma_wait3A_205 = arith.constant 0 : i32
      %dma_wait3A_206 = tpu.memref_slice %arg18[%add3A_180, %dma_wait3A_205] : memref<128x128xi32, #tpu.memory_space<vmem>> -> memref<1x128xi32, #tpu.memory_space<vmem>>
      %dma_wait3A_207 = arith.constant 0 : i32
      %dma_wait3A_208 = arith.constant 0 : i32
      %dma_wait3A_209 = tpu.memref_slice %arg6[%dma_wait3A_207, %dma_wait3A_208] : memref<1x1000000xi32, #tpu.memory_space<hbm>> -> memref<1x128xi32, #tpu.memory_space<hbm>>
      %dma_wait3A_210 = tpu.memref_slice %arg24[%scan3A_24] : memref<8x!tpu.dma_semaphore, #tpu.memory_space<semaphore_mem>> -> memref<1x!tpu.dma_semaphore, #tpu.memory_space<semaphore_mem>>
      %dma_wait3A_211 = tpu.memref_squeeze %dma_wait3A_210 : memref<1x!tpu.dma_semaphore, #tpu.memory_space<semaphore_mem>> -> memref<!tpu.dma_semaphore, #tpu.memory_space<semaphore_mem>>
      %dma_wait3A_212 = arith.constant 0 : i32
      %dma_wait3A_213 = tpu.memref_slice %arg18[%add3A_180, %dma_wait3A_212] : memref<128x128xi32, #tpu.memory_space<vmem>> -> memref<1x128xi32, #tpu.memory_space<vmem>>
      %dma_wait3A_214 = arith.constant 0 : i32
      %dma_wait3A_215 = arith.constant 0 : i32
      %dma_wait3A_216 = tpu.memref_slice %arg6[%dma_wait3A_214, %dma_wait3A_215] : memref<1x1000000xi32, #tpu.memory_space<hbm>> -> memref<1x128xi32, #tpu.memory_space<hbm>>
      tpu.wait_dma2 semaphore(%dma_wait3A_211 : memref<!tpu.dma_semaphore, #tpu.memory_space<semaphore_mem>>) src(%dma_wait3A_216 : memref<1x128xi32, #tpu.memory_space<hbm>>) dst(%dma_wait3A_213 : memref<1x128xi32, #tpu.memory_space<vmem>>)
      %add3A_217 = arith.constant 5 : i32
      %add3A_218 = arith.addi %multiple_of3A, %add3A_217 : i32
      %dma_wait3A_219 = arith.constant 0 : i32
      %dma_wait3A_220 = tpu.memref_slice %arg16[%add3A_218, %dma_wait3A_219] : memref<128x128xi32, #tpu.memory_space<vmem>> -> memref<1x128xi32, #tpu.memory_space<vmem>>
      %dma_wait3A_221 = arith.constant 0 : i32
      %dma_wait3A_222 = arith.constant 0 : i32
      %dma_wait3A_223 = tpu.memref_slice %arg3[%dma_wait3A_221, %dma_wait3A_222] : memref<1x1000000xi32, #tpu.memory_space<hbm>> -> memref<1x128xi32, #tpu.memory_space<hbm>>
      %dma_wait3A_224 = tpu.memref_slice %arg24[%scan3A_24] : memref<8x!tpu.dma_semaphore, #tpu.memory_space<semaphore_mem>> -> memref<1x!tpu.dma_semaphore, #tpu.memory_space<semaphore_mem>>
      %dma_wait3A_225 = tpu.memref_squeeze %dma_wait3A_224 : memref<1x!tpu.dma_semaphore, #tpu.memory_space<semaphore_mem>> -> memref<!tpu.dma_semaphore, #tpu.memory_space<semaphore_mem>>
      %dma_wait3A_226 = arith.constant 0 : i32
      %dma_wait3A_227 = tpu.memref_slice %arg16[%add3A_218, %dma_wait3A_226] : memref<128x128xi32, #tpu.memory_space<vmem>> -> memref<1x128xi32, #tpu.memory_space<vmem>>
      %dma_wait3A_228 = arith.constant 0 : i32
      %dma_wait3A_229 = arith.constant 0 : i32
      %dma_wait3A_230 = tpu.memref_slice %arg3[%dma_wait3A_228, %dma_wait3A_229] : memref<1x1000000xi32, #tpu.memory_space<hbm>> -> memref<1x128xi32, #tpu.memory_space<hbm>>
      tpu.wait_dma2 semaphore(%dma_wait3A_225 : memref<!tpu.dma_semaphore, #tpu.memory_space<semaphore_mem>>) src(%dma_wait3A_230 : memref<1x128xi32, #tpu.memory_space<hbm>>) dst(%dma_wait3A_227 : memref<1x128xi32, #tpu.memory_space<vmem>>)
      %dma_wait3A_231 = arith.constant 0 : i32
      %dma_wait3A_232 = tpu.memref_slice %arg17[%add3A_218, %dma_wait3A_231] : memref<128x128xf32, #tpu.memory_space<vmem>> -> memref<1x128xf32, #tpu.memory_space<vmem>>
      %dma_wait3A_233 = arith.constant 0 : i32
      %dma_wait3A_234 = arith.constant 0 : i32
      %dma_wait3A_235 = tpu.memref_slice %arg4[%dma_wait3A_233, %dma_wait3A_234] : memref<1x1000000xf32, #tpu.memory_space<hbm>> -> memref<1x128xf32, #tpu.memory_space<hbm>>
      %dma_wait3A_236 = tpu.memref_slice %arg24[%scan3A_24] : memref<8x!tpu.dma_semaphore, #tpu.memory_space<semaphore_mem>> -> memref<1x!tpu.dma_semaphore, #tpu.memory_space<semaphore_mem>>
      %dma_wait3A_237 = tpu.memref_squeeze %dma_wait3A_236 : memref<1x!tpu.dma_semaphore, #tpu.memory_space<semaphore_mem>> -> memref<!tpu.dma_semaphore, #tpu.memory_space<semaphore_mem>>
      %dma_wait3A_238 = arith.constant 0 : i32
      %dma_wait3A_239 = tpu.memref_slice %arg17[%add3A_218, %dma_wait3A_238] : memref<128x128xf32, #tpu.memory_space<vmem>> -> memref<1x128xf32, #tpu.memory_space<vmem>>
      %dma_wait3A_240 = arith.constant 0 : i32
      %dma_wait3A_241 = arith.constant 0 : i32
      %dma_wait3A_242 = tpu.memref_slice %arg4[%dma_wait3A_240, %dma_wait3A_241] : memref<1x1000000xf32, #tpu.memory_space<hbm>> -> memref<1x128xf32, #tpu.memory_space<hbm>>
      tpu.wait_dma2 semaphore(%dma_wait3A_237 : memref<!tpu.dma_semaphore, #tpu.memory_space<semaphore_mem>>) src(%dma_wait3A_242 : memref<1x128xf32, #tpu.memory_space<hbm>>) dst(%dma_wait3A_239 : memref<1x128xf32, #tpu.memory_space<vmem>>)
      %dma_wait3A_243 = arith.constant 0 : i32
      %dma_wait3A_244 = tpu.memref_slice %arg18[%add3A_218, %dma_wait3A_243] : memref<128x128xi32, #tpu.memory_space<vmem>> -> memref<1x128xi32, #tpu.memory_space<vmem>>
      %dma_wait3A_245 = arith.constant 0 : i32
      %dma_wait3A_246 = arith.constant 0 : i32
      %dma_wait3A_247 = tpu.memref_slice %arg6[%dma_wait3A_245, %dma_wait3A_246] : memref<1x1000000xi32, #tpu.memory_space<hbm>> -> memref<1x128xi32, #tpu.memory_space<hbm>>
      %dma_wait3A_248 = tpu.memref_slice %arg24[%scan3A_24] : memref<8x!tpu.dma_semaphore, #tpu.memory_space<semaphore_mem>> -> memref<1x!tpu.dma_semaphore, #tpu.memory_space<semaphore_mem>>
      %dma_wait3A_249 = tpu.memref_squeeze %dma_wait3A_248 : memref<1x!tpu.dma_semaphore, #tpu.memory_space<semaphore_mem>> -> memref<!tpu.dma_semaphore, #tpu.memory_space<semaphore_mem>>
      %dma_wait3A_250 = arith.constant 0 : i32
      %dma_wait3A_251 = tpu.memref_slice %arg18[%add3A_218, %dma_wait3A_250] : memref<128x128xi32, #tpu.memory_space<vmem>> -> memref<1x128xi32, #tpu.memory_space<vmem>>
      %dma_wait3A_252 = arith.constant 0 : i32
      %dma_wait3A_253 = arith.constant 0 : i32
      %dma_wait3A_254 = tpu.memref_slice %arg6[%dma_wait3A_252, %dma_wait3A_253] : memref<1x1000000xi32, #tpu.memory_space<hbm>> -> memref<1x128xi32, #tpu.memory_space<hbm>>
      tpu.wait_dma2 semaphore(%dma_wait3A_249 : memref<!tpu.dma_semaphore, #tpu.memory_space<semaphore_mem>>) src(%dma_wait3A_254 : memref<1x128xi32, #tpu.memory_space<hbm>>) dst(%dma_wait3A_251 : memref<1x128xi32, #tpu.memory_space<vmem>>)
      %add3A_255 = arith.constant 6 : i32
      %add3A_256 = arith.addi %multiple_of3A, %add3A_255 : i32
      %dma_wait3A_257 = arith.constant 0 : i32
      %dma_wait3A_258 = tpu.memref_slice %arg16[%add3A_256, %dma_wait3A_257] : memref<128x128xi32, #tpu.memory_space<vmem>> -> memref<1x128xi32, #tpu.memory_space<vmem>>
      %dma_wait3A_259 = arith.constant 0 : i32
      %dma_wait3A_260 = arith.constant 0 : i32
      %dma_wait3A_261 = tpu.memref_slice %arg3[%dma_wait3A_259, %dma_wait3A_260] : memref<1x1000000xi32, #tpu.memory_space<hbm>> -> memref<1x128xi32, #tpu.memory_space<hbm>>
      %dma_wait3A_262 = tpu.memref_slice %arg24[%scan3A_24] : memref<8x!tpu.dma_semaphore, #tpu.memory_space<semaphore_mem>> -> memref<1x!tpu.dma_semaphore, #tpu.memory_space<semaphore_mem>>
      %dma_wait3A_263 = tpu.memref_squeeze %dma_wait3A_262 : memref<1x!tpu.dma_semaphore, #tpu.memory_space<semaphore_mem>> -> memref<!tpu.dma_semaphore, #tpu.memory_space<semaphore_mem>>
      %dma_wait3A_264 = arith.constant 0 : i32
      %dma_wait3A_265 = tpu.memref_slice %arg16[%add3A_256, %dma_wait3A_264] : memref<128x128xi32, #tpu.memory_space<vmem>> -> memref<1x128xi32, #tpu.memory_space<vmem>>
      %dma_wait3A_266 = arith.constant 0 : i32
      %dma_wait3A_267 = arith.constant 0 : i32
      %dma_wait3A_268 = tpu.memref_slice %arg3[%dma_wait3A_266, %dma_wait3A_267] : memref<1x1000000xi32, #tpu.memory_space<hbm>> -> memref<1x128xi32, #tpu.memory_space<hbm>>
      tpu.wait_dma2 semaphore(%dma_wait3A_263 : memref<!tpu.dma_semaphore, #tpu.memory_space<semaphore_mem>>) src(%dma_wait3A_268 : memref<1x128xi32, #tpu.memory_space<hbm>>) dst(%dma_wait3A_265 : memref<1x128xi32, #tpu.memory_space<vmem>>)
      %dma_wait3A_269 = arith.constant 0 : i32
      %dma_wait3A_270 = tpu.memref_slice %arg17[%add3A_256, %dma_wait3A_269] : memref<128x128xf32, #tpu.memory_space<vmem>> -> memref<1x128xf32, #tpu.memory_space<vmem>>
      %dma_wait3A_271 = arith.constant 0 : i32
      %dma_wait3A_272 = arith.constant 0 : i32
      %dma_wait3A_273 = tpu.memref_slice %arg4[%dma_wait3A_271, %dma_wait3A_272] : memref<1x1000000xf32, #tpu.memory_space<hbm>> -> memref<1x128xf32, #tpu.memory_space<hbm>>
      %dma_wait3A_274 = tpu.memref_slice %arg24[%scan3A_24] : memref<8x!tpu.dma_semaphore, #tpu.memory_space<semaphore_mem>> -> memref<1x!tpu.dma_semaphore, #tpu.memory_space<semaphore_mem>>
      %dma_wait3A_275 = tpu.memref_squeeze %dma_wait3A_274 : memref<1x!tpu.dma_semaphore, #tpu.memory_space<semaphore_mem>> -> memref<!tpu.dma_semaphore, #tpu.memory_space<semaphore_mem>>
      %dma_wait3A_276 = arith.constant 0 : i32
      %dma_wait3A_277 = tpu.memref_slice %arg17[%add3A_256, %dma_wait3A_276] : memref<128x128xf32, #tpu.memory_space<vmem>> -> memref<1x128xf32, #tpu.memory_space<vmem>>
      %dma_wait3A_278 = arith.constant 0 : i32
      %dma_wait3A_279 = arith.constant 0 : i32
      %dma_wait3A_280 = tpu.memref_slice %arg4[%dma_wait3A_278, %dma_wait3A_279] : memref<1x1000000xf32, #tpu.memory_space<hbm>> -> memref<1x128xf32, #tpu.memory_space<hbm>>
      tpu.wait_dma2 semaphore(%dma_wait3A_275 : memref<!tpu.dma_semaphore, #tpu.memory_space<semaphore_mem>>) src(%dma_wait3A_280 : memref<1x128xf32, #tpu.memory_space<hbm>>) dst(%dma_wait3A_277 : memref<1x128xf32, #tpu.memory_space<vmem>>)
      %dma_wait3A_281 = arith.constant 0 : i32
      %dma_wait3A_282 = tpu.memref_slice %arg18[%add3A_256, %dma_wait3A_281] : memref<128x128xi32, #tpu.memory_space<vmem>> -> memref<1x128xi32, #tpu.memory_space<vmem>>
      %dma_wait3A_283 = arith.constant 0 : i32
      %dma_wait3A_284 = arith.constant 0 : i32
      %dma_wait3A_285 = tpu.memref_slice %arg6[%dma_wait3A_283, %dma_wait3A_284] : memref<1x1000000xi32, #tpu.memory_space<hbm>> -> memref<1x128xi32, #tpu.memory_space<hbm>>
      %dma_wait3A_286 = tpu.memref_slice %arg24[%scan3A_24] : memref<8x!tpu.dma_semaphore, #tpu.memory_space<semaphore_mem>> -> memref<1x!tpu.dma_semaphore, #tpu.memory_space<semaphore_mem>>
      %dma_wait3A_287 = tpu.memref_squeeze %dma_wait3A_286 : memref<1x!tpu.dma_semaphore, #tpu.memory_space<semaphore_mem>> -> memref<!tpu.dma_semaphore, #tpu.memory_space<semaphore_mem>>
      %dma_wait3A_288 = arith.constant 0 : i32
      %dma_wait3A_289 = tpu.memref_slice %arg18[%add3A_256, %dma_wait3A_288] : memref<128x128xi32, #tpu.memory_space<vmem>> -> memref<1x128xi32, #tpu.memory_space<vmem>>
      %dma_wait3A_290 = arith.constant 0 : i32
      %dma_wait3A_291 = arith.constant 0 : i32
      %dma_wait3A_292 = tpu.memref_slice %arg6[%dma_wait3A_290, %dma_wait3A_291] : memref<1x1000000xi32, #tpu.memory_space<hbm>> -> memref<1x128xi32, #tpu.memory_space<hbm>>
      tpu.wait_dma2 semaphore(%dma_wait3A_287 : memref<!tpu.dma_semaphore, #tpu.memory_space<semaphore_mem>>) src(%dma_wait3A_292 : memref<1x128xi32, #tpu.memory_space<hbm>>) dst(%dma_wait3A_289 : memref<1x128xi32, #tpu.memory_space<vmem>>)
      %add3A_293 = arith.constant 7 : i32
      %add3A_294 = arith.addi %multiple_of3A, %add3A_293 : i32
      %dma_wait3A_295 = arith.constant 0 : i32
      %dma_wait3A_296 = tpu.memref_slice %arg16[%add3A_294, %dma_wait3A_295] : memref<128x128xi32, #tpu.memory_space<vmem>> -> memref<1x128xi32, #tpu.memory_space<vmem>>
      %dma_wait3A_297 = arith.constant 0 : i32
      %dma_wait3A_298 = arith.constant 0 : i32
      %dma_wait3A_299 = tpu.memref_slice %arg3[%dma_wait3A_297, %dma_wait3A_298] : memref<1x1000000xi32, #tpu.memory_space<hbm>> -> memref<1x128xi32, #tpu.memory_space<hbm>>
      %dma_wait3A_300 = tpu.memref_slice %arg24[%scan3A_24] : memref<8x!tpu.dma_semaphore, #tpu.memory_space<semaphore_mem>> -> memref<1x!tpu.dma_semaphore, #tpu.memory_space<semaphore_mem>>
      %dma_wait3A_301 = tpu.memref_squeeze %dma_wait3A_300 : memref<1x!tpu.dma_semaphore, #tpu.memory_space<semaphore_mem>> -> memref<!tpu.dma_semaphore, #tpu.memory_space<semaphore_mem>>
      %dma_wait3A_302 = arith.constant 0 : i32
      %dma_wait3A_303 = tpu.memref_slice %arg16[%add3A_294, %dma_wait3A_302] : memref<128x128xi32, #tpu.memory_space<vmem>> -> memref<1x128xi32, #tpu.memory_space<vmem>>
      %dma_wait3A_304 = arith.constant 0 : i32
      %dma_wait3A_305 = arith.constant 0 : i32
      %dma_wait3A_306 = tpu.memref_slice %arg3[%dma_wait3A_304, %dma_wait3A_305] : memref<1x1000000xi32, #tpu.memory_space<hbm>> -> memref<1x128xi32, #tpu.memory_space<hbm>>
      tpu.wait_dma2 semaphore(%dma_wait3A_301 : memref<!tpu.dma_semaphore, #tpu.memory_space<semaphore_mem>>) src(%dma_wait3A_306 : memref<1x128xi32, #tpu.memory_space<hbm>>) dst(%dma_wait3A_303 : memref<1x128xi32, #tpu.memory_space<vmem>>)
      %dma_wait3A_307 = arith.constant 0 : i32
      %dma_wait3A_308 = tpu.memref_slice %arg17[%add3A_294, %dma_wait3A_307] : memref<128x128xf32, #tpu.memory_space<vmem>> -> memref<1x128xf32, #tpu.memory_space<vmem>>
      %dma_wait3A_309 = arith.constant 0 : i32
      %dma_wait3A_310 = arith.constant 0 : i32
      %dma_wait3A_311 = tpu.memref_slice %arg4[%dma_wait3A_309, %dma_wait3A_310] : memref<1x1000000xf32, #tpu.memory_space<hbm>> -> memref<1x128xf32, #tpu.memory_space<hbm>>
      %dma_wait3A_312 = tpu.memref_slice %arg24[%scan3A_24] : memref<8x!tpu.dma_semaphore, #tpu.memory_space<semaphore_mem>> -> memref<1x!tpu.dma_semaphore, #tpu.memory_space<semaphore_mem>>
      %dma_wait3A_313 = tpu.memref_squeeze %dma_wait3A_312 : memref<1x!tpu.dma_semaphore, #tpu.memory_space<semaphore_mem>> -> memref<!tpu.dma_semaphore, #tpu.memory_space<semaphore_mem>>
      %dma_wait3A_314 = arith.constant 0 : i32
      %dma_wait3A_315 = tpu.memref_slice %arg17[%add3A_294, %dma_wait3A_314] : memref<128x128xf32, #tpu.memory_space<vmem>> -> memref<1x128xf32, #tpu.memory_space<vmem>>
      %dma_wait3A_316 = arith.constant 0 : i32
      %dma_wait3A_317 = arith.constant 0 : i32
      %dma_wait3A_318 = tpu.memref_slice %arg4[%dma_wait3A_316, %dma_wait3A_317] : memref<1x1000000xf32, #tpu.memory_space<hbm>> -> memref<1x128xf32, #tpu.memory_space<hbm>>
      tpu.wait_dma2 semaphore(%dma_wait3A_313 : memref<!tpu.dma_semaphore, #tpu.memory_space<semaphore_mem>>) src(%dma_wait3A_318 : memref<1x128xf32, #tpu.memory_space<hbm>>) dst(%dma_wait3A_315 : memref<1x128xf32, #tpu.memory_space<vmem>>)
      %dma_wait3A_319 = arith.constant 0 : i32
      %dma_wait3A_320 = tpu.memref_slice %arg18[%add3A_294, %dma_wait3A_319] : memref<128x128xi32, #tpu.memory_space<vmem>> -> memref<1x128xi32, #tpu.memory_space<vmem>>
      %dma_wait3A_321 = arith.constant 0 : i32
      %dma_wait3A_322 = arith.constant 0 : i32
      %dma_wait3A_323 = tpu.memref_slice %arg6[%dma_wait3A_321, %dma_wait3A_322] : memref<1x1000000xi32, #tpu.memory_space<hbm>> -> memref<1x128xi32, #tpu.memory_space<hbm>>
      %dma_wait3A_324 = tpu.memref_slice %arg24[%scan3A_24] : memref<8x!tpu.dma_semaphore, #tpu.memory_space<semaphore_mem>> -> memref<1x!tpu.dma_semaphore, #tpu.memory_space<semaphore_mem>>
      %dma_wait3A_325 = tpu.memref_squeeze %dma_wait3A_324 : memref<1x!tpu.dma_semaphore, #tpu.memory_space<semaphore_mem>> -> memref<!tpu.dma_semaphore, #tpu.memory_space<semaphore_mem>>
      %dma_wait3A_326 = arith.constant 0 : i32
      %dma_wait3A_327 = tpu.memref_slice %arg18[%add3A_294, %dma_wait3A_326] : memref<128x128xi32, #tpu.memory_space<vmem>> -> memref<1x128xi32, #tpu.memory_space<vmem>>
      %dma_wait3A_328 = arith.constant 0 : i32
      %dma_wait3A_329 = arith.constant 0 : i32
      %dma_wait3A_330 = tpu.memref_slice %arg6[%dma_wait3A_328, %dma_wait3A_329] : memref<1x1000000xi32, #tpu.memory_space<hbm>> -> memref<1x128xi32, #tpu.memory_space<hbm>>
      tpu.wait_dma2 semaphore(%dma_wait3A_325 : memref<!tpu.dma_semaphore, #tpu.memory_space<semaphore_mem>>) src(%dma_wait3A_330 : memref<1x128xi32, #tpu.memory_space<hbm>>) dst(%dma_wait3A_327 : memref<1x128xi32, #tpu.memory_space<vmem>>)
      %add3A_331 = arith.constant 8 : i32
      %add3A_332 = arith.addi %multiple_of3A, %add3A_331 : i32
      %dma_wait3A_333 = arith.constant 0 : i32
      %dma_wait3A_334 = tpu.memref_slice %arg16[%add3A_332, %dma_wait3A_333] : memref<128x128xi32, #tpu.memory_space<vmem>> -> memref<1x128xi32, #tpu.memory_space<vmem>>
      %dma_wait3A_335 = arith.constant 0 : i32
      %dma_wait3A_336 = arith.constant 0 : i32
      %dma_wait3A_337 = tpu.memref_slice %arg3[%dma_wait3A_335, %dma_wait3A_336] : memref<1x1000000xi32, #tpu.memory_space<hbm>> -> memref<1x128xi32, #tpu.memory_space<hbm>>
      %dma_wait3A_338 = tpu.memref_slice %arg24[%scan3A_24] : memref<8x!tpu.dma_semaphore, #tpu.memory_space<semaphore_mem>> -> memref<1x!tpu.dma_semaphore, #tpu.memory_space<semaphore_mem>>
      %dma_wait3A_339 = tpu.memref_squeeze %dma_wait3A_338 : memref<1x!tpu.dma_semaphore, #tpu.memory_space<semaphore_mem>> -> memref<!tpu.dma_semaphore, #tpu.memory_space<semaphore_mem>>
      %dma_wait3A_340 = arith.constant 0 : i32
      %dma_wait3A_341 = tpu.memref_slice %arg16[%add3A_332, %dma_wait3A_340] : memref<128x128xi32, #tpu.memory_space<vmem>> -> memref<1x128xi32, #tpu.memory_space<vmem>>
      %dma_wait3A_342 = arith.constant 0 : i32
      %dma_wait3A_343 = arith.constant 0 : i32
      %dma_wait3A_344 = tpu.memref_slice %arg3[%dma_wait3A_342, %dma_wait3A_343] : memref<1x1000000xi32, #tpu.memory_space<hbm>> -> memref<1x128xi32, #tpu.memory_space<hbm>>
      tpu.wait_dma2 semaphore(%dma_wait3A_339 : memref<!tpu.dma_semaphore, #tpu.memory_space<semaphore_mem>>) src(%dma_wait3A_344 : memref<1x128xi32, #tpu.memory_space<hbm>>) dst(%dma_wait3A_341 : memref<1x128xi32, #tpu.memory_space<vmem>>)
      %dma_wait3A_345 = arith.constant 0 : i32
      %dma_wait3A_346 = tpu.memref_slice %arg17[%add3A_332, %dma_wait3A_345] : memref<128x128xf32, #tpu.memory_space<vmem>> -> memref<1x128xf32, #tpu.memory_space<vmem>>
      %dma_wait3A_347 = arith.constant 0 : i32
      %dma_wait3A_348 = arith.constant 0 : i32
      %dma_wait3A_349 = tpu.memref_slice %arg4[%dma_wait3A_347, %dma_wait3A_348] : memref<1x1000000xf32, #tpu.memory_space<hbm>> -> memref<1x128xf32, #tpu.memory_space<hbm>>
      %dma_wait3A_350 = tpu.memref_slice %arg24[%scan3A_24] : memref<8x!tpu.dma_semaphore, #tpu.memory_space<semaphore_mem>> -> memref<1x!tpu.dma_semaphore, #tpu.memory_space<semaphore_mem>>
      %dma_wait3A_351 = tpu.memref_squeeze %dma_wait3A_350 : memref<1x!tpu.dma_semaphore, #tpu.memory_space<semaphore_mem>> -> memref<!tpu.dma_semaphore, #tpu.memory_space<semaphore_mem>>
      %dma_wait3A_352 = arith.constant 0 : i32
      %dma_wait3A_353 = tpu.memref_slice %arg17[%add3A_332, %dma_wait3A_352] : memref<128x128xf32, #tpu.memory_space<vmem>> -> memref<1x128xf32, #tpu.memory_space<vmem>>
      %dma_wait3A_354 = arith.constant 0 : i32
      %dma_wait3A_355 = arith.constant 0 : i32
      %dma_wait3A_356 = tpu.memref_slice %arg4[%dma_wait3A_354, %dma_wait3A_355] : memref<1x1000000xf32, #tpu.memory_space<hbm>> -> memref<1x128xf32, #tpu.memory_space<hbm>>
      tpu.wait_dma2 semaphore(%dma_wait3A_351 : memref<!tpu.dma_semaphore, #tpu.memory_space<semaphore_mem>>) src(%dma_wait3A_356 : memref<1x128xf32, #tpu.memory_space<hbm>>) dst(%dma_wait3A_353 : memref<1x128xf32, #tpu.memory_space<vmem>>)
      %dma_wait3A_357 = arith.constant 0 : i32
      %dma_wait3A_358 = tpu.memref_slice %arg18[%add3A_332, %dma_wait3A_357] : memref<128x128xi32, #tpu.memory_space<vmem>> -> memref<1x128xi32, #tpu.memory_space<vmem>>
      %dma_wait3A_359 = arith.constant 0 : i32
      %dma_wait3A_360 = arith.constant 0 : i32
      %dma_wait3A_361 = tpu.memref_slice %arg6[%dma_wait3A_359, %dma_wait3A_360] : memref<1x1000000xi32, #tpu.memory_space<hbm>> -> memref<1x128xi32, #tpu.memory_space<hbm>>
      %dma_wait3A_362 = tpu.memref_slice %arg24[%scan3A_24] : memref<8x!tpu.dma_semaphore, #tpu.memory_space<semaphore_mem>> -> memref<1x!tpu.dma_semaphore, #tpu.memory_space<semaphore_mem>>
      %dma_wait3A_363 = tpu.memref_squeeze %dma_wait3A_362 : memref<1x!tpu.dma_semaphore, #tpu.memory_space<semaphore_mem>> -> memref<!tpu.dma_semaphore, #tpu.memory_space<semaphore_mem>>
      %dma_wait3A_364 = arith.constant 0 : i32
      %dma_wait3A_365 = tpu.memref_slice %arg18[%add3A_332, %dma_wait3A_364] : memref<128x128xi32, #tpu.memory_space<vmem>> -> memref<1x128xi32, #tpu.memory_space<vmem>>
      %dma_wait3A_366 = arith.constant 0 : i32
      %dma_wait3A_367 = arith.constant 0 : i32
      %dma_wait3A_368 = tpu.memref_slice %arg6[%dma_wait3A_366, %dma_wait3A_367] : memref<1x1000000xi32, #tpu.memory_space<hbm>> -> memref<1x128xi32, #tpu.memory_space<hbm>>
      tpu.wait_dma2 semaphore(%dma_wait3A_363 : memref<!tpu.dma_semaphore, #tpu.memory_space<semaphore_mem>>) src(%dma_wait3A_368 : memref<1x128xi32, #tpu.memory_space<hbm>>) dst(%dma_wait3A_365 : memref<1x128xi32, #tpu.memory_space<vmem>>)
      %add3A_369 = arith.constant 9 : i32
      %add3A_370 = arith.addi %multiple_of3A, %add3A_369 : i32
      %dma_wait3A_371 = arith.constant 0 : i32
      %dma_wait3A_372 = tpu.memref_slice %arg16[%add3A_370, %dma_wait3A_371] : memref<128x128xi32, #tpu.memory_space<vmem>> -> memref<1x128xi32, #tpu.memory_space<vmem>>
      %dma_wait3A_373 = arith.constant 0 : i32
      %dma_wait3A_374 = arith.constant 0 : i32
      %dma_wait3A_375 = tpu.memref_slice %arg3[%dma_wait3A_373, %dma_wait3A_374] : memref<1x1000000xi32, #tpu.memory_space<hbm>> -> memref<1x128xi32, #tpu.memory_space<hbm>>
      %dma_wait3A_376 = tpu.memref_slice %arg24[%scan3A_24] : memref<8x!tpu.dma_semaphore, #tpu.memory_space<semaphore_mem>> -> memref<1x!tpu.dma_semaphore, #tpu.memory_space<semaphore_mem>>
      %dma_wait3A_377 = tpu.memref_squeeze %dma_wait3A_376 : memref<1x!tpu.dma_semaphore, #tpu.memory_space<semaphore_mem>> -> memref<!tpu.dma_semaphore, #tpu.memory_space<semaphore_mem>>
      %dma_wait3A_378 = arith.constant 0 : i32
      %dma_wait3A_379 = tpu.memref_slice %arg16[%add3A_370, %dma_wait3A_378] : memref<128x128xi32, #tpu.memory_space<vmem>> -> memref<1x128xi32, #tpu.memory_space<vmem>>
      %dma_wait3A_380 = arith.constant 0 : i32
      %dma_wait3A_381 = arith.constant 0 : i32
      %dma_wait3A_382 = tpu.memref_slice %arg3[%dma_wait3A_380, %dma_wait3A_381] : memref<1x1000000xi32, #tpu.memory_space<hbm>> -> memref<1x128xi32, #tpu.memory_space<hbm>>
      tpu.wait_dma2 semaphore(%dma_wait3A_377 : memref<!tpu.dma_semaphore, #tpu.memory_space<semaphore_mem>>) src(%dma_wait3A_382 : memref<1x128xi32, #tpu.memory_space<hbm>>) dst(%dma_wait3A_379 : memref<1x128xi32, #tpu.memory_space<vmem>>)
      %dma_wait3A_383 = arith.constant 0 : i32
      %dma_wait3A_384 = tpu.memref_slice %arg17[%add3A_370, %dma_wait3A_383] : memref<128x128xf32, #tpu.memory_space<vmem>> -> memref<1x128xf32, #tpu.memory_space<vmem>>
      %dma_wait3A_385 = arith.constant 0 : i32
      %dma_wait3A_386 = arith.constant 0 : i32
      %dma_wait3A_387 = tpu.memref_slice %arg4[%dma_wait3A_385, %dma_wait3A_386] : memref<1x1000000xf32, #tpu.memory_space<hbm>> -> memref<1x128xf32, #tpu.memory_space<hbm>>
      %dma_wait3A_388 = tpu.memref_slice %arg24[%scan3A_24] : memref<8x!tpu.dma_semaphore, #tpu.memory_space<semaphore_mem>> -> memref<1x!tpu.dma_semaphore, #tpu.memory_space<semaphore_mem>>
      %dma_wait3A_389 = tpu.memref_squeeze %dma_wait3A_388 : memref<1x!tpu.dma_semaphore, #tpu.memory_space<semaphore_mem>> -> memref<!tpu.dma_semaphore, #tpu.memory_space<semaphore_mem>>
      %dma_wait3A_390 = arith.constant 0 : i32
      %dma_wait3A_391 = tpu.memref_slice %arg17[%add3A_370, %dma_wait3A_390] : memref<128x128xf32, #tpu.memory_space<vmem>> -> memref<1x128xf32, #tpu.memory_space<vmem>>
      %dma_wait3A_392 = arith.constant 0 : i32
      %dma_wait3A_393 = arith.constant 0 : i32
      %dma_wait3A_394 = tpu.memref_slice %arg4[%dma_wait3A_392, %dma_wait3A_393] : memref<1x1000000xf32, #tpu.memory_space<hbm>> -> memref<1x128xf32, #tpu.memory_space<hbm>>
      tpu.wait_dma2 semaphore(%dma_wait3A_389 : memref<!tpu.dma_semaphore, #tpu.memory_space<semaphore_mem>>) src(%dma_wait3A_394 : memref<1x128xf32, #tpu.memory_space<hbm>>) dst(%dma_wait3A_391 : memref<1x128xf32, #tpu.memory_space<vmem>>)
      %dma_wait3A_395 = arith.constant 0 : i32
      %dma_wait3A_396 = tpu.memref_slice %arg18[%add3A_370, %dma_wait3A_395] : memref<128x128xi32, #tpu.memory_space<vmem>> -> memref<1x128xi32, #tpu.memory_space<vmem>>
      %dma_wait3A_397 = arith.constant 0 : i32
      %dma_wait3A_398 = arith.constant 0 : i32
      %dma_wait3A_399 = tpu.memref_slice %arg6[%dma_wait3A_397, %dma_wait3A_398] : memref<1x1000000xi32, #tpu.memory_space<hbm>> -> memref<1x128xi32, #tpu.memory_space<hbm>>
      %dma_wait3A_400 = tpu.memref_slice %arg24[%scan3A_24] : memref<8x!tpu.dma_semaphore, #tpu.memory_space<semaphore_mem>> -> memref<1x!tpu.dma_semaphore, #tpu.memory_space<semaphore_mem>>
      %dma_wait3A_401 = tpu.memref_squeeze %dma_wait3A_400 : memref<1x!tpu.dma_semaphore, #tpu.memory_space<semaphore_mem>> -> memref<!tpu.dma_semaphore, #tpu.memory_space<semaphore_mem>>
      %dma_wait3A_402 = arith.constant 0 : i32
      %dma_wait3A_403 = tpu.memref_slice %arg18[%add3A_370, %dma_wait3A_402] : memref<128x128xi32, #tpu.memory_space<vmem>> -> memref<1x128xi32, #tpu.memory_space<vmem>>
      %dma_wait3A_404 = arith.constant 0 : i32
      %dma_wait3A_405 = arith.constant 0 : i32
      %dma_wait3A_406 = tpu.memref_slice %arg6[%dma_wait3A_404, %dma_wait3A_405] : memref<1x1000000xi32, #tpu.memory_space<hbm>> -> memref<1x128xi32, #tpu.memory_space<hbm>>
      tpu.wait_dma2 semaphore(%dma_wait3A_401 : memref<!tpu.dma_semaphore, #tpu.memory_space<semaphore_mem>>) src(%dma_wait3A_406 : memref<1x128xi32, #tpu.memory_space<hbm>>) dst(%dma_wait3A_403 : memref<1x128xi32, #tpu.memory_space<vmem>>)
      %add3A_407 = arith.constant 10 : i32
      %add3A_408 = arith.addi %multiple_of3A, %add3A_407 : i32
      %dma_wait3A_409 = arith.constant 0 : i32
      %dma_wait3A_410 = tpu.memref_slice %arg16[%add3A_408, %dma_wait3A_409] : memref<128x128xi32, #tpu.memory_space<vmem>> -> memref<1x128xi32, #tpu.memory_space<vmem>>
      %dma_wait3A_411 = arith.constant 0 : i32
      %dma_wait3A_412 = arith.constant 0 : i32
      %dma_wait3A_413 = tpu.memref_slice %arg3[%dma_wait3A_411, %dma_wait3A_412] : memref<1x1000000xi32, #tpu.memory_space<hbm>> -> memref<1x128xi32, #tpu.memory_space<hbm>>
      %dma_wait3A_414 = tpu.memref_slice %arg24[%scan3A_24] : memref<8x!tpu.dma_semaphore, #tpu.memory_space<semaphore_mem>> -> memref<1x!tpu.dma_semaphore, #tpu.memory_space<semaphore_mem>>
      %dma_wait3A_415 = tpu.memref_squeeze %dma_wait3A_414 : memref<1x!tpu.dma_semaphore, #tpu.memory_space<semaphore_mem>> -> memref<!tpu.dma_semaphore, #tpu.memory_space<semaphore_mem>>
      %dma_wait3A_416 = arith.constant 0 : i32
      %dma_wait3A_417 = tpu.memref_slice %arg16[%add3A_408, %dma_wait3A_416] : memref<128x128xi32, #tpu.memory_space<vmem>> -> memref<1x128xi32, #tpu.memory_space<vmem>>
      %dma_wait3A_418 = arith.constant 0 : i32
      %dma_wait3A_419 = arith.constant 0 : i32
      %dma_wait3A_420 = tpu.memref_slice %arg3[%dma_wait3A_418, %dma_wait3A_419] : memref<1x1000000xi32, #tpu.memory_space<hbm>> -> memref<1x128xi32, #tpu.memory_space<hbm>>
      tpu.wait_dma2 semaphore(%dma_wait3A_415 : memref<!tpu.dma_semaphore, #tpu.memory_space<semaphore_mem>>) src(%dma_wait3A_420 : memref<1x128xi32, #tpu.memory_space<hbm>>) dst(%dma_wait3A_417 : memref<1x128xi32, #tpu.memory_space<vmem>>)
      %dma_wait3A_421 = arith.constant 0 : i32
      %dma_wait3A_422 = tpu.memref_slice %arg17[%add3A_408, %dma_wait3A_421] : memref<128x128xf32, #tpu.memory_space<vmem>> -> memref<1x128xf32, #tpu.memory_space<vmem>>
      %dma_wait3A_423 = arith.constant 0 : i32
      %dma_wait3A_424 = arith.constant 0 : i32
      %dma_wait3A_425 = tpu.memref_slice %arg4[%dma_wait3A_423, %dma_wait3A_424] : memref<1x1000000xf32, #tpu.memory_space<hbm>> -> memref<1x128xf32, #tpu.memory_space<hbm>>
      %dma_wait3A_426 = tpu.memref_slice %arg24[%scan3A_24] : memref<8x!tpu.dma_semaphore, #tpu.memory_space<semaphore_mem>> -> memref<1x!tpu.dma_semaphore, #tpu.memory_space<semaphore_mem>>
      %dma_wait3A_427 = tpu.memref_squeeze %dma_wait3A_426 : memref<1x!tpu.dma_semaphore, #tpu.memory_space<semaphore_mem>> -> memref<!tpu.dma_semaphore, #tpu.memory_space<semaphore_mem>>
      %dma_wait3A_428 = arith.constant 0 : i32
      %dma_wait3A_429 = tpu.memref_slice %arg17[%add3A_408, %dma_wait3A_428] : memref<128x128xf32, #tpu.memory_space<vmem>> -> memref<1x128xf32, #tpu.memory_space<vmem>>
      %dma_wait3A_430 = arith.constant 0 : i32
      %dma_wait3A_431 = arith.constant 0 : i32
      %dma_wait3A_432 = tpu.memref_slice %arg4[%dma_wait3A_430, %dma_wait3A_431] : memref<1x1000000xf32, #tpu.memory_space<hbm>> -> memref<1x128xf32, #tpu.memory_space<hbm>>
      tpu.wait_dma2 semaphore(%dma_wait3A_427 : memref<!tpu.dma_semaphore, #tpu.memory_space<semaphore_mem>>) src(%dma_wait3A_432 : memref<1x128xf32, #tpu.memory_space<hbm>>) dst(%dma_wait3A_429 : memref<1x128xf32, #tpu.memory_space<vmem>>)
      %dma_wait3A_433 = arith.constant 0 : i32
      %dma_wait3A_434 = tpu.memref_slice %arg18[%add3A_408, %dma_wait3A_433] : memref<128x128xi32, #tpu.memory_space<vmem>> -> memref<1x128xi32, #tpu.memory_space<vmem>>
      %dma_wait3A_435 = arith.constant 0 : i32
      %dma_wait3A_436 = arith.constant 0 : i32
      %dma_wait3A_437 = tpu.memref_slice %arg6[%dma_wait3A_435, %dma_wait3A_436] : memref<1x1000000xi32, #tpu.memory_space<hbm>> -> memref<1x128xi32, #tpu.memory_space<hbm>>
      %dma_wait3A_438 = tpu.memref_slice %arg24[%scan3A_24] : memref<8x!tpu.dma_semaphore, #tpu.memory_space<semaphore_mem>> -> memref<1x!tpu.dma_semaphore, #tpu.memory_space<semaphore_mem>>
      %dma_wait3A_439 = tpu.memref_squeeze %dma_wait3A_438 : memref<1x!tpu.dma_semaphore, #tpu.memory_space<semaphore_mem>> -> memref<!tpu.dma_semaphore, #tpu.memory_space<semaphore_mem>>
      %dma_wait3A_440 = arith.constant 0 : i32
      %dma_wait3A_441 = tpu.memref_slice %arg18[%add3A_408, %dma_wait3A_440] : memref<128x128xi32, #tpu.memory_space<vmem>> -> memref<1x128xi32, #tpu.memory_space<vmem>>
      %dma_wait3A_442 = arith.constant 0 : i32
      %dma_wait3A_443 = arith.constant 0 : i32
      %dma_wait3A_444 = tpu.memref_slice %arg6[%dma_wait3A_442, %dma_wait3A_443] : memref<1x1000000xi32, #tpu.memory_space<hbm>> -> memref<1x128xi32, #tpu.memory_space<hbm>>
      tpu.wait_dma2 semaphore(%dma_wait3A_439 : memref<!tpu.dma_semaphore, #tpu.memory_space<semaphore_mem>>) src(%dma_wait3A_444 : memref<1x128xi32, #tpu.memory_space<hbm>>) dst(%dma_wait3A_441 : memref<1x128xi32, #tpu.memory_space<vmem>>)
      %add3A_445 = arith.constant 11 : i32
      %add3A_446 = arith.addi %multiple_of3A, %add3A_445 : i32
      %dma_wait3A_447 = arith.constant 0 : i32
      %dma_wait3A_448 = tpu.memref_slice %arg16[%add3A_446, %dma_wait3A_447] : memref<128x128xi32, #tpu.memory_space<vmem>> -> memref<1x128xi32, #tpu.memory_space<vmem>>
      %dma_wait3A_449 = arith.constant 0 : i32
      %dma_wait3A_450 = arith.constant 0 : i32
      %dma_wait3A_451 = tpu.memref_slice %arg3[%dma_wait3A_449, %dma_wait3A_450] : memref<1x1000000xi32, #tpu.memory_space<hbm>> -> memref<1x128xi32, #tpu.memory_space<hbm>>
      %dma_wait3A_452 = tpu.memref_slice %arg24[%scan3A_24] : memref<8x!tpu.dma_semaphore, #tpu.memory_space<semaphore_mem>> -> memref<1x!tpu.dma_semaphore, #tpu.memory_space<semaphore_mem>>
      %dma_wait3A_453 = tpu.memref_squeeze %dma_wait3A_452 : memref<1x!tpu.dma_semaphore, #tpu.memory_space<semaphore_mem>> -> memref<!tpu.dma_semaphore, #tpu.memory_space<semaphore_mem>>
      %dma_wait3A_454 = arith.constant 0 : i32
      %dma_wait3A_455 = tpu.memref_slice %arg16[%add3A_446, %dma_wait3A_454] : memref<128x128xi32, #tpu.memory_space<vmem>> -> memref<1x128xi32, #tpu.memory_space<vmem>>
      %dma_wait3A_456 = arith.constant 0 : i32
      %dma_wait3A_457 = arith.constant 0 : i32
      %dma_wait3A_458 = tpu.memref_slice %arg3[%dma_wait3A_456, %dma_wait3A_457] : memref<1x1000000xi32, #tpu.memory_space<hbm>> -> memref<1x128xi32, #tpu.memory_space<hbm>>
      tpu.wait_dma2 semaphore(%dma_wait3A_453 : memref<!tpu.dma_semaphore, #tpu.memory_space<semaphore_mem>>) src(%dma_wait3A_458 : memref<1x128xi32, #tpu.memory_space<hbm>>) dst(%dma_wait3A_455 : memref<1x128xi32, #tpu.memory_space<vmem>>)
      %dma_wait3A_459 = arith.constant 0 : i32
      %dma_wait3A_460 = tpu.memref_slice %arg17[%add3A_446, %dma_wait3A_459] : memref<128x128xf32, #tpu.memory_space<vmem>> -> memref<1x128xf32, #tpu.memory_space<vmem>>
      %dma_wait3A_461 = arith.constant 0 : i32
      %dma_wait3A_462 = arith.constant 0 : i32
      %dma_wait3A_463 = tpu.memref_slice %arg4[%dma_wait3A_461, %dma_wait3A_462] : memref<1x1000000xf32, #tpu.memory_space<hbm>> -> memref<1x128xf32, #tpu.memory_space<hbm>>
      %dma_wait3A_464 = tpu.memref_slice %arg24[%scan3A_24] : memref<8x!tpu.dma_semaphore, #tpu.memory_space<semaphore_mem>> -> memref<1x!tpu.dma_semaphore, #tpu.memory_space<semaphore_mem>>
      %dma_wait3A_465 = tpu.memref_squeeze %dma_wait3A_464 : memref<1x!tpu.dma_semaphore, #tpu.memory_space<semaphore_mem>> -> memref<!tpu.dma_semaphore, #tpu.memory_space<semaphore_mem>>
      %dma_wait3A_466 = arith.constant 0 : i32
      %dma_wait3A_467 = tpu.memref_slice %arg17[%add3A_446, %dma_wait3A_466] : memref<128x128xf32, #tpu.memory_space<vmem>> -> memref<1x128xf32, #tpu.memory_space<vmem>>
      %dma_wait3A_468 = arith.constant 0 : i32
      %dma_wait3A_469 = arith.constant 0 : i32
      %dma_wait3A_470 = tpu.memref_slice %arg4[%dma_wait3A_468, %dma_wait3A_469] : memref<1x1000000xf32, #tpu.memory_space<hbm>> -> memref<1x128xf32, #tpu.memory_space<hbm>>
      tpu.wait_dma2 semaphore(%dma_wait3A_465 : memref<!tpu.dma_semaphore, #tpu.memory_space<semaphore_mem>>) src(%dma_wait3A_470 : memref<1x128xf32, #tpu.memory_space<hbm>>) dst(%dma_wait3A_467 : memref<1x128xf32, #tpu.memory_space<vmem>>)
      %dma_wait3A_471 = arith.constant 0 : i32
      %dma_wait3A_472 = tpu.memref_slice %arg18[%add3A_446, %dma_wait3A_471] : memref<128x128xi32, #tpu.memory_space<vmem>> -> memref<1x128xi32, #tpu.memory_space<vmem>>
      %dma_wait3A_473 = arith.constant 0 : i32
      %dma_wait3A_474 = arith.constant 0 : i32
      %dma_wait3A_475 = tpu.memref_slice %arg6[%dma_wait3A_473, %dma_wait3A_474] : memref<1x1000000xi32, #tpu.memory_space<hbm>> -> memref<1x128xi32, #tpu.memory_space<hbm>>
      %dma_wait3A_476 = tpu.memref_slice %arg24[%scan3A_24] : memref<8x!tpu.dma_semaphore, #tpu.memory_space<semaphore_mem>> -> memref<1x!tpu.dma_semaphore, #tpu.memory_space<semaphore_mem>>
      %dma_wait3A_477 = tpu.memref_squeeze %dma_wait3A_476 : memref<1x!tpu.dma_semaphore, #tpu.memory_space<semaphore_mem>> -> memref<!tpu.dma_semaphore, #tpu.memory_space<semaphore_mem>>
      %dma_wait3A_478 = arith.constant 0 : i32
      %dma_wait3A_479 = tpu.memref_slice %arg18[%add3A_446, %dma_wait3A_478] : memref<128x128xi32, #tpu.memory_space<vmem>> -> memref<1x128xi32, #tpu.memory_space<vmem>>
      %dma_wait3A_480 = arith.constant 0 : i32
      %dma_wait3A_481 = arith.constant 0 : i32
      %dma_wait3A_482 = tpu.memref_slice %arg6[%dma_wait3A_480, %dma_wait3A_481] : memref<1x1000000xi32, #tpu.memory_space<hbm>> -> memref<1x128xi32, #tpu.memory_space<hbm>>
      tpu.wait_dma2 semaphore(%dma_wait3A_477 : memref<!tpu.dma_semaphore, #tpu.memory_space<semaphore_mem>>) src(%dma_wait3A_482 : memref<1x128xi32, #tpu.memory_space<hbm>>) dst(%dma_wait3A_479 : memref<1x128xi32, #tpu.memory_space<vmem>>)
      %add3A_483 = arith.constant 12 : i32
      %add3A_484 = arith.addi %multiple_of3A, %add3A_483 : i32
      %dma_wait3A_485 = arith.constant 0 : i32
      %dma_wait3A_486 = tpu.memref_slice %arg16[%add3A_484, %dma_wait3A_485] : memref<128x128xi32, #tpu.memory_space<vmem>> -> memref<1x128xi32, #tpu.memory_space<vmem>>
      %dma_wait3A_487 = arith.constant 0 : i32
      %dma_wait3A_488 = arith.constant 0 : i32
      %dma_wait3A_489 = tpu.memref_slice %arg3[%dma_wait3A_487, %dma_wait3A_488] : memref<1x1000000xi32, #tpu.memory_space<hbm>> -> memref<1x128xi32, #tpu.memory_space<hbm>>
      %dma_wait3A_490 = tpu.memref_slice %arg24[%scan3A_24] : memref<8x!tpu.dma_semaphore, #tpu.memory_space<semaphore_mem>> -> memref<1x!tpu.dma_semaphore, #tpu.memory_space<semaphore_mem>>
      %dma_wait3A_491 = tpu.memref_squeeze %dma_wait3A_490 : memref<1x!tpu.dma_semaphore, #tpu.memory_space<semaphore_mem>> -> memref<!tpu.dma_semaphore, #tpu.memory_space<semaphore_mem>>
      %dma_wait3A_492 = arith.constant 0 : i32
      %dma_wait3A_493 = tpu.memref_slice %arg16[%add3A_484, %dma_wait3A_492] : memref<128x128xi32, #tpu.memory_space<vmem>> -> memref<1x128xi32, #tpu.memory_space<vmem>>
      %dma_wait3A_494 = arith.constant 0 : i32
      %dma_wait3A_495 = arith.constant 0 : i32
      %dma_wait3A_496 = tpu.memref_slice %arg3[%dma_wait3A_494, %dma_wait3A_495] : memref<1x1000000xi32, #tpu.memory_space<hbm>> -> memref<1x128xi32, #tpu.memory_space<hbm>>
      tpu.wait_dma2 semaphore(%dma_wait3A_491 : memref<!tpu.dma_semaphore, #tpu.memory_space<semaphore_mem>>) src(%dma_wait3A_496 : memref<1x128xi32, #tpu.memory_space<hbm>>) dst(%dma_wait3A_493 : memref<1x128xi32, #tpu.memory_space<vmem>>)
      %dma_wait3A_497 = arith.constant 0 : i32
      %dma_wait3A_498 = tpu.memref_slice %arg17[%add3A_484, %dma_wait3A_497] : memref<128x128xf32, #tpu.memory_space<vmem>> -> memref<1x128xf32, #tpu.memory_space<vmem>>
      %dma_wait3A_499 = arith.constant 0 : i32
      %dma_wait3A_500 = arith.constant 0 : i32
      %dma_wait3A_501 = tpu.memref_slice %arg4[%dma_wait3A_499, %dma_wait3A_500] : memref<1x1000000xf32, #tpu.memory_space<hbm>> -> memref<1x128xf32, #tpu.memory_space<hbm>>
      %dma_wait3A_502 = tpu.memref_slice %arg24[%scan3A_24] : memref<8x!tpu.dma_semaphore, #tpu.memory_space<semaphore_mem>> -> memref<1x!tpu.dma_semaphore, #tpu.memory_space<semaphore_mem>>
      %dma_wait3A_503 = tpu.memref_squeeze %dma_wait3A_502 : memref<1x!tpu.dma_semaphore, #tpu.memory_space<semaphore_mem>> -> memref<!tpu.dma_semaphore, #tpu.memory_space<semaphore_mem>>
      %dma_wait3A_504 = arith.constant 0 : i32
      %dma_wait3A_505 = tpu.memref_slice %arg17[%add3A_484, %dma_wait3A_504] : memref<128x128xf32, #tpu.memory_space<vmem>> -> memref<1x128xf32, #tpu.memory_space<vmem>>
      %dma_wait3A_506 = arith.constant 0 : i32
      %dma_wait3A_507 = arith.constant 0 : i32
      %dma_wait3A_508 = tpu.memref_slice %arg4[%dma_wait3A_506, %dma_wait3A_507] : memref<1x1000000xf32, #tpu.memory_space<hbm>> -> memref<1x128xf32, #tpu.memory_space<hbm>>
      tpu.wait_dma2 semaphore(%dma_wait3A_503 : memref<!tpu.dma_semaphore, #tpu.memory_space<semaphore_mem>>) src(%dma_wait3A_508 : memref<1x128xf32, #tpu.memory_space<hbm>>) dst(%dma_wait3A_505 : memref<1x128xf32, #tpu.memory_space<vmem>>)
      %dma_wait3A_509 = arith.constant 0 : i32
      %dma_wait3A_510 = tpu.memref_slice %arg18[%add3A_484, %dma_wait3A_509] : memref<128x128xi32, #tpu.memory_space<vmem>> -> memref<1x128xi32, #tpu.memory_space<vmem>>
      %dma_wait3A_511 = arith.constant 0 : i32
      %dma_wait3A_512 = arith.constant 0 : i32
      %dma_wait3A_513 = tpu.memref_slice %arg6[%dma_wait3A_511, %dma_wait3A_512] : memref<1x1000000xi32, #tpu.memory_space<hbm>> -> memref<1x128xi32, #tpu.memory_space<hbm>>
      %dma_wait3A_514 = tpu.memref_slice %arg24[%scan3A_24] : memref<8x!tpu.dma_semaphore, #tpu.memory_space<semaphore_mem>> -> memref<1x!tpu.dma_semaphore, #tpu.memory_space<semaphore_mem>>
      %dma_wait3A_515 = tpu.memref_squeeze %dma_wait3A_514 : memref<1x!tpu.dma_semaphore, #tpu.memory_space<semaphore_mem>> -> memref<!tpu.dma_semaphore, #tpu.memory_space<semaphore_mem>>
      %dma_wait3A_516 = arith.constant 0 : i32
      %dma_wait3A_517 = tpu.memref_slice %arg18[%add3A_484, %dma_wait3A_516] : memref<128x128xi32, #tpu.memory_space<vmem>> -> memref<1x128xi32, #tpu.memory_space<vmem>>
      %dma_wait3A_518 = arith.constant 0 : i32
      %dma_wait3A_519 = arith.constant 0 : i32
      %dma_wait3A_520 = tpu.memref_slice %arg6[%dma_wait3A_518, %dma_wait3A_519] : memref<1x1000000xi32, #tpu.memory_space<hbm>> -> memref<1x128xi32, #tpu.memory_space<hbm>>
      tpu.wait_dma2 semaphore(%dma_wait3A_515 : memref<!tpu.dma_semaphore, #tpu.memory_space<semaphore_mem>>) src(%dma_wait3A_520 : memref<1x128xi32, #tpu.memory_space<hbm>>) dst(%dma_wait3A_517 : memref<1x128xi32, #tpu.memory_space<vmem>>)
      %add3A_521 = arith.constant 13 : i32
      %add3A_522 = arith.addi %multiple_of3A, %add3A_521 : i32
      %dma_wait3A_523 = arith.constant 0 : i32
      %dma_wait3A_524 = tpu.memref_slice %arg16[%add3A_522, %dma_wait3A_523] : memref<128x128xi32, #tpu.memory_space<vmem>> -> memref<1x128xi32, #tpu.memory_space<vmem>>
      %dma_wait3A_525 = arith.constant 0 : i32
      %dma_wait3A_526 = arith.constant 0 : i32
      %dma_wait3A_527 = tpu.memref_slice %arg3[%dma_wait3A_525, %dma_wait3A_526] : memref<1x1000000xi32, #tpu.memory_space<hbm>> -> memref<1x128xi32, #tpu.memory_space<hbm>>
      %dma_wait3A_528 = tpu.memref_slice %arg24[%scan3A_24] : memref<8x!tpu.dma_semaphore, #tpu.memory_space<semaphore_mem>> -> memref<1x!tpu.dma_semaphore, #tpu.memory_space<semaphore_mem>>
      %dma_wait3A_529 = tpu.memref_squeeze %dma_wait3A_528 : memref<1x!tpu.dma_semaphore, #tpu.memory_space<semaphore_mem>> -> memref<!tpu.dma_semaphore, #tpu.memory_space<semaphore_mem>>
      %dma_wait3A_530 = arith.constant 0 : i32
      %dma_wait3A_531 = tpu.memref_slice %arg16[%add3A_522, %dma_wait3A_530] : memref<128x128xi32, #tpu.memory_space<vmem>> -> memref<1x128xi32, #tpu.memory_space<vmem>>
      %dma_wait3A_532 = arith.constant 0 : i32
      %dma_wait3A_533 = arith.constant 0 : i32
      %dma_wait3A_534 = tpu.memref_slice %arg3[%dma_wait3A_532, %dma_wait3A_533] : memref<1x1000000xi32, #tpu.memory_space<hbm>> -> memref<1x128xi32, #tpu.memory_space<hbm>>
      tpu.wait_dma2 semaphore(%dma_wait3A_529 : memref<!tpu.dma_semaphore, #tpu.memory_space<semaphore_mem>>) src(%dma_wait3A_534 : memref<1x128xi32, #tpu.memory_space<hbm>>) dst(%dma_wait3A_531 : memref<1x128xi32, #tpu.memory_space<vmem>>)
      %dma_wait3A_535 = arith.constant 0 : i32
      %dma_wait3A_536 = tpu.memref_slice %arg17[%add3A_522, %dma_wait3A_535] : memref<128x128xf32, #tpu.memory_space<vmem>> -> memref<1x128xf32, #tpu.memory_space<vmem>>
      %dma_wait3A_537 = arith.constant 0 : i32
      %dma_wait3A_538 = arith.constant 0 : i32
      %dma_wait3A_539 = tpu.memref_slice %arg4[%dma_wait3A_537, %dma_wait3A_538] : memref<1x1000000xf32, #tpu.memory_space<hbm>> -> memref<1x128xf32, #tpu.memory_space<hbm>>
      %dma_wait3A_540 = tpu.memref_slice %arg24[%scan3A_24] : memref<8x!tpu.dma_semaphore, #tpu.memory_space<semaphore_mem>> -> memref<1x!tpu.dma_semaphore, #tpu.memory_space<semaphore_mem>>
      %dma_wait3A_541 = tpu.memref_squeeze %dma_wait3A_540 : memref<1x!tpu.dma_semaphore, #tpu.memory_space<semaphore_mem>> -> memref<!tpu.dma_semaphore, #tpu.memory_space<semaphore_mem>>
      %dma_wait3A_542 = arith.constant 0 : i32
      %dma_wait3A_543 = tpu.memref_slice %arg17[%add3A_522, %dma_wait3A_542] : memref<128x128xf32, #tpu.memory_space<vmem>> -> memref<1x128xf32, #tpu.memory_space<vmem>>
      %dma_wait3A_544 = arith.constant 0 : i32
      %dma_wait3A_545 = arith.constant 0 : i32
      %dma_wait3A_546 = tpu.memref_slice %arg4[%dma_wait3A_544, %dma_wait3A_545] : memref<1x1000000xf32, #tpu.memory_space<hbm>> -> memref<1x128xf32, #tpu.memory_space<hbm>>
      tpu.wait_dma2 semaphore(%dma_wait3A_541 : memref<!tpu.dma_semaphore, #tpu.memory_space<semaphore_mem>>) src(%dma_wait3A_546 : memref<1x128xf32, #tpu.memory_space<hbm>>) dst(%dma_wait3A_543 : memref<1x128xf32, #tpu.memory_space<vmem>>)
      %dma_wait3A_547 = arith.constant 0 : i32
      %dma_wait3A_548 = tpu.memref_slice %arg18[%add3A_522, %dma_wait3A_547] : memref<128x128xi32, #tpu.memory_space<vmem>> -> memref<1x128xi32, #tpu.memory_space<vmem>>
      %dma_wait3A_549 = arith.constant 0 : i32
      %dma_wait3A_550 = arith.constant 0 : i32
      %dma_wait3A_551 = tpu.memref_slice %arg6[%dma_wait3A_549, %dma_wait3A_550] : memref<1x1000000xi32, #tpu.memory_space<hbm>> -> memref<1x128xi32, #tpu.memory_space<hbm>>
      %dma_wait3A_552 = tpu.memref_slice %arg24[%scan3A_24] : memref<8x!tpu.dma_semaphore, #tpu.memory_space<semaphore_mem>> -> memref<1x!tpu.dma_semaphore, #tpu.memory_space<semaphore_mem>>
      %dma_wait3A_553 = tpu.memref_squeeze %dma_wait3A_552 : memref<1x!tpu.dma_semaphore, #tpu.memory_space<semaphore_mem>> -> memref<!tpu.dma_semaphore, #tpu.memory_space<semaphore_mem>>
      %dma_wait3A_554 = arith.constant 0 : i32
      %dma_wait3A_555 = tpu.memref_slice %arg18[%add3A_522, %dma_wait3A_554] : memref<128x128xi32, #tpu.memory_space<vmem>> -> memref<1x128xi32, #tpu.memory_space<vmem>>
      %dma_wait3A_556 = arith.constant 0 : i32
      %dma_wait3A_557 = arith.constant 0 : i32
      %dma_wait3A_558 = tpu.memref_slice %arg6[%dma_wait3A_556, %dma_wait3A_557] : memref<1x1000000xi32, #tpu.memory_space<hbm>> -> memref<1x128xi32, #tpu.memory_space<hbm>>
      tpu.wait_dma2 semaphore(%dma_wait3A_553 : memref<!tpu.dma_semaphore, #tpu.memory_space<semaphore_mem>>) src(%dma_wait3A_558 : memref<1x128xi32, #tpu.memory_space<hbm>>) dst(%dma_wait3A_555 : memref<1x128xi32, #tpu.memory_space<vmem>>)
      %add3A_559 = arith.constant 14 : i32
      %add3A_560 = arith.addi %multiple_of3A, %add3A_559 : i32
      %dma_wait3A_561 = arith.constant 0 : i32
      %dma_wait3A_562 = tpu.memref_slice %arg16[%add3A_560, %dma_wait3A_561] : memref<128x128xi32, #tpu.memory_space<vmem>> -> memref<1x128xi32, #tpu.memory_space<vmem>>
      %dma_wait3A_563 = arith.constant 0 : i32
      %dma_wait3A_564 = arith.constant 0 : i32
      %dma_wait3A_565 = tpu.memref_slice %arg3[%dma_wait3A_563, %dma_wait3A_564] : memref<1x1000000xi32, #tpu.memory_space<hbm>> -> memref<1x128xi32, #tpu.memory_space<hbm>>
      %dma_wait3A_566 = tpu.memref_slice %arg24[%scan3A_24] : memref<8x!tpu.dma_semaphore, #tpu.memory_space<semaphore_mem>> -> memref<1x!tpu.dma_semaphore, #tpu.memory_space<semaphore_mem>>
      %dma_wait3A_567 = tpu.memref_squeeze %dma_wait3A_566 : memref<1x!tpu.dma_semaphore, #tpu.memory_space<semaphore_mem>> -> memref<!tpu.dma_semaphore, #tpu.memory_space<semaphore_mem>>
      %dma_wait3A_568 = arith.constant 0 : i32
      %dma_wait3A_569 = tpu.memref_slice %arg16[%add3A_560, %dma_wait3A_568] : memref<128x128xi32, #tpu.memory_space<vmem>> -> memref<1x128xi32, #tpu.memory_space<vmem>>
      %dma_wait3A_570 = arith.constant 0 : i32
      %dma_wait3A_571 = arith.constant 0 : i32
      %dma_wait3A_572 = tpu.memref_slice %arg3[%dma_wait3A_570, %dma_wait3A_571] : memref<1x1000000xi32, #tpu.memory_space<hbm>> -> memref<1x128xi32, #tpu.memory_space<hbm>>
      tpu.wait_dma2 semaphore(%dma_wait3A_567 : memref<!tpu.dma_semaphore, #tpu.memory_space<semaphore_mem>>) src(%dma_wait3A_572 : memref<1x128xi32, #tpu.memory_space<hbm>>) dst(%dma_wait3A_569 : memref<1x128xi32, #tpu.memory_space<vmem>>)
      %dma_wait3A_573 = arith.constant 0 : i32
      %dma_wait3A_574 = tpu.memref_slice %arg17[%add3A_560, %dma_wait3A_573] : memref<128x128xf32, #tpu.memory_space<vmem>> -> memref<1x128xf32, #tpu.memory_space<vmem>>
      %dma_wait3A_575 = arith.constant 0 : i32
      %dma_wait3A_576 = arith.constant 0 : i32
      %dma_wait3A_577 = tpu.memref_slice %arg4[%dma_wait3A_575, %dma_wait3A_576] : memref<1x1000000xf32, #tpu.memory_space<hbm>> -> memref<1x128xf32, #tpu.memory_space<hbm>>
      %dma_wait3A_578 = tpu.memref_slice %arg24[%scan3A_24] : memref<8x!tpu.dma_semaphore, #tpu.memory_space<semaphore_mem>> -> memref<1x!tpu.dma_semaphore, #tpu.memory_space<semaphore_mem>>
      %dma_wait3A_579 = tpu.memref_squeeze %dma_wait3A_578 : memref<1x!tpu.dma_semaphore, #tpu.memory_space<semaphore_mem>> -> memref<!tpu.dma_semaphore, #tpu.memory_space<semaphore_mem>>
      %dma_wait3A_580 = arith.constant 0 : i32
      %dma_wait3A_581 = tpu.memref_slice %arg17[%add3A_560, %dma_wait3A_580] : memref<128x128xf32, #tpu.memory_space<vmem>> -> memref<1x128xf32, #tpu.memory_space<vmem>>
      %dma_wait3A_582 = arith.constant 0 : i32
      %dma_wait3A_583 = arith.constant 0 : i32
      %dma_wait3A_584 = tpu.memref_slice %arg4[%dma_wait3A_582, %dma_wait3A_583] : memref<1x1000000xf32, #tpu.memory_space<hbm>> -> memref<1x128xf32, #tpu.memory_space<hbm>>
      tpu.wait_dma2 semaphore(%dma_wait3A_579 : memref<!tpu.dma_semaphore, #tpu.memory_space<semaphore_mem>>) src(%dma_wait3A_584 : memref<1x128xf32, #tpu.memory_space<hbm>>) dst(%dma_wait3A_581 : memref<1x128xf32, #tpu.memory_space<vmem>>)
      %dma_wait3A_585 = arith.constant 0 : i32
      %dma_wait3A_586 = tpu.memref_slice %arg18[%add3A_560, %dma_wait3A_585] : memref<128x128xi32, #tpu.memory_space<vmem>> -> memref<1x128xi32, #tpu.memory_space<vmem>>
      %dma_wait3A_587 = arith.constant 0 : i32
      %dma_wait3A_588 = arith.constant 0 : i32
      %dma_wait3A_589 = tpu.memref_slice %arg6[%dma_wait3A_587, %dma_wait3A_588] : memref<1x1000000xi32, #tpu.memory_space<hbm>> -> memref<1x128xi32, #tpu.memory_space<hbm>>
      %dma_wait3A_590 = tpu.memref_slice %arg24[%scan3A_24] : memref<8x!tpu.dma_semaphore, #tpu.memory_space<semaphore_mem>> -> memref<1x!tpu.dma_semaphore, #tpu.memory_space<semaphore_mem>>
      %dma_wait3A_591 = tpu.memref_squeeze %dma_wait3A_590 : memref<1x!tpu.dma_semaphore, #tpu.memory_space<semaphore_mem>> -> memref<!tpu.dma_semaphore, #tpu.memory_space<semaphore_mem>>
      %dma_wait3A_592 = arith.constant 0 : i32
      %dma_wait3A_593 = tpu.memref_slice %arg18[%add3A_560, %dma_wait3A_592] : memref<128x128xi32, #tpu.memory_space<vmem>> -> memref<1x128xi32, #tpu.memory_space<vmem>>
      %dma_wait3A_594 = arith.constant 0 : i32
      %dma_wait3A_595 = arith.constant 0 : i32
      %dma_wait3A_596 = tpu.memref_slice %arg6[%dma_wait3A_594, %dma_wait3A_595] : memref<1x1000000xi32, #tpu.memory_space<hbm>> -> memref<1x128xi32, #tpu.memory_space<hbm>>
      tpu.wait_dma2 semaphore(%dma_wait3A_591 : memref<!tpu.dma_semaphore, #tpu.memory_space<semaphore_mem>>) src(%dma_wait3A_596 : memref<1x128xi32, #tpu.memory_space<hbm>>) dst(%dma_wait3A_593 : memref<1x128xi32, #tpu.memory_space<vmem>>)
      %add3A_597 = arith.constant 15 : i32
      %add3A_598 = arith.addi %multiple_of3A, %add3A_597 : i32
      %dma_wait3A_599 = arith.constant 0 : i32
      %dma_wait3A_600 = tpu.memref_slice %arg16[%add3A_598, %dma_wait3A_599] : memref<128x128xi32, #tpu.memory_space<vmem>> -> memref<1x128xi32, #tpu.memory_space<vmem>>
      %dma_wait3A_601 = arith.constant 0 : i32
      %dma_wait3A_602 = arith.constant 0 : i32
      %dma_wait3A_603 = tpu.memref_slice %arg3[%dma_wait3A_601, %dma_wait3A_602] : memref<1x1000000xi32, #tpu.memory_space<hbm>> -> memref<1x128xi32, #tpu.memory_space<hbm>>
      %dma_wait3A_604 = tpu.memref_slice %arg24[%scan3A_24] : memref<8x!tpu.dma_semaphore, #tpu.memory_space<semaphore_mem>> -> memref<1x!tpu.dma_semaphore, #tpu.memory_space<semaphore_mem>>
      %dma_wait3A_605 = tpu.memref_squeeze %dma_wait3A_604 : memref<1x!tpu.dma_semaphore, #tpu.memory_space<semaphore_mem>> -> memref<!tpu.dma_semaphore, #tpu.memory_space<semaphore_mem>>
      %dma_wait3A_606 = arith.constant 0 : i32
      %dma_wait3A_607 = tpu.memref_slice %arg16[%add3A_598, %dma_wait3A_606] : memref<128x128xi32, #tpu.memory_space<vmem>> -> memref<1x128xi32, #tpu.memory_space<vmem>>
      %dma_wait3A_608 = arith.constant 0 : i32
      %dma_wait3A_609 = arith.constant 0 : i32
      %dma_wait3A_610 = tpu.memref_slice %arg3[%dma_wait3A_608, %dma_wait3A_609] : memref<1x1000000xi32, #tpu.memory_space<hbm>> -> memref<1x128xi32, #tpu.memory_space<hbm>>
      tpu.wait_dma2 semaphore(%dma_wait3A_605 : memref<!tpu.dma_semaphore, #tpu.memory_space<semaphore_mem>>) src(%dma_wait3A_610 : memref<1x128xi32, #tpu.memory_space<hbm>>) dst(%dma_wait3A_607 : memref<1x128xi32, #tpu.memory_space<vmem>>)
      %dma_wait3A_611 = arith.constant 0 : i32
      %dma_wait3A_612 = tpu.memref_slice %arg17[%add3A_598, %dma_wait3A_611] : memref<128x128xf32, #tpu.memory_space<vmem>> -> memref<1x128xf32, #tpu.memory_space<vmem>>
      %dma_wait3A_613 = arith.constant 0 : i32
      %dma_wait3A_614 = arith.constant 0 : i32
      %dma_wait3A_615 = tpu.memref_slice %arg4[%dma_wait3A_613, %dma_wait3A_614] : memref<1x1000000xf32, #tpu.memory_space<hbm>> -> memref<1x128xf32, #tpu.memory_space<hbm>>
      %dma_wait3A_616 = tpu.memref_slice %arg24[%scan3A_24] : memref<8x!tpu.dma_semaphore, #tpu.memory_space<semaphore_mem>> -> memref<1x!tpu.dma_semaphore, #tpu.memory_space<semaphore_mem>>
      %dma_wait3A_617 = tpu.memref_squeeze %dma_wait3A_616 : memref<1x!tpu.dma_semaphore, #tpu.memory_space<semaphore_mem>> -> memref<!tpu.dma_semaphore, #tpu.memory_space<semaphore_mem>>
      %dma_wait3A_618 = arith.constant 0 : i32
      %dma_wait3A_619 = tpu.memref_slice %arg17[%add3A_598, %dma_wait3A_618] : memref<128x128xf32, #tpu.memory_space<vmem>> -> memref<1x128xf32, #tpu.memory_space<vmem>>
      %dma_wait3A_620 = arith.constant 0 : i32
      %dma_wait3A_621 = arith.constant 0 : i32
      %dma_wait3A_622 = tpu.memref_slice %arg4[%dma_wait3A_620, %dma_wait3A_621] : memref<1x1000000xf32, #tpu.memory_space<hbm>> -> memref<1x128xf32, #tpu.memory_space<hbm>>
      tpu.wait_dma2 semaphore(%dma_wait3A_617 : memref<!tpu.dma_semaphore, #tpu.memory_space<semaphore_mem>>) src(%dma_wait3A_622 : memref<1x128xf32, #tpu.memory_space<hbm>>) dst(%dma_wait3A_619 : memref<1x128xf32, #tpu.memory_space<vmem>>)
      %dma_wait3A_623 = arith.constant 0 : i32
      %dma_wait3A_624 = tpu.memref_slice %arg18[%add3A_598, %dma_wait3A_623] : memref<128x128xi32, #tpu.memory_space<vmem>> -> memref<1x128xi32, #tpu.memory_space<vmem>>
      %dma_wait3A_625 = arith.constant 0 : i32
      %dma_wait3A_626 = arith.constant 0 : i32
      %dma_wait3A_627 = tpu.memref_slice %arg6[%dma_wait3A_625, %dma_wait3A_626] : memref<1x1000000xi32, #tpu.memory_space<hbm>> -> memref<1x128xi32, #tpu.memory_space<hbm>>
      %dma_wait3A_628 = tpu.memref_slice %arg24[%scan3A_24] : memref<8x!tpu.dma_semaphore, #tpu.memory_space<semaphore_mem>> -> memref<1x!tpu.dma_semaphore, #tpu.memory_space<semaphore_mem>>
      %dma_wait3A_629 = tpu.memref_squeeze %dma_wait3A_628 : memref<1x!tpu.dma_semaphore, #tpu.memory_space<semaphore_mem>> -> memref<!tpu.dma_semaphore, #tpu.memory_space<semaphore_mem>>
      %dma_wait3A_630 = arith.constant 0 : i32
      %dma_wait3A_631 = tpu.memref_slice %arg18[%add3A_598, %dma_wait3A_630] : memref<128x128xi32, #tpu.memory_space<vmem>> -> memref<1x128xi32, #tpu.memory_space<vmem>>
      %dma_wait3A_632 = arith.constant 0 : i32
      %dma_wait3A_633 = arith.constant 0 : i32
      %dma_wait3A_634 = tpu.memref_slice %arg6[%dma_wait3A_632, %dma_wait3A_633] : memref<1x1000000xi32, #tpu.memory_space<hbm>> -> memref<1x128xi32, #tpu.memory_space<hbm>>
      tpu.wait_dma2 semaphore(%dma_wait3A_629 : memref<!tpu.dma_semaphore, #tpu.memory_space<semaphore_mem>>) src(%dma_wait3A_634 : memref<1x128xi32, #tpu.memory_space<hbm>>) dst(%dma_wait3A_631 : memref<1x128xi32, #tpu.memory_space<vmem>>)
      %iota3A = tpu.iota {dimensions = array<i32: 0>} : vector<16xi32>
      %add3A_635 = vector.broadcast %multiple_of3A : i32 to vector<16xi32>
      %add3A_636 = arith.addi %iota3A, %add3A_635 : vector<16xi32>
      %get3A = arith.index_cast %multiple_of3A : i32 to index
      %get3A_637 = tpu.vector_load %arg13[%get3A] {strides = array<i32>} : memref<128xi32, #tpu.memory_space<vmem>>, vector<16xi32>,
      %and3A = arith.constant 127 : i32
      %and3A_638 = vector.broadcast %and3A : i32 to vector<16xi32>
      %and3A_639 = arith.andi %get3A_637, %and3A_638 : vector<16xi32>
      %gather3A = tpu.vector_load_idx %arg16[%add3A_636, %and3A_639] : memref<128x128xi32, #tpu.memory_space<vmem>>[vector<16xi32>, vector<16xi32>], vector<16xi32>,
      %swap3A = arith.index_cast %multiple_of3A : i32 to index
      %swap3A_640 = tpu.vector_load %arg19[%swap3A] {strides = array<i32>} : memref<128xi32, #tpu.memory_space<vmem>>, vector<16xi32>,
      tpu.vector_store %arg19[%swap3A], %gather3A {strides = array<i32>} : memref<128xi32, #tpu.memory_space<vmem>>, vector<16xi32>,
      %gather3A_641 = tpu.vector_load_idx %arg17[%add3A_636, %and3A_639] : memref<128x128xf32, #tpu.memory_space<vmem>>[vector<16xi32>, vector<16xi32>], vector<16xf32>,
      %swap3A_642 = arith.index_cast %multiple_of3A : i32 to index
      %swap3A_643 = tpu.vector_load %arg20[%swap3A_642] {strides = array<i32>} : memref<128xf32, #tpu.memory_space<vmem>>, vector<16xf32>,
      tpu.vector_store %arg20[%swap3A_642], %gather3A_641 {strides = array<i32>} : memref<128xf32, #tpu.memory_space<vmem>>, vector<16xf32>,
      %gather3A_644 = tpu.vector_load_idx %arg18[%add3A_636, %and3A_639] : memref<128x128xi32, #tpu.memory_space<vmem>>[vector<16xi32>, vector<16xi32>], vector<16xi32>,
      %swap3A_645 = arith.index_cast %multiple_of3A : i32 to index
      %swap3A_646 = tpu.vector_load %arg21[%swap3A_645] {strides = array<i32>} : memref<128xi32, #tpu.memory_space<vmem>>, vector<16xi32>,
      tpu.vector_store %arg21[%swap3A_645], %gather3A_644 {strides = array<i32>} : memref<128xi32, #tpu.memory_space<vmem>>, vector<16xi32>,
    }
    %scan3A_18 = arith.constant 8 : i32
    "tpu.region"() ({
      %run_scoped3A = tpu.sem_alloc : memref<!tpu.dma_semaphore, #tpu.memory_space<semaphore_mem>>
      %dma_start3A_24 = tpu.memref_slice %arg9[%mul3A_2] : memref<4096xi32, #tpu.memory_space<hbm>> -> memref<128xi32, #tpu.memory_space<hbm>>
      %dma_start3A_25 = tpu.memref_slice %arg9[%mul3A_2] : memref<4096xi32, #tpu.memory_space<hbm>> -> memref<128xi32, #tpu.memory_space<hbm>>
      tpu.enqueue_dma source(%arg19 : memref<128xi32, #tpu.memory_space<vmem>>) target(%dma_start3A_25 : memref<128xi32, #tpu.memory_space<hbm>>) target_semaphore(%run_scoped3A : memref<!tpu.dma_semaphore, #tpu.memory_space<semaphore_mem>>)
      %dma_wait3A_26 = tpu.memref_slice %arg9[%mul3A_2] : memref<4096xi32, #tpu.memory_space<hbm>> -> memref<128xi32, #tpu.memory_space<hbm>>
      %dma_wait3A_27 = tpu.memref_slice %arg9[%mul3A_2] : memref<4096xi32, #tpu.memory_space<hbm>> -> memref<128xi32, #tpu.memory_space<hbm>>
      tpu.wait_dma2 semaphore(%run_scoped3A : memref<!tpu.dma_semaphore, #tpu.memory_space<semaphore_mem>>) src(%arg19 : memref<128xi32, #tpu.memory_space<vmem>>) dst(%dma_wait3A_27 : memref<128xi32, #tpu.memory_space<hbm>>)
      tpu.yield
    }) : () -> ()
    "tpu.region"() ({
      %run_scoped3A = tpu.sem_alloc : memref<!tpu.dma_semaphore, #tpu.memory_space<semaphore_mem>>
      %dma_start3A_24 = tpu.memref_slice %arg10[%mul3A_2] : memref<4096xf32, #tpu.memory_space<hbm>> -> memref<128xf32, #tpu.memory_space<hbm>>
      %dma_start3A_25 = tpu.memref_slice %arg10[%mul3A_2] : memref<4096xf32, #tpu.memory_space<hbm>> -> memref<128xf32, #tpu.memory_space<hbm>>
      tpu.enqueue_dma source(%arg20 : memref<128xf32, #tpu.memory_space<vmem>>) target(%dma_start3A_25 : memref<128xf32, #tpu.memory_space<hbm>>) target_semaphore(%run_scoped3A : memref<!tpu.dma_semaphore, #tpu.memory_space<semaphore_mem>>)
      %dma_wait3A_26 = tpu.memref_slice %arg10[%mul3A_2] : memref<4096xf32, #tpu.memory_space<hbm>> -> memref<128xf32, #tpu.memory_space<hbm>>
      %dma_wait3A_27 = tpu.memref_slice %arg10[%mul3A_2] : memref<4096xf32, #tpu.memory_space<hbm>> -> memref<128xf32, #tpu.memory_space<hbm>>
      tpu.wait_dma2 semaphore(%run_scoped3A : memref<!tpu.dma_semaphore, #tpu.memory_space<semaphore_mem>>) src(%arg20 : memref<128xf32, #tpu.memory_space<vmem>>) dst(%dma_wait3A_27 : memref<128xf32, #tpu.memory_space<hbm>>)
      tpu.yield
    }) : () -> ()
    "tpu.region"() ({
      %run_scoped3A = tpu.sem_alloc : memref<!tpu.dma_semaphore, #tpu.memory_space<semaphore_mem>>
      %dma_start3A_24 = tpu.memref_slice %arg12[%mul3A_2] : memref<4096xi32, #tpu.memory_space<hbm>> -> memref<128xi32, #tpu.memory_space<hbm>>
      %dma_start3A_25 = tpu.memref_slice %arg12[%mul3A_2] : memref<4096xi32, #tpu.memory_space<hbm>> -> memref<128xi32, #tpu.memory_space<hbm>>
      tpu.enqueue_dma source(%arg21 : memref<128xi32, #tpu.memory_space<vmem>>) target(%dma_start3A_25 : memref<128xi32, #tpu.memory_space<hbm>>) target_semaphore(%run_scoped3A : memref<!tpu.dma_semaphore, #tpu.memory_space<semaphore_mem>>)
      %dma_wait3A_26 = tpu.memref_slice %arg12[%mul3A_2] : memref<4096xi32, #tpu.memory_space<hbm>> -> memref<128xi32, #tpu.memory_space<hbm>>
      %dma_wait3A_27 = tpu.memref_slice %arg12[%mul3A_2] : memref<4096xi32, #tpu.memory_space<hbm>> -> memref<128xi32, #tpu.memory_space<hbm>>
      tpu.wait_dma2 semaphore(%run_scoped3A : memref<!tpu.dma_semaphore, #tpu.memory_space<semaphore_mem>>) src(%arg21 : memref<128xi32, #tpu.memory_space<vmem>>) dst(%dma_wait3A_27 : memref<128xi32, #tpu.memory_space<hbm>>)
      tpu.yield
    }) : () -> ()
    %dma_wait3A = arith.constant 0 : i32
    %dma_wait3A_19 = arith.constant 0 : i32
    %dma_wait3A_20 = tpu.memref_slice %arg2[%dma_wait3A, %dma_wait3A_19] : memref<1000000x128xf32, #tpu.memory_space<hbm>> -> memref<1000000x128xf32, #tpu.memory_space<hbm>>
    tpu.wait_indirect_dma semaphore(%arg22 : memref<!tpu.dma_semaphore, #tpu.memory_space<semaphore_mem>>) src(%dma_wait3A_20 : memref<1000000x128xf32, #tpu.memory_space<hbm>>) dst(%arg14 : memref<128x128xf32, #tpu.memory_space<vmem>>)
    "tpu.region"() ({
      %run_scoped3A = tpu.sem_alloc : memref<!tpu.dma_semaphore, #tpu.memory_space<semaphore_mem>>
      %dma_start3A_24 = arith.constant 0 : i32
      %dma_start3A_25 = tpu.memref_slice %arg8[%mul3A_2, %dma_start3A_24] : memref<4096x128xf32, #tpu.memory_space<hbm>> -> memref<128x128xf32, #tpu.memory_space<hbm>>
      %dma_start3A_26 = arith.constant 0 : i32
      %dma_start3A_27 = tpu.memref_slice %arg8[%mul3A_2, %dma_start3A_26] : memref<4096x128xf32, #tpu.memory_space<hbm>> -> memref<128x128xf32, #tpu.memory_space<hbm>>
      tpu.enqueue_dma source(%arg14 : memref<128x128xf32, #tpu.memory_space<vmem>>) target(%dma_start3A_27 : memref<128x128xf32, #tpu.memory_space<hbm>>) target_semaphore(%run_scoped3A : memref<!tpu.dma_semaphore, #tpu.memory_space<semaphore_mem>>)
      %dma_wait3A_28 = arith.constant 0 : i32
      %dma_wait3A_29 = tpu.memref_slice %arg8[%mul3A_2, %dma_wait3A_28] : memref<4096x128xf32, #tpu.memory_space<hbm>> -> memref<128x128xf32, #tpu.memory_space<hbm>>
      %dma_wait3A_30 = arith.constant 0 : i32
      %dma_wait3A_31 = tpu.memref_slice %arg8[%mul3A_2, %dma_wait3A_30] : memref<4096x128xf32, #tpu.memory_space<hbm>> -> memref<128x128xf32, #tpu.memory_space<hbm>>
      tpu.wait_dma2 semaphore(%run_scoped3A : memref<!tpu.dma_semaphore, #tpu.memory_space<semaphore_mem>>) src(%arg14 : memref<128x128xf32, #tpu.memory_space<vmem>>) dst(%dma_wait3A_31 : memref<128x128xf32, #tpu.memory_space<hbm>>)
      tpu.yield
    }) : () -> ()
    %dma_wait3A_21 = arith.constant 0 : i32
    %dma_wait3A_22 = arith.constant 0 : i32
    %dma_wait3A_23 = tpu.memref_slice %arg5[%dma_wait3A_21, %dma_wait3A_22] : memref<1000000x128xf32, #tpu.memory_space<hbm>> -> memref<1000000x128xf32, #tpu.memory_space<hbm>>
    tpu.wait_indirect_dma semaphore(%arg23 : memref<!tpu.dma_semaphore, #tpu.memory_space<semaphore_mem>>) src(%dma_wait3A_23 : memref<1000000x128xf32, #tpu.memory_space<hbm>>) dst(%arg15 : memref<128x128xf32, #tpu.memory_space<vmem>>)
    "tpu.region"() ({
      %run_scoped3A = tpu.sem_alloc : memref<!tpu.dma_semaphore, #tpu.memory_space<semaphore_mem>>
      %dma_start3A_24 = arith.constant 0 : i32
      %dma_start3A_25 = tpu.memref_slice %arg11[%mul3A_2, %dma_start3A_24] : memref<4096x128xf32, #tpu.memory_space<hbm>> -> memref<128x128xf32, #tpu.memory_space<hbm>>
      %dma_start3A_26 = arith.constant 0 : i32
      %dma_start3A_27 = tpu.memref_slice %arg11[%mul3A_2, %dma_start3A_26] : memref<4096x128xf32, #tpu.memory_space<hbm>> -> memref<128x128xf32, #tpu.memory_space<hbm>>
      tpu.enqueue_dma source(%arg15 : memref<128x128xf32, #tpu.memory_space<vmem>>) target(%dma_start3A_27 : memref<128x128xf32, #tpu.memory_space<hbm>>) target_semaphore(%run_scoped3A : memref<!tpu.dma_semaphore, #tpu.memory_space<semaphore_mem>>)
      %dma_wait3A_28 = arith.constant 0 : i32
      %dma_wait3A_29 = tpu.memref_slice %arg11[%mul3A_2, %dma_wait3A_28] : memref<4096x128xf32, #tpu.memory_space<hbm>> -> memref<128x128xf32, #tpu.memory_space<hbm>>
      %dma_wait3A_30 = arith.constant 0 : i32
      %dma_wait3A_31 = tpu.memref_slice %arg11[%mul3A_2, %dma_wait3A_30] : memref<4096x128xf32, #tpu.memory_space<hbm>> -> memref<128x128xf32, #tpu.memory_space<hbm>>
      tpu.wait_dma2 semaphore(%run_scoped3A : memref<!tpu.dma_semaphore, #tpu.memory_space<semaphore_mem>>) src(%arg15 : memref<128x128xf32, #tpu.memory_space<vmem>>) dst(%dma_wait3A_31 : memref<128x128xf32, #tpu.memory_space<hbm>>)
      tpu.yield
    }) : () -> ()
    return
  }
}

</mosaic_0001>

<sc_bundles>
// kernel: kernel.3.cloned.1.call-start
scs
__scs_entry_jumppad:
0x0: {  	(pc) =	sbr.rel $0x88, $3  }
0x1: {  	(tag) =	ssettag $0x0;
	lr =	simm.s32 $0x1  }
0x2: {  	[smem:$0x3F9B] =	sst lr;
	_ =	strace $0xD0000000  }
0x3: {  	_ = 	snop  }
0x4: {  	_ = 	snop  }
0x5: {  	_ = 	snop  }
0x6: {  	_ = 	snop  }
0x7: {  	_ = 	snop  }
__scs_overlays_trampoline_lowered:
0x8: {  	[smem:$0x3FAA] =	sst s0  }
0x9: {  	[smem:$0x3FAB] =	sst s1  }
0xa: {  	[smem:$0x3FAC] =	sst s2  }
0xb: {  	[smem:$0x3FAD] =	sst s3  }
0xc: {  	[smem:$0x3FAE] =	sst s4  }
0xd: {  	[smem:$0x3FAF] =	sst s5  }
0xe: {  	[smem:$0x3FB0] =	sst s6  }
0xf: {  	[smem:$0x3FB1] =	sst s7  }
0x10: {  	[smem:$0x3FB2] =	sst s8  }
0x11: {  	[smem:$0x3FB3] =	sst s9;
	s0 =	simm.s32 @!p0 $0x0  }
0x12: {  	s1 =	sld [smem:$0x3F99];
	s0 =	simm.s32 @p0 $0x1  }
0x13: {  	[smem:$0x3FB4] =	sst s0;
	s0 =	simm.s32 @!p1 $0x0  }
0x14: {  	s2 =	sld [smem:$0x3F98];
	s0 =	simm.s32 @p1 $0x1  }
0x15: {  	[smem:$0x3FB5] =	sst s0;
	s0 =	simm.s32 @!p2 $0x0  }
0x16: {  	s3 =	sld [smem:$0x3FDB];
	s0 =	simm.s32 @p2 $0x1  }
0x17: {  	s4 =	simm.s32 $0x1BF5;
	[smem:$0x3FB7] =	sst s0  }
0x18: {  	s0 =	sld [smem:$0x3F9A];
	_ =	swait.ge [sflag:s4], $0x0  }
0x19: {  	s7 =	sld [smem:$0x3F9B]  }
0x1a: {  	s8 =	sadd.s32 $0xFFFFE003, lr  }
0x1b: {  	s9 =	sadd.s32 $0xFFFFFEF7, lr;
	s5 =	simm.s32 $0xFFFFFFFF;
	p2 =	slt.u32 s8, $0xFFFFF086  }
0x1c: {  	p1 =	slt.u32 s9, $0xF7A;
	s5 =	simm.s32 @!p2 $0x0  }
0x1d: {  	s5 =	simm.s32 @p1 $0x1;
	p0 =	seq.s32 s7, s2  }
0x1e: {  	s7 =	smul.u32 @!p0 $0xF7A, s2;
	p2 =	seq.s32 @!p0 s5, $0x0  }
0x1f: {  	s9 =	smul.u32 $0xF7A, s1;
	s8 =	simm.s32 @!p0 $0x1BF5;
	p2 =	por !p2, p0  }
0x20: {  	[sflag:s8] =	ssyncset.s32 @!p0 $0xFFFFF086;
	s6 =	sadd.s32 @!p0 s3, s7;
	s7 =	simm.s32 @!p0 $0x108  }
0x21: {  	s3 =	sadd.s32 s3, s9;
	s6 =	sadd.s32 @!p0 $0x88, s6;
	s7 =	simm.s32 @p2 $0x1082  }
0x22: {  	[simem:s7], [sflag:s8] =	dma.local @!p0 [hbm:s6], $0xF7A  }
0x23: {  	s9 =	sor.u32 $0xD0000000, s2;
	s6 =	simm.s32 $0x108;
	_ =	swait.ge @!p0 [sflag:s8], $0x0  }
0x24: {  	s3 =	sadd.s32 $0x88, s3;
	s6 =	simm.s32 @!p1 $0x1082;
	[sflag:s4] =	ssyncset.s32 $0xFFFFF086  }
0x25: {  	[simem:s6], [sflag:s4] =	dma.local [hbm:s3], $0xF7A  }
0x26: {  	[smem:$0x3F9B] =	sst s1;
	(tag) =	ssettag s2;
	_ =	strace s9  }
0x27: {  	s1 =	sld [smem:$0x3FAB]  }
0x28: {  	s2 =	sld [smem:$0x3FAC]  }
0x29: {  	s4 =	sld [smem:$0x3FAE]  }
0x2a: {  	p0 =	seq.s32 s5, $0x0;
	s5 =	sld [smem:$0x3FAF]  }
0x2b: {  	s6 =	sld [smem:$0x3FB0]  }
0x2c: {  	s7 =	sld [smem:$0x3FB1]  }
0x2d: {  	s3 =	simm.s32 $0x108;
	s8 =	sld [smem:$0x3FB2]  }
0x2e: {  	s3 =	simm.s32 @!p0 $0x1082;
	s9 =	sld [smem:$0x3FB3]  }
0x2f: {  	lr =	sadd.s32 s0, s3;
	s0 =	sld [smem:$0x3FAA]  }
0x30: {  	s3 =	sld [smem:$0x3FAD]  }
0x31: {  	[smem:$0x3FB6] =	sst s10  }
0x32: {  	s10 =	sld [smem:$0x3FB4];
	_ =	sdelay $0x3  }
0x33: {  	p0 =	seq.s32 s10, $0x1;
	s10 =	sld [smem:$0x3FB6];
	_ =	sdelay $0x3  }
0x34: {  	[smem:$0x3FB6] =	sst s10  }
0x35: {  	s10 =	sld [smem:$0x3FB5];
	_ =	sdelay $0x3  }
0x36: {  	p1 =	seq.s32 s10, $0x1;
	s10 =	sld [smem:$0x3FB6];
	_ =	sdelay $0x3  }
0x37: {  	[smem:$0x3FB6] =	sst s10  }
0x38: {  	s10 =	sld [smem:$0x3FB7]  }
0x39: {  	_ = 	snop;
	(pc) =	sbr.ind lr, $3  }
0x3a: {  	_ = 	snop  }
0x3b: {  	_ = 	snop  }
0x3c: {  	p2 =	seq.s32 s10, $0x1;
	s10 =	sld [smem:$0x3FB6]  }
0x3d: {  	_ =	shalt  }
0x3e: {  	_ =	shalt  }
0x3f: {  	_ =	shalt  }
0x40: {  	_ =	shalt  }
0x41: {  	_ =	shalt  }
0x42: {  	_ =	shalt  }
0x43: {  	_ =	shalt  }
0x44: {  	_ =	shalt  }
0x45: {  	_ =	shalt  }
0x46: {  	_ =	shalt  }
0x47: {  	_ =	shalt  }
0x48: {  	_ =	shalt  }
0x49: {  	_ =	shalt  }
0x4a: {  	_ =	shalt  }
0x4b: {  	_ =	shalt  }
0x4c: {  	_ =	shalt  }
0x4d: {  	_ =	shalt  }
0x4e: {  	_ =	shalt  }
0x4f: {  	_ =	shalt  }
0x50: {  	_ =	shalt  }
0x51: {  	_ =	shalt  }
0x52: {  	_ =	shalt  }
0x53: {  	_ =	shalt  }
0x54: {  	_ =	shalt  }
0x55: {  	_ =	shalt  }
0x56: {  	_ =	shalt  }
0x57: {  	_ =	shalt  }
0x58: {  	_ =	shalt  }
0x59: {  	_ =	shalt  }
0x5a: {  	_ =	shalt  }
0x5b: {  	_ =	shalt  }
0x5c: {  	_ =	shalt  }
0x5d: {  	_ =	shalt  }
0x5e: {  	_ =	shalt  }
0x5f: {  	_ =	shalt  }
0x60: {  	_ =	shalt  }
0x61: {  	_ =	shalt  }
0x62: {  	_ =	shalt  }
0x63: {  	_ =	shalt  }
0x64: {  	_ =	shalt  }
0x65: {  	_ =	shalt  }
0x66: {  	_ =	shalt  }
0x67: {  	_ =	shalt  }
0x68: {  	_ =	shalt  }
0x69: {  	_ =	shalt  }
0x6a: {  	_ =	shalt  }
0x6b: {  	_ =	shalt  }
0x6c: {  	_ =	shalt  }
0x6d: {  	_ =	shalt  }
0x6e: {  	_ =	shalt  }
0x6f: {  	_ =	shalt  }
0x70: {  	_ =	shalt  }
0x71: {  	_ =	shalt  }
0x72: {  	_ =	shalt  }
0x73: {  	_ =	shalt  }
0x74: {  	_ =	shalt  }
0x75: {  	_ =	shalt  }
0x76: {  	_ =	shalt  }
0x77: {  	_ =	shalt  }
0x78: {  	_ =	shalt  }
0x79: {  	_ =	shalt  }
0x7a: {  	_ =	shalt  }
0x7b: {  	_ =	shalt  }
0x7c: {  	_ =	shalt  }
0x7d: {  	_ =	shalt  }
0x7e: {  	_ =	shalt  }
0x7f: {  	_ =	shalt  }
0x80: {  	_ =	shalt  }
0x81: {  	_ =	shalt  }
0x82: {  	_ =	shalt  }
0x83: {  	_ =	shalt  }
0x84: {  	_ =	shalt  }
0x85: {  	_ =	shalt  }
0x86: {  	_ =	shalt  }
0x87: {  	_ =	shalt  }
.Lfunc_end0:
.L_simem_size_0:
called_computation_lowered:
.L_overlay_start_0:
0x88: {  	s2 =	sld [smem:$0x3FD9]  }
0x89: {  	s3 =	sld [smem:$0x3FFE];
	_ =	sdelay $0x1  }
0x8a: {  	s1 =	srdreg.scid  }
0x8b: {  	s0 =	sand.u32 $0x1, s1  }
0x8c: {  	s30 =	sshll.u32 s0, $0xA;
	s2 =	sadd.s32 s3, s2  }
0x8d: {  	s2 =	sadd.s32 s2, s30  }
0x8e: {  	[smem:$0x3FC2] =	sst s2  }
0x8f: {  	_ = 	snop  }
0x90: {  	s2 =	sld [smem:$0x3FC9]  }
0x91: {  	s31 =	sld [smem:$0x3FC8]  }
0x92: {  	s4 =	sld [smem:$0x3FC7]  }
0x93: {  	s5 =	sld [smem:$0x3FD0]  }
0x94: {  	s6 =	sld [smem:$0x3FC6]  }
0x95: {  	s7 =	sld [smem:$0x3FC5]  }
0x96: {  	s9 =	simm.s32 $0xA;
	s10 =	simm.s32 $0x10;
	s8 =	sld [smem:$0x3FC4]  }
0x97: {  	[smem:s10], [sflag:s9] =	dma.local [hbm:s5], $0x1  }
0x98: {  	_ =	swait.eq [sflag:s9], $0x1  }
0x99: {  	s10 =	sld [smem:$0x10]  }
0x9a: {  	s18 =	sld [smem:$0x11]  }
0x9b: {  	s11 =	sld [smem:$0x12];
	[sflag:s9] =	ssyncset.done $0x0  }
0x9c: {  	s12 =	sld [smem:$0x13];
	[sflag:s9] =	ssyncadd.s32 $0xFFFFFFFF  }
0x9d: {  	s19 =	sld [smem:$0x14];
	(tm) =	ssettm $0x1  }
0x9e: {  	s13 =	sld [smem:$0x3FFB];
	_ =	sdelay $0x3  }
0x9f: {  	_ =	strace s13  }
0xa0: {  	s13 =	sld [smem:$0x3FFC];
	_ =	sdelay $0x3  }
0xa1: {  	_ =	strace s13  }
0xa2: {  	s13 =	sld [smem:$0x3FFD];
	_ =	sdelay $0x3  }
0xa3: {  	_ =	strace s13  }
0xa4: {  	_ =	strace $0x8FFFFFFF  }
0xa5: {  	s20 =	sld [smem:$0x3FDB];
	_ =	sdelay $0x1  }
0xa6: {  	s14 =	simm.s32 $_scs_section_size  }
0xa7: {  	s15 =	simm.s32 $_size__tile_overlayer_lowered;
	s16 =	simm.s32 $_tile_overlayer_lowered  }
0xa8: {  	s23 =	simm.s32 $0x1BFF;
	s22 =	sshll.u32 s16, $0x1;
	s13 =	sadd.s32 s14, s20  }
0xa9: {  	s17 =	simm.s32 $0x0;
	s21 =	sshll.u32 s15, $0x1;
	s15 =	sadd.s32 s22, s13  }
0xaa: {  	[timem:s17], [sflag:s23] =	dma.local [hbm:s15], s21  }
0xab: {  	_ =	swait.ge [sflag:s23], s21  }
0xac: {  	s14 =	ssub.s32 $0x0, s21;
	[sflag:s23] =	ssyncset.done $0x0  }
0xad: {  	[sflag:s23] =	ssyncadd.s32 s14;
	_ =	sdelay $0x1  }
0xae: {  	s24 =	simm.s32 $0x1B8B  }
0xaf: {  	_ =	swait.ge [sflag:s24], $0x1  }
0xb0: {  	[sflag:s24] =	ssyncset.done $0x0  }
0xb1: {  	s25 =	simm.s32 $0x1B8E;
	[sflag:s24] =	ssyncadd.s32 $0xFFFFFFFF  }
0xb2: {  	s26 =	simm.s32 $execute0_lowered;
	[smem:$0x3FD2] =	sst s25  }
0xb3: {  	s14 =	sshll.u32 s26, $0x1;
	_ =	strace $0x80000046;
	[dreg:$0x1] =	wrdreg $0xFFFFFFFF  }
0xb4: {  	s28 =	simm.s32 $_size_execute0_lowered;
	s13 =	sadd.s32 s13, s14;
	[dreg:$0x0] =	wrdreg $0x0  }
0xb5: {  	s14 =	sshll.u32 s28, $0x1;
	[dreg:$0x2] =	wrdreg s13  }
0xb6: {  	[dreg:$0x3] =	wrdreg s14  }
0xb7: {  	[dreg:$0x4] =	wrdreg $0xC0  }
0xb8: {  	_ =	task [dreg:s17], $0x5FFFF  }
0xb9: {  	[dreg:$0x1] =	wrdreg $0xFFFFFFFF  }
0xba: {  	[dreg:$0x0] =	wrdreg $0x60  }
0xbb: {  	[dreg:$0x2] =	wrdreg s2  }
0xbc: {  	[dreg:$0x3] =	wrdreg s31  }
0xbd: {  	[dreg:$0x4] =	wrdreg s4  }
0xbe: {  	[dreg:$0x5] =	wrdreg s6  }
0xbf: {  	[dreg:$0x6] =	wrdreg s7  }
0xc0: {  	[dreg:$0x7] =	wrdreg s8  }
0xc1: {  	[dreg:$0x8] =	wrdreg s10  }
0xc2: {  	[dreg:$0x9] =	wrdreg s18  }
0xc3: {  	[dreg:$0xa] =	wrdreg s11  }
0xc4: {  	[dreg:$0xb] =	wrdreg s12  }
0xc5: {  	[dreg:$0xc] =	wrdreg s19  }
0xc6: {  	[dreg:$0xd] =	wrdreg $0x9  }
0xc7: {  	_ =	task.clear_ibuf [dreg:s17], $0xEFFFF;
	_ =	strace $0x90000046  }
0xc8: {  	s29 =	simm.s32 $0x9;
	_ =	strace $0x80000048  }
0xc9: {  	_ =	swait.ge [sflag:s29], $0x1  }
0xca: {  	[sflag:s29] =	ssyncadd.s32 $0xFFFFFFFF  }
0xcb: {  	_ =	strace $0x90000048  }
0xcc: {  	_ =	sfence  }
0xcd: {  	s30 =	sld [smem:$0x0];
	_ =	sdelay $0x2  }
0xce: {  	s31 =	sshll.u32 s1, $0xD;
	s1 =	sshrl.u32 s1, $0x2  }
0xcf: {  	s3 =	sand.u32 $0x4000, s31;
	s1 =	sadd.s32 s1, s30  }
0xd0: {  	s0 =	sor.u32 s3, s0;
	s1 =	sshll.u32 s1, $0x11  }
0xd1: {  	s0 =	sor.u32 s1, s0  }
0xd2: {  	s0 =	sadd.s32 $0x8F2B, s0  }
0xd3: {  	[sflag:s0] =	ssyncadd.remote.s32 $0x1  }
0xd4: {  	_ =	sfence.sel $0xFFFF  }
0xd5: {  	[dreg:$0x0] =	wrdreg $0xFFFFFFFF;
	(pc) =	sbr.abs _section_cstart, $3  }
0xd6: {  	[dreg:$0x1] =	wrdreg $0xFFFFFFFF  }
0xd7: {  	_ =	task.clear_ibuf [dreg:s17], $0x2FFFF;
	_ =	strace $0x9FFFFFFF  }
0xd8: {  	(tm) =	ssettm $0x7FFFFFFF  }
0xd9: {  	_ =	shalt  }
tec
execute0_lowered:
.L_overlay_start_1:
0x0: {  	(tag) =	ssettag $0x1  }
0x1: {  	s1 =	rddreg [dreg:$0x1]  }
0x2: {  	s2 =	rddreg [dreg:$0x2]  }
0x3: {  	s4 =	rddreg [dreg:$0x4]  }
0x4: {  	s0 =	rddreg [dreg:$0x5]  }
0x5: {  	s3 =	rddreg [dreg:$0x6]  }
0x6: {  	s5 =	rddreg [dreg:$0x7]  }
0x7: {  	s6 =	rddreg [dreg:$0x8]  }
0x8: {  	s13 =	rddreg [dreg:$0x9]  }
0x9: {  	s11 =	rddreg [dreg:$0xa]  }
0xa: {  	s7 =	srdreg.scid;
	s9 =	stileid.u32;
	s16 =	simm.s32 $0x80  }
0xb: {  	s18 =	simm.s32 $0x8080;
	s19 =	simm.s32 $0xC080;
	s20 =	simm.s32 $0x10080  }
0xc: {  	s24 =	simm.s32 $0x1;
	s25 =	simm.s32 $0x2;
	s8 =	sand.u32 $0x1, s7  }
0xd: {  	s7 =	simm.s32 $0x0;
	s9 =	sshll.u32 s9, $0x8;
	s10 =	sshll.u32 s8, $0x7  }
0xe: {  	[smem:$0x7FF] =	sst s7;
	s8 =	ssub.s32 $0x2, s8;
	s12 =	sor.u32 s10, s9  }
0xf: {  	_ =	strace $0x80000047;
	s26 =	sshrl.u32 s8, $0x1;
	s14 =	sshrl.u32 s12, $0x3  }
0x10: {  	s15 =	ssub.s32 s8, s26;
	s31 =	sshll.u32 s12, $0x4;
	s0 =	sadd.s32 s0, s14  }
0x11: {  	s26 =	simm.s32 $0x0;
	s28 =	sadd.s32 s5, s14;
	[dreg:$0xc] =	wrdreg s0  }
0x12: {  	s29 =	sadd.s32 s6, s14;
	s30 =	sadd.s32 s11, s14;
	[dreg:$0xd] =	wrdreg s28  }
0x13: {  	v0 =	vlaneseq.u32;
	s12 =	sadd.s32 s3, s31;
	s13 =	sadd.s32 s13, s31;
	[dreg:$0xe] =	wrdreg s29  }
0x14: {  	v0 =	vmul.u32 $0x80, v0;
	s14 =	smax.u32 s15, $0x1;
	s15 =	simm.s32 $0xB;
	[dreg:$0xf] =	wrdreg s30  }
.LBB2_1:
0x15: {  	s0 =	rddreg [dreg:$0xc]  }
0x16: {  	[tilespmem:s7], [sflag:$0xB] =	stream.linear.gather [hbm4b:s0+s7], $0x80, $0x38;
	[tilespmem:$0x14200] =	vst v63  }
0x17: {  	_ =	swait.ge [sflag:s15], $0x80  }
0x18: {  	[sflag:s15] =	ssyncset.done $0x0  }
0x19: {  	[sflag:s15] =	ssyncadd.s32 $0xFFFFFF80  }
0x1a: {  	v1 =	vld [tilespmem:s7+$0x0];
	_ =	sdelay $0x4  }
0x1b: {  	v1 =	vshrl.u32 v1, $0x3  }
0x1c: {  	(v2sf) =	vpush v1, $0x0;
	_ =	sdelay $0x3  }
0x1d: {  	(v2sf) =	vpush v1, $0x1;
	_ =	sdelay $0x5  }
0x1e: {  	(v2sf) =	vpush v1, $0x2;
	_ =	sdelay $0x4  }
0x1f: {  	s10 =	spop (v2sf)  }
0x20: {  	(v2sf) =	vpush v1, $0x3;
	s0 =	sand.u32 $0x1FFFFFF0, s10  }
0x21: {  	s28 =	simm.s32 $0x3;
	s5 =	simm.s32 $0x8080;
	s3 =	sadd.s32 s1, s0  }
0x22: {  	[tilespmem:s5], [sflag:s28] =	stream.linear.gather [hbm4b:s3+s7], $0x80, $0x38;
	[tilespmem:$0x14200] =	vst v63  }
0x23: {  	s17 =	simm.s32 $0xC080;
	s11 =	spop (v2sf);
	s6 =	sadd.s32 s2, s0  }
0x24: {  	[tilespmem:s17], [sflag:s28] =	stream.linear.gather [hbm4b:s6+s7], $0x80, $0x38;
	[tilespmem:$0x14200] =	vst v63  }
0x25: {  	s21 =	simm.s32 $0x10080;
	s0 =	sadd.s32 s4, s0;
	s3 =	sand.u32 $0x1FFFFFF0, s11  }
0x26: {  	(v2sf) =	vpush v1, $0x4;
	[tilespmem:s21], [sflag:s28] =	stream.linear.gather [hbm4b:s0+s7], $0x80, $0x38;
	[tilespmem:$0x14200] =	vst v63  }
0x27: {  	s22 =	simm.s32 $0x8100;
	s23 =	sadd.s32 s1, s3  }
0x28: {  	[tilespmem:s22], [sflag:s28] =	stream.linear.gather [hbm4b:s23+s7], $0x80, $0x38;
	[tilespmem:$0x14200] =	vst v63  }
0x29: {  	s30 =	simm.s32 $0xC100;
	s29 =	spop (v2sf);
	s31 =	sadd.s32 s2, s3  }
0x2a: {  	[tilespmem:s30], [sflag:s28] =	stream.linear.gather [hbm4b:s31+s7], $0x80, $0x38;
	[tilespmem:$0x14200] =	vst v63  }
0x2b: {  	s3 =	sadd.s32 s4, s3;
	s6 =	simm.s32 $0x10100;
	s0 =	sand.u32 $0x1FFFFFF0, s29  }
0x2c: {  	(v2sf) =	vpush v1, $0x5;
	[tilespmem:s6], [sflag:s28] =	stream.linear.gather [hbm4b:s3+s7], $0x80, $0x38;
	[tilespmem:$0x14200] =	vst v63  }
0x2d: {  	s8 =	simm.s32 $0x8180;
	s9 =	sadd.s32 s1, s0  }
0x2e: {  	[tilespmem:s8], [sflag:s28] =	stream.linear.gather [hbm4b:s9+s7], $0x80, $0x38;
	[tilespmem:$0x14200] =	vst v63  }
0x2f: {  	s11 =	simm.s32 $0xC180;
	s17 =	sadd.s32 s2, s0;
	s10 =	spop (v2sf)  }
0x30: {  	[tilespmem:s11], [sflag:s28] =	stream.linear.gather [hbm4b:s17+s7], $0x80, $0x38;
	[tilespmem:$0x14200] =	vst v63  }
0x31: {  	s21 =	simm.s32 $0x10180;
	s0 =	sadd.s32 s4, s0;
	s3 =	sand.u32 $0x1FFFFFF0, s10  }
0x32: {  	(v2sf) =	vpush v1, $0x6;
	[tilespmem:s21], [sflag:s28] =	stream.linear.gather [hbm4b:s0+s7], $0x80, $0x38;
	[tilespmem:$0x14200] =	vst v63  }
0x33: {  	s22 =	simm.s32 $0x8200;
	s23 =	sadd.s32 s1, s3  }
0x34: {  	[tilespmem:s22], [sflag:s28] =	stream.linear.gather [hbm4b:s23+s7], $0x80, $0x38;
	[tilespmem:$0x14200] =	vst v63  }
0x35: {  	s30 =	simm.s32 $0xC200;
	s29 =	spop (v2sf);
	s31 =	sadd.s32 s2, s3  }
0x36: {  	[tilespmem:s30], [sflag:s28] =	stream.linear.gather [hbm4b:s31+s7], $0x80, $0x38;
	[tilespmem:$0x14200] =	vst v63  }
0x37: {  	s6 =	simm.s32 $0x10200;
	s3 =	sadd.s32 s4, s3;
	s0 =	sand.u32 $0x1FFFFFF0, s29  }
0x38: {  	(v2sf) =	vpush v1, $0x7;
	[tilespmem:s6], [sflag:s28] =	stream.linear.gather [hbm4b:s3+s7], $0x80, $0x38;
	[tilespmem:$0x14200] =	vst v63  }
0x39: {  	s8 =	simm.s32 $0x8280;
	s9 =	sadd.s32 s1, s0  }
0x3a: {  	[tilespmem:s8], [sflag:s28] =	stream.linear.gather [hbm4b:s9+s7], $0x80, $0x38;
	[tilespmem:$0x14200] =	vst v63  }
0x3b: {  	s10 =	spop (v2sf);
	s11 =	simm.s32 $0xC280;
	s17 =	sadd.s32 s2, s0  }
0x3c: {  	[tilespmem:s11], [sflag:s28] =	stream.linear.gather [hbm4b:s17+s7], $0x80, $0x38;
	[tilespmem:$0x14200] =	vst v63  }
0x3d: {  	s21 =	simm.s32 $0x10280;
	s0 =	sadd.s32 s4, s0;
	s3 =	sand.u32 $0x1FFFFFF0, s10  }
0x3e: {  	(v2sf) =	vpush v1, $0x8;
	[tilespmem:s21], [sflag:s28] =	stream.linear.gather [hbm4b:s0+s7], $0x80, $0x38;
	[tilespmem:$0x14200] =	vst v63  }
0x3f: {  	s22 =	simm.s32 $0x8300;
	s23 =	sadd.s32 s1, s3  }
0x40: {  	[tilespmem:s22], [sflag:s28] =	stream.linear.gather [hbm4b:s23+s7], $0x80, $0x38;
	[tilespmem:$0x14200] =	vst v63  }
0x41: {  	s30 =	simm.s32 $0xC300;
	s31 =	sadd.s32 s2, s3;
	s29 =	spop (v2sf)  }
0x42: {  	[tilespmem:s30], [sflag:s28] =	stream.linear.gather [hbm4b:s31+s7], $0x80, $0x38;
	[tilespmem:$0x14200] =	vst v63  }
0x43: {  	s6 =	simm.s32 $0x10300;
	s3 =	sadd.s32 s4, s3;
	s0 =	sand.u32 $0x1FFFFFF0, s29  }
0x44: {  	(v2sf) =	vpush v1, $0x9;
	[tilespmem:s6], [sflag:s28] =	stream.linear.gather [hbm4b:s3+s7], $0x80, $0x38;
	[tilespmem:$0x14200] =	vst v63  }
0x45: {  	s8 =	simm.s32 $0x8380;
	s9 =	sadd.s32 s1, s0  }
0x46: {  	[tilespmem:s8], [sflag:s28] =	stream.linear.gather [hbm4b:s9+s7], $0x80, $0x38;
	[tilespmem:$0x14200] =	vst v63  }
0x47: {  	s11 =	simm.s32 $0xC380;
	s10 =	spop (v2sf);
	s17 =	sadd.s32 s2, s0  }
0x48: {  	[tilespmem:s11], [sflag:s28] =	stream.linear.gather [hbm4b:s17+s7], $0x80, $0x38;
	[tilespmem:$0x14200] =	vst v63  }
0x49: {  	s21 =	simm.s32 $0x10380;
	s0 =	sadd.s32 s4, s0;
	s3 =	sand.u32 $0x1FFFFFF0, s10  }
0x4a: {  	(v2sf) =	vpush v1, $0xA;
	[tilespmem:s21], [sflag:s28] =	stream.linear.gather [hbm4b:s0+s7], $0x80, $0x38;
	[tilespmem:$0x14200] =	vst v63  }
0x4b: {  	s22 =	simm.s32 $0x8400;
	s23 =	sadd.s32 s1, s3  }
0x4c: {  	[tilespmem:s22], [sflag:s28] =	stream.linear.gather [hbm4b:s23+s7], $0x80, $0x38;
	[tilespmem:$0x14200] =	vst v63  }
0x4d: {  	s29 =	spop (v2sf);
	s30 =	simm.s32 $0xC400;
	s31 =	sadd.s32 s2, s3  }
0x4e: {  	[tilespmem:s30], [sflag:s28] =	stream.linear.gather [hbm4b:s31+s7], $0x80, $0x38;
	[tilespmem:$0x14200] =	vst v63  }
0x4f: {  	s6 =	simm.s32 $0x10400;
	s3 =	sadd.s32 s4, s3;
	s0 =	sand.u32 $0x1FFFFFF0, s29  }
0x50: {  	(v2sf) =	vpush v1, $0xB;
	[tilespmem:s6], [sflag:s28] =	stream.linear.gather [hbm4b:s3+s7], $0x80, $0x38;
	[tilespmem:$0x14200] =	vst v63  }
0x51: {  	s8 =	simm.s32 $0x8480;
	s9 =	sadd.s32 s1, s0  }
0x52: {  	[tilespmem:s8], [sflag:s28] =	stream.linear.gather [hbm4b:s9+s7], $0x80, $0x38;
	[tilespmem:$0x14200] =	vst v63  }
0x53: {  	s11 =	simm.s32 $0xC480;
	s17 =	sadd.s32 s2, s0;
	s10 =	spop (v2sf)  }
0x54: {  	[tilespmem:s11], [sflag:s28] =	stream.linear.gather [hbm4b:s17+s7], $0x80, $0x38;
	[tilespmem:$0x14200] =	vst v63  }
0x55: {  	s21 =	simm.s32 $0x10480;
	s0 =	sadd.s32 s4, s0;
	s3 =	sand.u32 $0x1FFFFFF0, s10  }
0x56: {  	(v2sf) =	vpush v1, $0xC;
	[tilespmem:s21], [sflag:s28] =	stream.linear.gather [hbm4b:s0+s7], $0x80, $0x38;
	[tilespmem:$0x14200] =	vst v63  }
0x57: {  	s22 =	simm.s32 $0x8500;
	s23 =	sadd.s32 s1, s3  }
0x58: {  	[tilespmem:s22], [sflag:s28] =	stream.linear.gather [hbm4b:s23+s7], $0x80, $0x38;
	[tilespmem:$0x14200] =	vst v63  }
0x59: {  	s29 =	spop (v2sf);
	s30 =	simm.s32 $0xC500;
	s31 =	sadd.s32 s2, s3  }
0x5a: {  	[tilespmem:s30], [sflag:s28] =	stream.linear.gather [hbm4b:s31+s7], $0x80, $0x38;
	[tilespmem:$0x14200] =	vst v63  }
0x5b: {  	s6 =	simm.s32 $0x10500;
	s3 =	sadd.s32 s4, s3;
	s0 =	sand.u32 $0x1FFFFFF0, s29  }
0x5c: {  	(v2sf) =	vpush v1, $0xD;
	[tilespmem:s6], [sflag:s28] =	stream.linear.gather [hbm4b:s3+s7], $0x80, $0x38;
	[tilespmem:$0x14200] =	vst v63  }
0x5d: {  	s8 =	simm.s32 $0x8580;
	s9 =	sadd.s32 s1, s0  }
0x5e: {  	[tilespmem:s8], [sflag:s28] =	stream.linear.gather [hbm4b:s9+s7], $0x80, $0x38;
	[tilespmem:$0x14200] =	vst v63  }
0x5f: {  	s10 =	spop (v2sf);
	s11 =	simm.s32 $0xC580;
	s17 =	sadd.s32 s2, s0  }
0x60: {  	(v2sf) =	vpush v1, $0xE;
	[tilespmem:s11], [sflag:s28] =	stream.linear.gather [hbm4b:s17+s7], $0x80, $0x38;
	[tilespmem:$0x14200] =	vst v63  }
0x61: {  	s21 =	simm.s32 $0x10580;
	s0 =	sadd.s32 s4, s0;
	s3 =	sand.u32 $0x1FFFFFF0, s10  }
0x62: {  	[tilespmem:s21], [sflag:s28] =	stream.linear.gather [hbm4b:s0+s7], $0x80, $0x38;
	[tilespmem:$0x14200] =	vst v63  }
0x63: {  	s22 =	simm.s32 $0x8600;
	s23 =	sadd.s32 s1, s3  }
0x64: {  	[tilespmem:s22], [sflag:s28] =	stream.linear.gather [hbm4b:s23+s7], $0x80, $0x38;
	[tilespmem:$0x14200] =	vst v63  }
0x65: {  	s30 =	simm.s32 $0xC600;
	s29 =	spop (v2sf);
	s31 =	sadd.s32 s2, s3  }
0x66: {  	(v2sf) =	vpush v1, $0xF;
	[tilespmem:s30], [sflag:s28] =	stream.linear.gather [hbm4b:s31+s7], $0x80, $0x38;
	[tilespmem:$0x14200] =	vst v63  }
0x67: {  	s6 =	simm.s32 $0x10600;
	s3 =	sadd.s32 s4, s3;
	s0 =	sand.u32 $0x1FFFFFF0, s29  }
0x68: {  	[tilespmem:s6], [sflag:s28] =	stream.linear.gather [hbm4b:s3+s7], $0x80, $0x38;
	[tilespmem:$0x14200] =	vst v63  }
0x69: {  	s5 =	simm.s32 $0x0;
	s8 =	simm.s32 $0x8680;
	s9 =	sadd.s32 s1, s0  }
0x6a: {  	[tilespmem:s8], [sflag:s28] =	stream.linear.gather [hbm4b:s9+s7], $0x80, $0x38;
	[tilespmem:$0x14200] =	vst v63  }
0x6b: {  	s10 =	spop (v2sf);
	s11 =	simm.s32 $0xC680;
	s17 =	sadd.s32 s2, s0  }
0x6c: {  	[tilespmem:s11], [sflag:s28] =	stream.linear.gather [hbm4b:s17+s7], $0x80, $0x38;
	[tilespmem:$0x14200] =	vst v63  }
0x6d: {  	s21 =	simm.s32 $0x10680;
	s0 =	sadd.s32 s4, s0;
	s3 =	sand.u32 $0x1FFFFFF0, s10  }
0x6e: {  	[tilespmem:s21], [sflag:s28] =	stream.linear.gather [hbm4b:s0+s7], $0x80, $0x38;
	[tilespmem:$0x14200] =	vst v63  }
0x6f: {  	s29 =	spop (v2sf);
	s22 =	simm.s32 $0x8700;
	s23 =	sadd.s32 s1, s3  }
0x70: {  	[tilespmem:s22], [sflag:s28] =	stream.linear.gather [hbm4b:s23+s7], $0x80, $0x38;
	[tilespmem:$0x14200] =	vst v63  }
0x71: {  	s30 =	simm.s32 $0xC700;
	s6 =	simm.s32 $0x10700;
	s31 =	sadd.s32 s2, s3  }
0x72: {  	[tilespmem:s30], [sflag:s28] =	stream.linear.gather [hbm4b:s31+s7], $0x80, $0x38;
	[tilespmem:$0x14200] =	vst v63  }
0x73: {  	s3 =	sadd.s32 s4, s3;
	s8 =	simm.s32 $0x8780;
	s0 =	sand.u32 $0x1FFFFFF0, s29  }
0x74: {  	[tilespmem:s6], [sflag:s28] =	stream.linear.gather [hbm4b:s3+s7], $0x80, $0x38;
	[tilespmem:$0x14200] =	vst v63  }
0x75: {  	s10 =	spop (v2sf);
	s11 =	simm.s32 $0xC780;
	s9 =	sadd.s32 s1, s0  }
0x76: {  	[tilespmem:s8], [sflag:s28] =	stream.linear.gather [hbm4b:s9+s7], $0x80, $0x38;
	[tilespmem:$0x14200] =	vst v63  }
0x77: {  	s21 =	sand.u32 $0x1FFFFFF0, s10;
	s17 =	sadd.s32 s2, s0;
	s0 =	sadd.s32 s4, s0  }
0x78: {  	[tilespmem:s11], [sflag:s28] =	stream.linear.gather [hbm4b:s17+s7], $0x80, $0x38;
	[tilespmem:$0x14200] =	vst v63  }
0x79: {  	s29 =	sadd.s32 s1, s21;
	s22 =	simm.s32 $0x10780;
	s23 =	simm.s32 $0x8800  }
0x7a: {  	[tilespmem:s22], [sflag:s28] =	stream.linear.gather [hbm4b:s0+s7], $0x80, $0x38;
	[tilespmem:$0x14200] =	vst v63  }
0x7b: {  	s30 =	simm.s32 $0xC800;
	s31 =	sadd.s32 s2, s21;
	s3 =	simm.s32 $0x10800  }
0x7c: {  	[tilespmem:s23], [sflag:s28] =	stream.linear.gather [hbm4b:s29+s7], $0x80, $0x38;
	[tilespmem:$0x14200] =	vst v63  }
0x7d: {  	s6 =	simm.s32 $0x3;
	s17 =	sadd.s32 s4, s21;
	s0 =	simm.s32 $0x2000  }
0x7e: {  	[tilespmem:s30], [sflag:s28] =	stream.linear.gather [hbm4b:s31+s7], $0x80, $0x38;
	[tilespmem:$0x14200] =	vst v63  }
.LBB2_2:
0x7f: {  	p0 =	sne.s32 s0, $0xE000;
	s28 =	sadd.s32 $0x1, s28;
	s5 =	sadd.s32 $0x10, s5  }
0x80: {  	[tilespmem:s3], [sflag:s6] =	stream.linear.gather [hbm4b:s17+s7], $0x80, $0x38;
	[tilespmem:$0x14200] =	vst v63  }
0x81: {  	s6 =	smov.u32 s28;
	s3 =	smov.u32 s0;
	s0 =	sadd.s32 $0x2000, s0;
	v1 =	vld [tilespmem:s5+$0x0]  }
0x82: {  	_ =	sdelay $0x3  }
0x83: {  	v1 =	vshrl.u32 v1, $0x3  }
0x84: {  	(v2sf) =	vpush v1, $0x0  }
0x85: {  	(v2sf) =	vpush v1, $0x1  }
0x86: {  	(v2sf) =	vpush v1, $0x2;
	_ =	sdelay $0x2  }
0x87: {  	(v2sf) =	vpush v1, $0x3;
	_ =	sdelay $0x3  }
0x88: {  	(v2sf) =	vpush v1, $0x4;
	_ =	sdelay $0x3  }
0x89: {  	(v2sf) =	vpush v1, $0x5;
	_ =	sdelay $0x1  }
0x8a: {  	s17 =	spop (v2sf)  }
0x8b: {  	s3 =	sshra.s32 s3, $0x2;
	s17 =	sand.u32 $0x1FFFFFF0, s17;
	s21 =	spop (v2sf)  }
0x8c: {  	s23 =	sadd.s32 $0xC080, s3;
	s22 =	sadd.s32 s1, s17;
	s29 =	spop (v2sf);
	(v2sf) =	vpush v1, $0x6  }
0x8d: {  	s30 =	sadd.s32 $0x8080, s3;
	s21 =	sand.u32 $0x1FFFFFF0, s21;
	s29 =	sand.u32 $0x1FFFFFF0, s29  }
0x8e: {  	[tilespmem:s30], [sflag:s28] =	stream.linear.gather [hbm4b:s22+s7], $0x80, $0x38;
	[tilespmem:$0x14200] =	vst v63  }
0x8f: {  	s22 =	sadd.s32 s2, s17;
	s30 =	sadd.s32 $0x10080, s3;
	s31 =	spop (v2sf)  }
0x90: {  	[tilespmem:s23], [sflag:s28] =	stream.linear.gather [hbm4b:s22+s7], $0x80, $0x38;
	(v2sf) =	vpush v1, $0x7;
	[tilespmem:$0x14200] =	vst v63  }
0x91: {  	s17 =	sadd.s32 s4, s17;
	s22 =	sadd.s32 $0x8100, s3;
	s23 =	sand.u32 $0x1FFFFFF0, s31  }
0x92: {  	[tilespmem:s30], [sflag:s28] =	stream.linear.gather [hbm4b:s17+s7], $0x80, $0x38;
	[tilespmem:$0x14200] =	vst v63  }
0x93: {  	s17 =	sadd.s32 s1, s21;
	s30 =	sadd.s32 $0xC100, s3;
	s31 =	spop (v2sf)  }
0x94: {  	[tilespmem:s22], [sflag:s28] =	stream.linear.gather [hbm4b:s17+s7], $0x80, $0x38;
	[tilespmem:$0x14200] =	vst v63  }
0x95: {  	s17 =	sadd.s32 s2, s21;
	s22 =	sadd.s32 $0x10100, s3;
	s31 =	sand.u32 $0x1FFFFFF0, s31  }
0x96: {  	[tilespmem:s30], [sflag:s28] =	stream.linear.gather [hbm4b:s17+s7], $0x80, $0x38;
	(v2sf) =	vpush v1, $0x8;
	[tilespmem:$0x14200] =	vst v63  }
0x97: {  	s17 =	sadd.s32 s4, s21;
	s21 =	sadd.s32 $0x8180, s3;
	s30 =	spop (v2sf)  }
0x98: {  	[tilespmem:s22], [sflag:s28] =	stream.linear.gather [hbm4b:s17+s7], $0x80, $0x38;
	[tilespmem:$0x14200] =	vst v63  }
0x99: {  	s8 =	sadd.s32 $0xC180, s3;
	s17 =	sadd.s32 s1, s29;
	s22 =	sand.u32 $0x1FFFFFF0, s30  }
0x9a: {  	[tilespmem:s21], [sflag:s28] =	stream.linear.gather [hbm4b:s17+s7], $0x80, $0x38;
	(v2sf) =	vpush v1, $0x9;
	[tilespmem:$0x14200] =	vst v63  }
0x9b: {  	s30 =	sadd.s32 $0x10180, s3;
	s17 =	sadd.s32 s2, s29;
	s21 =	spop (v2sf)  }
0x9c: {  	[tilespmem:s8], [sflag:s28] =	stream.linear.gather [hbm4b:s17+s7], $0x80, $0x38;
	[tilespmem:$0x14200] =	vst v63  }
0x9d: {  	s8 =	sadd.s32 s4, s29;
	s17 =	sadd.s32 $0x8200, s3;
	s21 =	sand.u32 $0x1FFFFFF0, s21  }
0x9e: {  	[tilespmem:s30], [sflag:s28] =	stream.linear.gather [hbm4b:s8+s7], $0x80, $0x38;
	(v2sf) =	vpush v1, $0xA;
	[tilespmem:$0x14200] =	vst v63  }
0x9f: {  	s8 =	sadd.s32 s1, s23;
	s30 =	sadd.s32 $0xC200, s3;
	s29 =	spop (v2sf)  }
0xa0: {  	[tilespmem:s17], [sflag:s28] =	stream.linear.gather [hbm4b:s8+s7], $0x80, $0x38;
	[tilespmem:$0x14200] =	vst v63  }
0xa1: {  	s8 =	sadd.s32 s2, s23;
	s17 =	sadd.s32 $0x10200, s3;
	s29 =	sand.u32 $0x1FFFFFF0, s29  }
0xa2: {  	[tilespmem:s30], [sflag:s28] =	stream.linear.gather [hbm4b:s8+s7], $0x80, $0x38;
	(v2sf) =	vpush v1, $0xB;
	[tilespmem:$0x14200] =	vst v63  }
0xa3: {  	s8 =	sadd.s32 s4, s23;
	s23 =	sadd.s32 $0x8280, s3;
	s30 =	sadd.s32 s1, s31  }
0xa4: {  	[tilespmem:s17], [sflag:s28] =	stream.linear.gather [hbm4b:s8+s7], $0x80, $0x38;
	[tilespmem:$0x14200] =	vst v63  }
0xa5: {  	s8 =	sadd.s32 $0xC280, s3;
	s17 =	sadd.s32 s2, s31;
	s9 =	spop (v2sf)  }
0xa6: {  	[tilespmem:s23], [sflag:s28] =	stream.linear.gather [hbm4b:s30+s7], $0x80, $0x38;
	(v2sf) =	vpush v1, $0xC;
	[tilespmem:$0x14200] =	vst v63  }
0xa7: {  	s31 =	sadd.s32 s4, s31;
	s23 =	sadd.s32 $0x10280, s3;
	s30 =	sand.u32 $0x1FFFFFF0, s9  }
0xa8: {  	[tilespmem:s8], [sflag:s28] =	stream.linear.gather [hbm4b:s17+s7], $0x80, $0x38;
	[tilespmem:$0x14200] =	vst v63  }
0xa9: {  	s9 =	sadd.s32 s1, s22;
	s8 =	sadd.s32 $0x8300, s3;
	s17 =	spop (v2sf)  }
0xaa: {  	[tilespmem:s23], [sflag:s28] =	stream.linear.gather [hbm4b:s31+s7], $0x80, $0x38;
	(v2sf) =	vpush v1, $0xD;
	[tilespmem:$0x14200] =	vst v63  }
0xab: {  	s23 =	sadd.s32 $0xC300, s3;
	s31 =	sadd.s32 s2, s22;
	s17 =	sand.u32 $0x1FFFFFF0, s17  }
0xac: {  	[tilespmem:s8], [sflag:s28] =	stream.linear.gather [hbm4b:s9+s7], $0x80, $0x38;
	[tilespmem:$0x14200] =	vst v63  }
0xad: {  	s8 =	sadd.s32 $0x10300, s3;
	s9 =	sadd.s32 s4, s22;
	s22 =	spop (v2sf)  }
0xae: {  	[tilespmem:s23], [sflag:s28] =	stream.linear.gather [hbm4b:s31+s7], $0x80, $0x38;
	(v2sf) =	vpush v1, $0xE;
	[tilespmem:$0x14200] =	vst v63  }
0xaf: {  	s10 =	sadd.s32 s1, s21;
	s31 =	sadd.s32 $0x8380, s3;
	s23 =	sand.u32 $0x1FFFFFF0, s22  }
0xb0: {  	[tilespmem:s8], [sflag:s28] =	stream.linear.gather [hbm4b:s9+s7], $0x80, $0x38;
	[tilespmem:$0x14200] =	vst v63  }
0xb1: {  	s8 =	sadd.s32 $0xC380, s3;
	s9 =	sadd.s32 s2, s21;
	s22 =	spop (v2sf)  }
0xb2: {  	[tilespmem:s31], [sflag:s28] =	stream.linear.gather [hbm4b:s10+s7], $0x80, $0x38;
	(v2sf) =	vpush v1, $0xF;
	[tilespmem:$0x14200] =	vst v63  }
0xb3: {  	s21 =	sadd.s32 s4, s21;
	s10 =	sadd.s32 $0x10380, s3;
	s22 =	sand.u32 $0x1FFFFFF0, s22  }
0xb4: {  	[tilespmem:s8], [sflag:s28] =	stream.linear.gather [hbm4b:s9+s7], $0x80, $0x38;
	[tilespmem:$0x14200] =	vst v63  }
0xb5: {  	s8 =	sadd.s32 $0x8400, s3;
	s9 =	sadd.s32 s1, s29;
	s31 =	spop (v2sf)  }
0xb6: {  	[tilespmem:s10], [sflag:s28] =	stream.linear.gather [hbm4b:s21+s7], $0x80, $0x38;
	[tilespmem:$0x14200] =	vst v63  }
0xb7: {  	s11 =	sadd.s32 s2, s29;
	s10 =	sadd.s32 $0xC400, s3;
	s21 =	sand.u32 $0x1FFFFFF0, s31  }
0xb8: {  	[tilespmem:s8], [sflag:s28] =	stream.linear.gather [hbm4b:s9+s7], $0x80, $0x38;
	[tilespmem:$0x14200] =	vst v63  }
0xb9: {  	s8 =	sadd.s32 $0x10400, s3;
	s9 =	sadd.s32 s4, s29;
	s29 =	spop (v2sf)  }
0xba: {  	[tilespmem:s10], [sflag:s28] =	stream.linear.gather [hbm4b:s11+s7], $0x80, $0x38;
	[tilespmem:$0x14200] =	vst v63  }
0xbb: {  	s10 =	sadd.s32 $0x8480, s3;
	s11 =	sadd.s32 s1, s30;
	s31 =	sand.u32 $0x1FFFFFF0, s29  }
0xbc: {  	[tilespmem:s8], [sflag:s28] =	stream.linear.gather [hbm4b:s9+s7], $0x80, $0x38;
	[tilespmem:$0x14200] =	vst v63  }
0xbd: {  	s8 =	sadd.s32 $0xC480, s3;
	s9 =	sadd.s32 s2, s30;
	s29 =	spop (v2sf)  }
0xbe: {  	[tilespmem:s10], [sflag:s28] =	stream.linear.gather [hbm4b:s11+s7], $0x80, $0x38;
	[tilespmem:$0x14200] =	vst v63  }
0xbf: {  	s10 =	sadd.s32 $0x10480, s3;
	s11 =	sadd.s32 s4, s30;
	s30 =	sand.u32 $0x1FFFFFF0, s29  }
0xc0: {  	[tilespmem:s8], [sflag:s28] =	stream.linear.gather [hbm4b:s9+s7], $0x80, $0x38;
	[tilespmem:$0x14200] =	vst v63  }
0xc1: {  	s8 =	sadd.s32 $0x8500, s3;
	s9 =	sadd.s32 s1, s17;
	s29 =	spop (v2sf)  }
0xc2: {  	[tilespmem:s10], [sflag:s28] =	stream.linear.gather [hbm4b:s11+s7], $0x80, $0x38;
	[tilespmem:$0x14200] =	vst v63  }
0xc3: {  	s10 =	sadd.s32 $0xC500, s3;
	s11 =	sadd.s32 s2, s17;
	s29 =	sand.u32 $0x1FFFFFF0, s29  }
0xc4: {  	[tilespmem:s8], [sflag:s28] =	stream.linear.gather [hbm4b:s9+s7], $0x80, $0x38;
	[tilespmem:$0x14200] =	vst v63  }
0xc5: {  	s8 =	sadd.s32 $0x10500, s3;
	s9 =	sadd.s32 s4, s17  }
0xc6: {  	[tilespmem:s10], [sflag:s28] =	stream.linear.gather [hbm4b:s11+s7], $0x80, $0x38;
	[tilespmem:$0x14200] =	vst v63  }
0xc7: {  	s10 =	sadd.s32 $0x8580, s3;
	s11 =	sadd.s32 s1, s23  }
0xc8: {  	[tilespmem:s8], [sflag:s28] =	stream.linear.gather [hbm4b:s9+s7], $0x80, $0x38;
	[tilespmem:$0x14200] =	vst v63  }
0xc9: {  	s8 =	sadd.s32 $0xC580, s3;
	s9 =	sadd.s32 s2, s23  }
0xca: {  	[tilespmem:s10], [sflag:s28] =	stream.linear.gather [hbm4b:s11+s7], $0x80, $0x38;
	[tilespmem:$0x14200] =	vst v63  }
0xcb: {  	s10 =	sadd.s32 $0x10580, s3;
	s11 =	sadd.s32 s4, s23  }
0xcc: {  	[tilespmem:s8], [sflag:s28] =	stream.linear.gather [hbm4b:s9+s7], $0x80, $0x38;
	[tilespmem:$0x14200] =	vst v63  }
0xcd: {  	s8 =	sadd.s32 $0x8600, s3;
	s9 =	sadd.s32 s1, s22  }
0xce: {  	[tilespmem:s10], [sflag:s28] =	stream.linear.gather [hbm4b:s11+s7], $0x80, $0x38;
	[tilespmem:$0x14200] =	vst v63  }
0xcf: {  	s10 =	sadd.s32 $0xC600, s3;
	s11 =	sadd.s32 s2, s22  }
0xd0: {  	[tilespmem:s8], [sflag:s28] =	stream.linear.gather [hbm4b:s9+s7], $0x80, $0x38;
	[tilespmem:$0x14200] =	vst v63  }
0xd1: {  	s8 =	sadd.s32 $0x10600, s3;
	s9 =	sadd.s32 s4, s22  }
0xd2: {  	[tilespmem:s10], [sflag:s28] =	stream.linear.gather [hbm4b:s11+s7], $0x80, $0x38;
	[tilespmem:$0x14200] =	vst v63  }
0xd3: {  	s10 =	sadd.s32 $0x8680, s3;
	s11 =	sadd.s32 s1, s21  }
0xd4: {  	[tilespmem:s8], [sflag:s28] =	stream.linear.gather [hbm4b:s9+s7], $0x80, $0x38;
	[tilespmem:$0x14200] =	vst v63  }
0xd5: {  	s8 =	sadd.s32 $0xC680, s3;
	s9 =	sadd.s32 s2, s21  }
0xd6: {  	[tilespmem:s10], [sflag:s28] =	stream.linear.gather [hbm4b:s11+s7], $0x80, $0x38;
	[tilespmem:$0x14200] =	vst v63  }
0xd7: {  	s10 =	sadd.s32 $0x10680, s3;
	s11 =	sadd.s32 s4, s21  }
0xd8: {  	[tilespmem:s8], [sflag:s28] =	stream.linear.gather [hbm4b:s9+s7], $0x80, $0x38;
	[tilespmem:$0x14200] =	vst v63  }
0xd9: {  	s8 =	sadd.s32 $0x8700, s3;
	s9 =	sadd.s32 s1, s31  }
0xda: {  	[tilespmem:s10], [sflag:s28] =	stream.linear.gather [hbm4b:s11+s7], $0x80, $0x38;
	[tilespmem:$0x14200] =	vst v63  }
0xdb: {  	s10 =	sadd.s32 $0xC700, s3;
	s11 =	sadd.s32 s2, s31  }
0xdc: {  	[tilespmem:s8], [sflag:s28] =	stream.linear.gather [hbm4b:s9+s7], $0x80, $0x38;
	[tilespmem:$0x14200] =	vst v63  }
0xdd: {  	s8 =	sadd.s32 $0x10700, s3;
	s9 =	sadd.s32 s4, s31  }
0xde: {  	[tilespmem:s10], [sflag:s28] =	stream.linear.gather [hbm4b:s11+s7], $0x80, $0x38;
	[tilespmem:$0x14200] =	vst v63  }
0xdf: {  	s10 =	sadd.s32 $0x8780, s3;
	s11 =	sadd.s32 s1, s30  }
0xe0: {  	[tilespmem:s8], [sflag:s28] =	stream.linear.gather [hbm4b:s9+s7], $0x80, $0x38;
	[tilespmem:$0x14200] =	vst v63  }
0xe1: {  	s8 =	sadd.s32 $0xC780, s3;
	s9 =	sadd.s32 s2, s30  }
0xe2: {  	[tilespmem:s10], [sflag:s28] =	stream.linear.gather [hbm4b:s11+s7], $0x80, $0x38;
	[tilespmem:$0x14200] =	vst v63  }
0xe3: {  	s10 =	sadd.s32 $0x10780, s3;
	s11 =	sadd.s32 s4, s30  }
0xe4: {  	[tilespmem:s8], [sflag:s28] =	stream.linear.gather [hbm4b:s9+s7], $0x80, $0x38;
	[tilespmem:$0x14200] =	vst v63  }
0xe5: {  	s8 =	sadd.s32 $0x8800, s3;
	s9 =	sadd.s32 s1, s29  }
0xe6: {  	[tilespmem:s10], [sflag:s28] =	stream.linear.gather [hbm4b:s11+s7], $0x80, $0x38;
	[tilespmem:$0x14200] =	vst v63  }
.Ltmp0:
0xe7: {  	_ = 	snop;
	(pc) =	sbr.rel @p0 .LBB2_2-.Ltmp0, $4  }
0xe8: {  	s10 =	sadd.s32 $0xC800, s3;
	s11 =	sadd.s32 s2, s29  }
0xe9: {  	[tilespmem:s8], [sflag:s28] =	stream.linear.gather [hbm4b:s9+s7], $0x80, $0x38;
	[tilespmem:$0x14200] =	vst v63  }
0xea: {  	s17 =	sadd.s32 s4, s29;
	s3 =	sadd.s32 $0x10800, s3  }
0xeb: {  	[tilespmem:s10], [sflag:s28] =	stream.linear.gather [hbm4b:s11+s7], $0x80, $0x38;
	[tilespmem:$0x14200] =	vst v63  }
0xec: {  	[tilespmem:s3], [sflag:s6] =	stream.linear.gather [hbm4b:s17+s7], $0x80, $0x38;
	[tilespmem:$0x14200] =	vst v63  }
0xed: {  	s28 =	simm.s32 $0x0;
	s0 =	rddreg [dreg:$0x0]  }
0xee: {  	[tilespmem:s16], [sflag:$0x1] =	stream.indirect.gather [hbm4b:s0+s16], $0x80, s28, s16, $0xb8;
	[tilespmem:$0x14200] =	vst v63  }
0xef: {  	s22 =	rddreg [dreg:$0x3];
	s8 =	simm.s32 $0x4080;
	s29 =	simm.s32 $0x3  }
0xf0: {  	[tilespmem:s8], [sflag:$0x2] =	stream.indirect.gather [hbm4b:s22+s16], $0x80, s28, s16, $0xb8;
	[tilespmem:$0x14200] =	vst v63  }
0xf1: {  	_ =	swait.ge [sflag:s29], $0x80  }
0xf2: {  	[sflag:s29] =	ssyncset.done $0x0  }
0xf3: {  	[sflag:s29] =	ssyncadd.s32 $0xFFFFFF80  }
0xf4: {  	_ =	swait.ge [sflag:s29], $0x80  }
0xf5: {  	[sflag:s29] =	ssyncset.done $0x0  }
0xf6: {  	[sflag:s29] =	ssyncadd.s32 $0xFFFFFF80  }
0xf7: {  	_ =	swait.ge [sflag:s29], $0x80  }
0xf8: {  	[sflag:s29] =	ssyncset.done $0x0  }
0xf9: {  	[sflag:s29] =	ssyncadd.s32 $0xFFFFFF80  }
0xfa: {  	_ =	swait.ge [sflag:s29], $0x80  }
0xfb: {  	[sflag:s29] =	ssyncset.done $0x0  }
0xfc: {  	[sflag:s29] =	ssyncadd.s32 $0xFFFFFF80  }
0xfd: {  	_ =	swait.ge [sflag:s29], $0x80  }
0xfe: {  	[sflag:s29] =	ssyncset.done $0x0  }
0xff: {  	[sflag:s29] =	ssyncadd.s32 $0xFFFFFF80  }
0x100: {  	_ =	swait.ge [sflag:s29], $0x80  }
0x101: {  	[sflag:s29] =	ssyncset.done $0x0  }
0x102: {  	[sflag:s29] =	ssyncadd.s32 $0xFFFFFF80  }
0x103: {  	_ =	swait.ge [sflag:s29], $0x80  }
0x104: {  	[sflag:s29] =	ssyncset.done $0x0  }
0x105: {  	[sflag:s29] =	ssyncadd.s32 $0xFFFFFF80  }
0x106: {  	_ =	swait.ge [sflag:s29], $0x80  }
0x107: {  	[sflag:s29] =	ssyncset.done $0x0  }
0x108: {  	[sflag:s29] =	ssyncadd.s32 $0xFFFFFF80  }
0x109: {  	_ =	swait.ge [sflag:s29], $0x80  }
0x10a: {  	[sflag:s29] =	ssyncset.done $0x0  }
0x10b: {  	[sflag:s29] =	ssyncadd.s32 $0xFFFFFF80  }
0x10c: {  	_ =	swait.ge [sflag:s29], $0x80  }
0x10d: {  	[sflag:s29] =	ssyncset.done $0x0  }
0x10e: {  	[sflag:s29] =	ssyncadd.s32 $0xFFFFFF80  }
0x10f: {  	_ =	swait.ge [sflag:s29], $0x80  }
0x110: {  	[sflag:s29] =	ssyncset.done $0x0  }
0x111: {  	[sflag:s29] =	ssyncadd.s32 $0xFFFFFF80  }
0x112: {  	_ =	swait.ge [sflag:s29], $0x80  }
0x113: {  	[sflag:s29] =	ssyncset.done $0x0  }
0x114: {  	[sflag:s29] =	ssyncadd.s32 $0xFFFFFF80  }
0x115: {  	_ =	swait.ge [sflag:s29], $0x80  }
0x116: {  	[sflag:s29] =	ssyncset.done $0x0  }
0x117: {  	[sflag:s29] =	ssyncadd.s32 $0xFFFFFF80  }
0x118: {  	_ =	swait.ge [sflag:s29], $0x80  }
0x119: {  	[sflag:s29] =	ssyncset.done $0x0  }
0x11a: {  	[sflag:s29] =	ssyncadd.s32 $0xFFFFFF80  }
0x11b: {  	_ =	swait.ge [sflag:s29], $0x80  }
0x11c: {  	[sflag:s29] =	ssyncset.done $0x0  }
0x11d: {  	[sflag:s29] =	ssyncadd.s32 $0xFFFFFF80  }
0x11e: {  	_ =	swait.ge [sflag:s29], $0x80  }
0x11f: {  	[sflag:s29] =	ssyncset.done $0x0  }
0x120: {  	[sflag:s29] =	ssyncadd.s32 $0xFFFFFF80  }
0x121: {  	_ =	swait.ge [sflag:s29], $0x80  }
0x122: {  	[sflag:s29] =	ssyncset.done $0x0  }
0x123: {  	[sflag:s29] =	ssyncadd.s32 $0xFFFFFF80  }
0x124: {  	_ =	swait.ge [sflag:s29], $0x80  }
0x125: {  	[sflag:s29] =	ssyncset.done $0x0  }
0x126: {  	[sflag:s29] =	ssyncadd.s32 $0xFFFFFF80  }
0x127: {  	_ =	swait.ge [sflag:s29], $0x80  }
0x128: {  	[sflag:s29] =	ssyncset.done $0x0  }
0x129: {  	[sflag:s29] =	ssyncadd.s32 $0xFFFFFF80  }
0x12a: {  	_ =	swait.ge [sflag:s29], $0x80  }
0x12b: {  	[sflag:s29] =	ssyncset.done $0x0  }
0x12c: {  	[sflag:s29] =	ssyncadd.s32 $0xFFFFFF80  }
0x12d: {  	_ =	swait.ge [sflag:s29], $0x80  }
0x12e: {  	[sflag:s29] =	ssyncset.done $0x0  }
0x12f: {  	[sflag:s29] =	ssyncadd.s32 $0xFFFFFF80  }
0x130: {  	_ =	swait.ge [sflag:s29], $0x80  }
0x131: {  	[sflag:s29] =	ssyncset.done $0x0  }
0x132: {  	[sflag:s29] =	ssyncadd.s32 $0xFFFFFF80  }
0x133: {  	_ =	swait.ge [sflag:s29], $0x80  }
0x134: {  	[sflag:s29] =	ssyncset.done $0x0  }
0x135: {  	[sflag:s29] =	ssyncadd.s32 $0xFFFFFF80  }
0x136: {  	_ =	swait.ge [sflag:s29], $0x80  }
0x137: {  	[sflag:s29] =	ssyncset.done $0x0  }
0x138: {  	[sflag:s29] =	ssyncadd.s32 $0xFFFFFF80  }
0x139: {  	_ =	swait.ge [sflag:s29], $0x80  }
0x13a: {  	[sflag:s29] =	ssyncset.done $0x0  }
0x13b: {  	[sflag:s29] =	ssyncadd.s32 $0xFFFFFF80  }
0x13c: {  	_ =	swait.ge [sflag:s29], $0x80  }
0x13d: {  	[sflag:s29] =	ssyncset.done $0x0  }
0x13e: {  	[sflag:s29] =	ssyncadd.s32 $0xFFFFFF80  }
0x13f: {  	_ =	swait.ge [sflag:s29], $0x80  }
0x140: {  	[sflag:s29] =	ssyncset.done $0x0  }
0x141: {  	[sflag:s29] =	ssyncadd.s32 $0xFFFFFF80  }
0x142: {  	_ =	swait.ge [sflag:s29], $0x80  }
0x143: {  	[sflag:s29] =	ssyncset.done $0x0  }
0x144: {  	[sflag:s29] =	ssyncadd.s32 $0xFFFFFF80  }
0x145: {  	_ =	swait.ge [sflag:s29], $0x80  }
0x146: {  	[sflag:s29] =	ssyncset.done $0x0  }
0x147: {  	[sflag:s29] =	ssyncadd.s32 $0xFFFFFF80  }
0x148: {  	_ =	swait.ge [sflag:s29], $0x80  }
0x149: {  	[sflag:s29] =	ssyncset.done $0x0  }
0x14a: {  	[sflag:s29] =	ssyncadd.s32 $0xFFFFFF80  }
0x14b: {  	_ =	swait.ge [sflag:s29], $0x80  }
0x14c: {  	[sflag:s29] =	ssyncset.done $0x0  }
0x14d: {  	[sflag:s29] =	ssyncadd.s32 $0xFFFFFF80  }
0x14e: {  	_ =	swait.ge [sflag:s29], $0x80  }
0x14f: {  	[sflag:s29] =	ssyncset.done $0x0  }
0x150: {  	[sflag:s29] =	ssyncadd.s32 $0xFFFFFF80  }
0x151: {  	_ =	swait.ge [sflag:s29], $0x80  }
0x152: {  	[sflag:s29] =	ssyncset.done $0x0  }
0x153: {  	[sflag:s29] =	ssyncadd.s32 $0xFFFFFF80  }
0x154: {  	_ =	swait.ge [sflag:s29], $0x80  }
0x155: {  	[sflag:s29] =	ssyncset.done $0x0  }
0x156: {  	[sflag:s29] =	ssyncadd.s32 $0xFFFFFF80  }
0x157: {  	_ =	swait.ge [sflag:s29], $0x80  }
0x158: {  	[sflag:s29] =	ssyncset.done $0x0  }
0x159: {  	[sflag:s29] =	ssyncadd.s32 $0xFFFFFF80  }
0x15a: {  	_ =	swait.ge [sflag:s29], $0x80  }
0x15b: {  	[sflag:s29] =	ssyncset.done $0x0  }
0x15c: {  	[sflag:s29] =	ssyncadd.s32 $0xFFFFFF80  }
0x15d: {  	_ =	swait.ge [sflag:s29], $0x80  }
0x15e: {  	[sflag:s29] =	ssyncset.done $0x0  }
0x15f: {  	[sflag:s29] =	ssyncadd.s32 $0xFFFFFF80  }
0x160: {  	_ =	swait.ge [sflag:s29], $0x80  }
0x161: {  	[sflag:s29] =	ssyncset.done $0x0  }
0x162: {  	[sflag:s29] =	ssyncadd.s32 $0xFFFFFF80  }
0x163: {  	_ =	swait.ge [sflag:s29], $0x80  }
0x164: {  	[sflag:s29] =	ssyncset.done $0x0  }
0x165: {  	[sflag:s29] =	ssyncadd.s32 $0xFFFFFF80  }
0x166: {  	_ =	swait.ge [sflag:s29], $0x80  }
0x167: {  	[sflag:s29] =	ssyncset.done $0x0  }
0x168: {  	[sflag:s29] =	ssyncadd.s32 $0xFFFFFF80  }
0x169: {  	_ =	swait.ge [sflag:s29], $0x80  }
0x16a: {  	[sflag:s29] =	ssyncset.done $0x0  }
0x16b: {  	[sflag:s29] =	ssyncadd.s32 $0xFFFFFF80  }
0x16c: {  	_ =	swait.ge [sflag:s29], $0x80  }
0x16d: {  	[sflag:s29] =	ssyncset.done $0x0  }
0x16e: {  	[sflag:s29] =	ssyncadd.s32 $0xFFFFFF80  }
0x16f: {  	_ =	swait.ge [sflag:s29], $0x80  }
0x170: {  	[sflag:s29] =	ssyncset.done $0x0  }
0x171: {  	[sflag:s29] =	ssyncadd.s32 $0xFFFFFF80  }
0x172: {  	_ =	swait.ge [sflag:s29], $0x80  }
0x173: {  	[sflag:s29] =	ssyncset.done $0x0  }
0x174: {  	[sflag:s29] =	ssyncadd.s32 $0xFFFFFF80  }
0x175: {  	_ =	swait.ge [sflag:s29], $0x80  }
0x176: {  	[sflag:s29] =	ssyncset.done $0x0  }
0x177: {  	[sflag:s29] =	ssyncadd.s32 $0xFFFFFF80  }
0x178: {  	_ =	swait.ge [sflag:s29], $0x80  }
0x179: {  	[sflag:s29] =	ssyncset.done $0x0  }
0x17a: {  	[sflag:s29] =	ssyncadd.s32 $0xFFFFFF80  }
0x17b: {  	_ =	swait.ge [sflag:s29], $0x80  }
0x17c: {  	[sflag:s29] =	ssyncset.done $0x0  }
0x17d: {  	[sflag:s29] =	ssyncadd.s32 $0xFFFFFF80  }
0x17e: {  	_ =	swait.ge [sflag:s29], $0x80  }
0x17f: {  	[sflag:s29] =	ssyncset.done $0x0  }
0x180: {  	[sflag:s29] =	ssyncadd.s32 $0xFFFFFF80  }
0x181: {  	v1 =	vld [tilespmem:s28+$0x0];
	_ =	sdelay $0x2  }
0x182: {  	v2 =	vmov s28  }
0x183: {  	v2 =	vshll.u32 v2, $0x7  }
0x184: {  	v2 =	vor.u32 v0, v2;
	v1 =	vand.u32 $0x7F, v1  }
0x185: {  	v1 =	vor.u32 v2, v1;
	_ =	sdelay $0x4  }
0x186: {  	v2 =	vld.idx.msk [tilespmem:v1+s18+$0x0], $0xffff;
	_ =	sdelay $0x3  }
0x187: {  	s30 =	simm.s32 $0x14080  }
0x188: {  	[tilespmem:s30+$0x0] =	vst v2  }
0x189: {  	v2 =	vld.idx.msk [tilespmem:v1+s19+$0x0], $0xffff;
	_ =	sdelay $0x3  }
0x18a: {  	s23 =	simm.s32 $0x14100  }
0x18b: {  	[tilespmem:s23+$0x0] =	vst v2  }
0x18c: {  	v1 =	vld.idx.msk [tilespmem:v1+s20+$0x0], $0xffff;
	_ =	sdelay $0x1  }
0x18d: {  	s5 =	simm.s32 $0x14180  }
0x18e: {  	s31 =	simm.s32 $0x10;
	s6 =	simm.s32 $0x14110;
	s0 =	simm.s32 $0x14190  }
.LBB2_4:
0x18f: {  	s29 =	sadd.s32 $0x1, s29;
	s28 =	sadd.s32 $0x10, s28  }
0x190: {  	[tilespmem:s5+$0x0] =	vst v1;
	s30 =	sadd.s32 $0x10, s30;
	s3 =	smov.u32 s31;
	s5 =	smov.u32 s0  }
0x191: {  	p0 =	sne.s32 s31, $0x70;
	s31 =	sadd.s32 $0x10, s31;
	_ =	swait.ge [sflag:s29], $0x80  }
0x192: {  	[sflag:s29] =	ssyncset.done $0x0  }
0x193: {  	[sflag:s29] =	ssyncadd.s32 $0xFFFFFF80  }
0x194: {  	_ =	swait.ge [sflag:s29], $0x80  }
0x195: {  	[sflag:s29] =	ssyncset.done $0x0  }
0x196: {  	[sflag:s29] =	ssyncadd.s32 $0xFFFFFF80  }
0x197: {  	_ =	swait.ge [sflag:s29], $0x80  }
0x198: {  	[sflag:s29] =	ssyncset.done $0x0  }
0x199: {  	[sflag:s29] =	ssyncadd.s32 $0xFFFFFF80  }
0x19a: {  	_ =	swait.ge [sflag:s29], $0x80  }
0x19b: {  	[sflag:s29] =	ssyncset.done $0x0  }
0x19c: {  	[sflag:s29] =	ssyncadd.s32 $0xFFFFFF80  }
0x19d: {  	_ =	swait.ge [sflag:s29], $0x80  }
0x19e: {  	[sflag:s29] =	ssyncset.done $0x0  }
0x19f: {  	[sflag:s29] =	ssyncadd.s32 $0xFFFFFF80  }
0x1a0: {  	_ =	swait.ge [sflag:s29], $0x80  }
0x1a1: {  	[sflag:s29] =	ssyncset.done $0x0  }
0x1a2: {  	[sflag:s29] =	ssyncadd.s32 $0xFFFFFF80  }
0x1a3: {  	_ =	swait.ge [sflag:s29], $0x80  }
0x1a4: {  	[sflag:s29] =	ssyncset.done $0x0  }
0x1a5: {  	[sflag:s29] =	ssyncadd.s32 $0xFFFFFF80  }
0x1a6: {  	_ =	swait.ge [sflag:s29], $0x80  }
0x1a7: {  	[sflag:s29] =	ssyncset.done $0x0  }
0x1a8: {  	[sflag:s29] =	ssyncadd.s32 $0xFFFFFF80  }
0x1a9: {  	_ =	swait.ge [sflag:s29], $0x80  }
0x1aa: {  	[sflag:s29] =	ssyncset.done $0x0  }
0x1ab: {  	[sflag:s29] =	ssyncadd.s32 $0xFFFFFF80  }
0x1ac: {  	_ =	swait.ge [sflag:s29], $0x80  }
0x1ad: {  	[sflag:s29] =	ssyncset.done $0x0  }
0x1ae: {  	[sflag:s29] =	ssyncadd.s32 $0xFFFFFF80  }
0x1af: {  	_ =	swait.ge [sflag:s29], $0x80  }
0x1b0: {  	[sflag:s29] =	ssyncset.done $0x0  }
0x1b1: {  	[sflag:s29] =	ssyncadd.s32 $0xFFFFFF80  }
0x1b2: {  	_ =	swait.ge [sflag:s29], $0x80  }
0x1b3: {  	[sflag:s29] =	ssyncset.done $0x0  }
0x1b4: {  	[sflag:s29] =	ssyncadd.s32 $0xFFFFFF80  }
0x1b5: {  	_ =	swait.ge [sflag:s29], $0x80  }
0x1b6: {  	[sflag:s29] =	ssyncset.done $0x0  }
0x1b7: {  	[sflag:s29] =	ssyncadd.s32 $0xFFFFFF80  }
0x1b8: {  	_ =	swait.ge [sflag:s29], $0x80  }
0x1b9: {  	[sflag:s29] =	ssyncset.done $0x0  }
0x1ba: {  	[sflag:s29] =	ssyncadd.s32 $0xFFFFFF80  }
0x1bb: {  	_ =	swait.ge [sflag:s29], $0x80  }
0x1bc: {  	[sflag:s29] =	ssyncset.done $0x0  }
0x1bd: {  	[sflag:s29] =	ssyncadd.s32 $0xFFFFFF80  }
0x1be: {  	_ =	swait.ge [sflag:s29], $0x80  }
0x1bf: {  	[sflag:s29] =	ssyncset.done $0x0  }
0x1c0: {  	[sflag:s29] =	ssyncadd.s32 $0xFFFFFF80  }
0x1c1: {  	_ =	swait.ge [sflag:s29], $0x80  }
0x1c2: {  	[sflag:s29] =	ssyncset.done $0x0  }
0x1c3: {  	[sflag:s29] =	ssyncadd.s32 $0xFFFFFF80  }
0x1c4: {  	_ =	swait.ge [sflag:s29], $0x80  }
0x1c5: {  	[sflag:s29] =	ssyncset.done $0x0  }
0x1c6: {  	[sflag:s29] =	ssyncadd.s32 $0xFFFFFF80  }
0x1c7: {  	_ =	swait.ge [sflag:s29], $0x80  }
0x1c8: {  	[sflag:s29] =	ssyncset.done $0x0  }
0x1c9: {  	[sflag:s29] =	ssyncadd.s32 $0xFFFFFF80  }
0x1ca: {  	_ =	swait.ge [sflag:s29], $0x80  }
0x1cb: {  	[sflag:s29] =	ssyncset.done $0x0  }
0x1cc: {  	[sflag:s29] =	ssyncadd.s32 $0xFFFFFF80  }
0x1cd: {  	_ =	swait.ge [sflag:s29], $0x80  }
0x1ce: {  	[sflag:s29] =	ssyncset.done $0x0  }
0x1cf: {  	[sflag:s29] =	ssyncadd.s32 $0xFFFFFF80  }
0x1d0: {  	_ =	swait.ge [sflag:s29], $0x80  }
0x1d1: {  	[sflag:s29] =	ssyncset.done $0x0  }
0x1d2: {  	[sflag:s29] =	ssyncadd.s32 $0xFFFFFF80  }
0x1d3: {  	_ =	swait.ge [sflag:s29], $0x80  }
0x1d4: {  	[sflag:s29] =	ssyncset.done $0x0  }
0x1d5: {  	[sflag:s29] =	ssyncadd.s32 $0xFFFFFF80  }
0x1d6: {  	_ =	swait.ge [sflag:s29], $0x80  }
0x1d7: {  	[sflag:s29] =	ssyncset.done $0x0  }
0x1d8: {  	[sflag:s29] =	ssyncadd.s32 $0xFFFFFF80  }
0x1d9: {  	_ =	swait.ge [sflag:s29], $0x80  }
0x1da: {  	[sflag:s29] =	ssyncset.done $0x0  }
0x1db: {  	[sflag:s29] =	ssyncadd.s32 $0xFFFFFF80  }
0x1dc: {  	_ =	swait.ge [sflag:s29], $0x80  }
0x1dd: {  	[sflag:s29] =	ssyncset.done $0x0  }
0x1de: {  	[sflag:s29] =	ssyncadd.s32 $0xFFFFFF80  }
0x1df: {  	_ =	swait.ge [sflag:s29], $0x80  }
0x1e0: {  	[sflag:s29] =	ssyncset.done $0x0  }
0x1e1: {  	[sflag:s29] =	ssyncadd.s32 $0xFFFFFF80  }
0x1e2: {  	_ =	swait.ge [sflag:s29], $0x80  }
0x1e3: {  	[sflag:s29] =	ssyncset.done $0x0  }
0x1e4: {  	[sflag:s29] =	ssyncadd.s32 $0xFFFFFF80  }
0x1e5: {  	_ =	swait.ge [sflag:s29], $0x80  }
0x1e6: {  	[sflag:s29] =	ssyncset.done $0x0  }
0x1e7: {  	[sflag:s29] =	ssyncadd.s32 $0xFFFFFF80  }
0x1e8: {  	_ =	swait.ge [sflag:s29], $0x80  }
0x1e9: {  	[sflag:s29] =	ssyncset.done $0x0  }
0x1ea: {  	[sflag:s29] =	ssyncadd.s32 $0xFFFFFF80  }
0x1eb: {  	_ =	swait.ge [sflag:s29], $0x80  }
0x1ec: {  	[sflag:s29] =	ssyncset.done $0x0  }
0x1ed: {  	[sflag:s29] =	ssyncadd.s32 $0xFFFFFF80  }
0x1ee: {  	_ =	swait.ge [sflag:s29], $0x80  }
0x1ef: {  	[sflag:s29] =	ssyncset.done $0x0  }
0x1f0: {  	[sflag:s29] =	ssyncadd.s32 $0xFFFFFF80  }
0x1f1: {  	_ =	swait.ge [sflag:s29], $0x80  }
0x1f2: {  	[sflag:s29] =	ssyncset.done $0x0  }
0x1f3: {  	[sflag:s29] =	ssyncadd.s32 $0xFFFFFF80  }
0x1f4: {  	_ =	swait.ge [sflag:s29], $0x80  }
0x1f5: {  	[sflag:s29] =	ssyncset.done $0x0  }
0x1f6: {  	[sflag:s29] =	ssyncadd.s32 $0xFFFFFF80  }
0x1f7: {  	_ =	swait.ge [sflag:s29], $0x80  }
0x1f8: {  	[sflag:s29] =	ssyncset.done $0x0  }
0x1f9: {  	[sflag:s29] =	ssyncadd.s32 $0xFFFFFF80  }
0x1fa: {  	_ =	swait.ge [sflag:s29], $0x80  }
0x1fb: {  	[sflag:s29] =	ssyncset.done $0x0  }
0x1fc: {  	[sflag:s29] =	ssyncadd.s32 $0xFFFFFF80  }
0x1fd: {  	_ =	swait.ge [sflag:s29], $0x80  }
0x1fe: {  	[sflag:s29] =	ssyncset.done $0x0  }
0x1ff: {  	[sflag:s29] =	ssyncadd.s32 $0xFFFFFF80  }
0x200: {  	_ =	swait.ge [sflag:s29], $0x80  }
0x201: {  	[sflag:s29] =	ssyncset.done $0x0  }
0x202: {  	[sflag:s29] =	ssyncadd.s32 $0xFFFFFF80  }
0x203: {  	_ =	swait.ge [sflag:s29], $0x80  }
0x204: {  	[sflag:s29] =	ssyncset.done $0x0  }
0x205: {  	[sflag:s29] =	ssyncadd.s32 $0xFFFFFF80  }
0x206: {  	_ =	swait.ge [sflag:s29], $0x80  }
0x207: {  	[sflag:s29] =	ssyncset.done $0x0  }
0x208: {  	[sflag:s29] =	ssyncadd.s32 $0xFFFFFF80  }
0x209: {  	_ =	swait.ge [sflag:s29], $0x80  }
0x20a: {  	[sflag:s29] =	ssyncset.done $0x0  }
0x20b: {  	[sflag:s29] =	ssyncadd.s32 $0xFFFFFF80  }
0x20c: {  	_ =	swait.ge [sflag:s29], $0x80  }
0x20d: {  	[sflag:s29] =	ssyncset.done $0x0  }
0x20e: {  	[sflag:s29] =	ssyncadd.s32 $0xFFFFFF80  }
0x20f: {  	_ =	swait.ge [sflag:s29], $0x80  }
0x210: {  	[sflag:s29] =	ssyncset.done $0x0  }
0x211: {  	[sflag:s29] =	ssyncadd.s32 $0xFFFFFF80  }
0x212: {  	_ =	swait.ge [sflag:s29], $0x80  }
0x213: {  	[sflag:s29] =	ssyncset.done $0x0  }
0x214: {  	[sflag:s29] =	ssyncadd.s32 $0xFFFFFF80  }
0x215: {  	_ =	swait.ge [sflag:s29], $0x80  }
0x216: {  	[sflag:s29] =	ssyncset.done $0x0  }
0x217: {  	[sflag:s29] =	ssyncadd.s32 $0xFFFFFF80  }
0x218: {  	_ =	swait.ge [sflag:s29], $0x80  }
0x219: {  	[sflag:s29] =	ssyncset.done $0x0  }
0x21a: {  	[sflag:s29] =	ssyncadd.s32 $0xFFFFFF80  }
0x21b: {  	_ =	swait.ge [sflag:s29], $0x80  }
0x21c: {  	[sflag:s29] =	ssyncset.done $0x0  }
0x21d: {  	[sflag:s29] =	ssyncadd.s32 $0xFFFFFF80  }
0x21e: {  	_ =	swait.ge [sflag:s29], $0x80  }
0x21f: {  	[sflag:s29] =	ssyncset.done $0x0  }
0x220: {  	[sflag:s29] =	ssyncadd.s32 $0xFFFFFF80  }
0x221: {  	v1 =	vld [tilespmem:s28+$0x0];
	_ =	sdelay $0x2  }
0x222: {  	v2 =	vmov s3  }
0x223: {  	v2 =	vshll.u32 v2, $0x7  }
0x224: {  	v2 =	vor.u32 v0, v2;
	v1 =	vand.u32 $0x7F, v1  }
0x225: {  	v1 =	vor.u32 v2, v1;
	_ =	sdelay $0x4  }
0x226: {  	v2 =	vld.idx.msk [tilespmem:v1+s18+$0x0], $0xffff;
	_ =	sdelay $0x5  }
0x227: {  	[tilespmem:s30+$0x0] =	vst v2  }
0x228: {  	v2 =	vld.idx.msk [tilespmem:v1+s19+$0x0], $0xffff;
	_ =	sdelay $0x5  }
0x229: {  	[tilespmem:s6+$0x0] =	vst v2  }
0x22a: {  	v1 =	vld.idx.msk [tilespmem:v1+s20+$0x0], $0xffff  }
.Ltmp1:
0x22b: {  	(pc) =	sbr.rel @p0 .LBB2_4-.Ltmp1, $2  }
0x22c: {  	_ =	sdelay $0x2  }
0x22d: {  	s0 =	sadd.s32 $0x10, s0;
	s6 =	sadd.s32 $0x10, s6  }
0x22e: {  	[tilespmem:s5+$0x0] =	vst v1;
	s0 =	rddreg [dreg:$0xd];
	s3 =	simm.s32 $0x14080  }
0x22f: {  	[hbm4b:s0+s7] =	stream.linear.scatter [tilespmem:s3], [sflag:$0xB], $0x80, $0x38;
	[tilespmem:$0x14200] =	vst v63  }
0x230: {  	_ =	swait.ge [sflag:s15], $0x80  }
0x231: {  	[sflag:s15] =	ssyncset.done $0x0  }
0x232: {  	s29 =	simm.s32 $0x14100;
	s28 =	rddreg [dreg:$0xe];
	[sflag:s15] =	ssyncadd.s32 $0xFFFFFF80  }
0x233: {  	[hbm4b:s28+s7] =	stream.linear.scatter [tilespmem:s29], [sflag:$0xB], $0x80, $0x38;
	[tilespmem:$0x14200] =	vst v63  }
0x234: {  	_ =	swait.ge [sflag:s15], $0x80  }
0x235: {  	[sflag:s15] =	ssyncset.done $0x0  }
0x236: {  	s31 =	simm.s32 $0x14180;
	s30 =	rddreg [dreg:$0xf];
	[sflag:s15] =	ssyncadd.s32 $0xFFFFFF80  }
0x237: {  	[hbm4b:s30+s7] =	stream.linear.scatter [tilespmem:s31], [sflag:$0xB], $0x80, $0x38;
	[tilespmem:$0x14200] =	vst v63  }
0x238: {  	_ =	swait.ge [sflag:s15], $0x80  }
0x239: {  	[sflag:s15] =	ssyncset.done $0x0  }
0x23a: {  	[sflag:s15] =	ssyncadd.s32 $0xFFFFFF80  }
0x23b: {  	_ =	swait.ge [sflag:s24], $0x4000  }
0x23c: {  	[sflag:s24] =	ssyncset.done $0x0  }
0x23d: {  	[sflag:s24] =	ssyncadd.s32 $0xFFFFC000  }
0x23e: {  	[hbm4b:s12+s7] =	stream.linear.scatter [tilespmem:s16], [sflag:$0xB], $0x4000, $0x38;
	[tilespmem:$0x14200] =	vst v63  }
0x23f: {  	_ =	swait.ge [sflag:s15], $0x4000  }
0x240: {  	[sflag:s15] =	ssyncset.done $0x0  }
0x241: {  	[sflag:s15] =	ssyncadd.s32 $0xFFFFC000  }
0x242: {  	s26 =	sadd.s32 $0x1, s26;
	_ =	swait.ge [sflag:s25], $0x4000  }
0x243: {  	p0 =	sne.s32 s26, s14;
	[sflag:s25] =	ssyncset.done $0x0  }
.Ltmp2:
0x244: {  	[sflag:s25] =	ssyncadd.s32 $0xFFFFC000;
	(pc) =	sbr.rel @p0 .LBB2_1-.Ltmp2, $4  }
0x245: {  	[hbm4b:s13+s7] =	stream.linear.scatter [tilespmem:s8], [sflag:$0xB], $0x4000, $0x38;
	[tilespmem:$0x14200] =	vst v63  }
0x246: {  	_ =	swait.ge [sflag:s15], $0x4000  }
0x247: {  	[sflag:s15] =	ssyncset.done $0x0  }
0x248: {  	[sflag:s15] =	ssyncadd.s32 $0xFFFFC000  }
0x249: {  	_ =	sfence.sel $0x180000  }
0x24a: {  	[bflag:$0x0] =	sbarrier.arrive $0xFFFF  }
0x24b: {  	_ =	strace $0x90000047  }
0x24c: {  	s0 =	stileid.u32;
	[bflag:$0x2] =	sbarrier.arrive $0xFFFF  }
0x24d: {  	p0 =	sne.s32 s0, $0x0;
	s0 =	rddreg [dreg:$0xb]  }
0x24e: {  	s0 =	sadd.s32 @!p0 $0x100000, s0  }
0x24f: {  	[sflag:s0] =	ssyncadd.tile.s32 @!p0 $0x1;
	_ =	shalt  }
.Lfunc_end2:
_tile_overlayer_lowered:
.L_overlay_start_2:
0x250: {  	(tag) =	ssettag $0x2  }
0x251: {  	s0 =	rddreg [dreg:$0x0];
	s2 =	stileid.u32  }
0x252: {  	s1 =	rddreg [dreg:$0x1];
	p0 =	sne.s32 s2, $0x0  }
0x253: {  	s3 =	rddreg [dreg:$0x2];
	[bflag:$0x3] =	sbarrier.arrive $0xFFFF;
	s2 =	simm.s32 @!p0 $0x1C0B  }
0x254: {  	[timem:s3], [sflag:s2] =	dma.local @!p0 [hbm:s0], s1  }
0x255: {  	s0 =	simm.s32 @!p0 $0xB  }
0x256: {  	_ =	swait.ge @!p0 [sflag:s0], s1  }
0x257: {  	s1 =	ssub.s32 @!p0 $0x0, s1;
	[sflag:s0] =	ssyncset.done @!p0 $0x0  }
0x258: {  	[sflag:s0] =	ssyncadd.s32 @!p0 s1  }
0x259: {  	[bflag:$0x3] =	sbarrier.arrive $0xFFFF  }
0x25a: {  	_ =	shalt  }

</sc_bundles>
